<compile_context>
chip_gen: v7x
topology: tpu7x:2x2x1
jax: 0.10.2.dev20260603
libtpu: 0.0.44.dev20260713+nightly
codegen_flags: <defaults>
</compile_context>

<pallas_src>
import jax
import jax.numpy as jnp
from jax import lax
from jax.experimental import pallas as pl
from jax.experimental.pallas import tpu as pltpu
from jax.experimental.pallas import tpu_sc as plsc

_N = 10000
_E = 160000
_D = 256
_H = 128
_CHUNK = 100
_JCH = 100
_RPT = 640
_NPAD = 10240
_WB = 80


def _sc_agg_kernel(x_lo, x_hi, src3d, dst3d, zrow, zdeg, onesh,
                   agg_lo, agg_hi, deg_out,
                   idx_src, idx_dst, rows, ones_v, dbuf,
                   sga, sgb, ssa, ssb, sd,
                   acc_sh, deg_sh):
    c = lax.axis_index("c")
    s = lax.axis_index("s")

    pltpu.sync_copy(src3d.at[s], idx_src)
    pltpu.sync_copy(dst3d.at[s], idx_dst)

    def run(x_tab, agg_out, with_deg):
        pltpu.sync_copy(zrow, acc_sh.at[pl.ds(s * _RPT, _RPT)])
        if with_deg:
            pltpu.sync_copy(zdeg.at[pl.ds(s * _RPT, _RPT)],
                            deg_sh.at[pl.ds(s * _RPT, _RPT)])
            pltpu.sync_copy(onesh, ones_v)
        plsc.subcore_barrier()

        def gather(j, buf, sem):
            pltpu.async_copy(x_tab.at[idx_src.at[j]], rows.at[buf], sem)

        def gather_wait(j, buf, sem):
            pltpu.make_async_copy(x_tab.at[idx_src.at[j]], rows.at[buf],
                                  sem).wait()

        def scatter_start(j, buf, sem):
            ds = [pltpu.async_copy(rows.at[buf], acc_sh.at[idx_dst.at[j]],
                                   sem, add=True)]
            if with_deg:
                ds.append(pltpu.async_copy(ones_v, deg_sh.at[idx_dst.at[j]],
                                           sd, add=True))
            return ds

        gather(0, 0, sga)
        gather(1, 1, sgb)

        def body(i, carry):
            a = 2 * i
            gather_wait(a, 0, sga)
            da = scatter_start(a, 0, ssa)
            gather_wait(a + 1, 1, sgb)
            db = scatter_start(a + 1, 1, ssb)
            for d in da:
                d.wait()

            @pl.when(a + 2 < _JCH)
            def _():
                gather(a + 2, 0, sga)
            for d in db:
                d.wait()

            @pl.when(a + 3 < _JCH)
            def _():
                gather(a + 3, 1, sgb)
            return carry

        lax.fori_loop(0, _JCH // 2, body, 0)
        if _JCH % 2 == 1:
            gather_wait(_JCH - 1, 0, sga)
            for d in scatter_start(_JCH - 1, 0, ssa):
                d.wait()

        plsc.subcore_barrier()

        pltpu.sync_copy(acc_sh.at[pl.ds(s * _RPT, _WB)],
                        rows.at[0, pl.ds(0, _WB)])
        for k in range(8):
            b = k % 2
            if k < 7:
                r1 = s * _RPT + (k + 1) * _WB
                pltpu.async_copy(acc_sh.at[pl.ds(r1, _WB)],
                                 rows.at[1 - b, pl.ds(0, _WB)], sga)
            r0 = s * _RPT + k * _WB
            pltpu.sync_copy(rows.at[b, pl.ds(0, _WB)],
                            agg_out.at[pl.ds(r0, _WB)])
            if k < 7:
                r1 = s * _RPT + (k + 1) * _WB
                pltpu.make_async_copy(acc_sh.at[pl.ds(r1, _WB)],
                                      rows.at[1 - b, pl.ds(0, _WB)],
                                      sga).wait()
        if with_deg:
            pltpu.sync_copy(deg_sh.at[pl.ds(s * _RPT, _RPT)], dbuf)
            pltpu.sync_copy(dbuf, deg_out.at[pl.ds(s * _RPT, _RPT)])

    @pl.when(c == 0)
    def _():
        run(x_lo, agg_lo, True)

    @pl.when(c == 1)
    def _():
        run(x_hi, agg_hi, False)


_sc_agg = pl.kernel(
    _sc_agg_kernel,
    out_type=[
        jax.ShapeDtypeStruct((_NPAD, _H), jnp.float32),
        jax.ShapeDtypeStruct((_NPAD, _H), jnp.float32),
        jax.ShapeDtypeStruct((_NPAD,), jnp.float32),
    ],
    mesh=plsc.VectorSubcoreMesh(core_axis_name="c", subcore_axis_name="s"),
    compiler_params=pltpu.CompilerParams(use_tc_tiling_on_sc=False),
    scratch_types=[
        pltpu.VMEM((_JCH, _CHUNK), jnp.int32),
        pltpu.VMEM((_JCH, _CHUNK), jnp.int32),
        pltpu.VMEM((2, _CHUNK, _H), jnp.float32),
        pltpu.VMEM((_CHUNK,), jnp.float32),
        pltpu.VMEM((_RPT,), jnp.float32),
        pltpu.SemaphoreType.DMA,
        pltpu.SemaphoreType.DMA,
        pltpu.SemaphoreType.DMA,
        pltpu.SemaphoreType.DMA,
        pltpu.SemaphoreType.DMA,
        pltpu.VMEM_SHARED((_NPAD, _H), jnp.float32),
        pltpu.VMEM_SHARED((_NPAD,), jnp.float32),
    ],
)


_BLK = 2000


def _tc_root_kernel(x_ref, wr_ref, b_ref, o_ref):
    o_ref[...] = lax.dot_general(
        x_ref[...], wr_ref[...], (((1,), (1,)), ((), ())),
        preferred_element_type=jnp.float32) + b_ref[...]


def _tc_root(x, W_r, b_l):
    return pl.pallas_call(
        _tc_root_kernel,
        grid=(_N // _BLK,),
        in_specs=[
            pl.BlockSpec((_BLK, _D), lambda i: (i, 0)),
            pl.BlockSpec((_D, _D), lambda i: (0, 0)),
            pl.BlockSpec((1, _D), lambda i: (0, 0)),
        ],
        out_specs=pl.BlockSpec((_BLK, _D), lambda i: (i, 0)),
        out_shape=jax.ShapeDtypeStruct((_N, _D), jnp.float32),
    )(x, W_r, b_l)


def _tc_combine_kernel(r_ref, alo_ref, ahi_ref, deg_ref, wl_ref, o_ref):
    agg = jnp.concatenate([alo_ref[...], ahi_ref[...]], axis=1)
    deg = jnp.maximum(deg_ref[...], 1.0)
    mean = agg / deg
    h = lax.dot_general(mean, wl_ref[...], (((1,), (1,)), ((), ())),
                        preferred_element_type=jnp.float32)
    h = h + r_ref[...]
    ss = jnp.sum(h * h, axis=1, keepdims=True)
    o_ref[...] = h / jnp.maximum(jnp.sqrt(ss), 1e-12)


def _tc_combine(r, alo, ahi, deg, W_l):
    hspec = pl.BlockSpec((_BLK, _H), lambda i: (i, 0))
    return pl.pallas_call(
        _tc_combine_kernel,
        grid=(_N // _BLK,),
        in_specs=[
            pl.BlockSpec((_BLK, _D), lambda i: (i, 0)),
            hspec, hspec,
            pl.BlockSpec((_BLK, 1), lambda i: (i, 0)),
            pl.BlockSpec((_D, _D), lambda i: (0, 0)),
        ],
        out_specs=pl.BlockSpec((_BLK, _D), lambda i: (i, 0)),
        out_shape=jax.ShapeDtypeStruct((_N, _D), jnp.float32),
    )(r, alo, ahi, deg, W_l)


@jax.jit
def kernel(x, edge_index, W_l, W_r, b_l):
    src = edge_index[0].astype(jnp.int32).reshape(16, _JCH, _CHUNK)
    dst = edge_index[1].astype(jnp.int32).reshape(16, _JCH, _CHUNK)
    x_lo = x[:, :_H]
    x_hi = x[:, _H:]
    zrow = jnp.zeros((_RPT, _H), jnp.float32)
    zdeg = jnp.zeros((_NPAD,), jnp.float32)
    onesh = jnp.ones((_CHUNK,), jnp.float32)
    alo, ahi, deg = _sc_agg(x_lo, x_hi, src, dst, zrow, zdeg, onesh)
    r = _tc_root(x, W_r, b_l.reshape(1, _D))
    return _tc_combine(r, alo, ahi, deg.reshape(_NPAD, 1), W_l)

# --- scband reference (transcript-rebuilt; emitter-appended) ---
"""Pipeline reference for scband-sageconv-19619410608392 (READ-ONLY COPY).

The authoritative reference and input builder live on the scoring server;
editing this copy changes nothing except your own understanding.
"""

import jax, jax.numpy as jnp
import numpy as np

N_NODES = 10000
N_EDGES = 160000
D_IN = 256
D_OUT = 256


def setup_inputs(seed: int = 0) -> dict:
    key = jax.random.key(seed)
    k_x, k_ei, k_wl, k_wr, k_b = jax.random.split(key, 5)
    x = jax.random.normal(k_x, (N_NODES, D_IN), dtype=jnp.float32)
    edge_index = jax.random.randint(k_ei, (2, N_EDGES), 0, N_NODES, dtype=jnp.int64)
    # PyG SAGEConv params: lin_l (neighbor transform, has bias), lin_r (root transform, no bias)
    bound = 1.0 / np.sqrt(D_IN)
    W_l = jax.random.uniform(k_wl, (D_OUT, D_IN), minval=-bound, maxval=bound, dtype=jnp.float32)
    W_r = jax.random.uniform(k_wr, (D_OUT, D_IN), minval=-bound, maxval=bound, dtype=jnp.float32)
    b_l = jax.random.uniform(k_b, (D_OUT,), minval=-bound, maxval=bound, dtype=jnp.float32)
    return {"x": x, "edge_index": edge_index, "W_l": W_l, "W_r": W_r, "b_l": b_l}


def reference(x, edge_index, W_l, W_r, b_l):
    # GraphSAGE with mean aggregation (PyG SAGEConv default), normalize=True.
    src = edge_index[0]
    dst = edge_index[1]
    n = x.shape[0]
    # gather source node features along edges
    msg = jnp.take(x, src, axis=0)  # [E, D_IN]
    # mean aggregation at destination nodes via scatter-add
    agg_sum = jax.ops.segment_sum(msg, dst, num_segments=n)  # [N, D_IN]
    deg = jax.ops.segment_sum(jnp.ones((msg.shape[0],), dtype=x.dtype), dst, num_segments=n)
    deg = jnp.clip(deg, 1.0, None)
    agg_mean = agg_sum / deg[:, None]
    # out = lin_l(agg_mean) + lin_r(x)
    out = agg_mean @ W_l.T + b_l + x @ W_r.T
    # F.normalize(out, p=2, dim=-1)
    norm = jnp.linalg.norm(out, ord=2, axis=-1, keepdims=True)
    out = out / jnp.maximum(norm, 1e-12)
    return out

if __name__ == "__main__":
    import jax
    _d = setup_inputs()
    print(jax.jit(kernel)(*tuple(_d.values())))

</pallas_src>

<mosaic_0001>
#map = affine_map<(d0, d1) -> (0, 0)>
#map1 = affine_map<(d0, d1) -> (0, 0, 0)>
#map2 = affine_map<(d0, d1) -> (0)>
module attributes {stable_mosaic.version = 14 : i64} {
  func.func @_sc_agg_kernel(%arg0: i32, %arg1: i32, %arg2: memref<10000x128xf32, #tpu.memory_space<hbm>>, %arg3: memref<10000x128xf32, #tpu.memory_space<hbm>>, %arg4: memref<16x100x100xi32, #tpu.memory_space<hbm>>, %arg5: memref<16x100x100xi32, #tpu.memory_space<hbm>>, %arg6: memref<640x128xf32, #tpu.memory_space<hbm>>, %arg7: memref<10240xf32, #tpu.memory_space<hbm>>, %arg8: memref<100xf32, #tpu.memory_space<hbm>>, %arg9: memref<10240x128xf32, #tpu.memory_space<hbm>>, %arg10: memref<10240x128xf32, #tpu.memory_space<hbm>>, %arg11: memref<10240xf32, #tpu.memory_space<hbm>>, %arg12: memref<100x100xi32, #tpu.memory_space<vmem>>, %arg13: memref<100x100xi32, #tpu.memory_space<vmem>>, %arg14: memref<2x100x128xf32, #tpu.memory_space<vmem>>, %arg15: memref<100xf32, #tpu.memory_space<vmem>>, %arg16: memref<640xf32, #tpu.memory_space<vmem>>, %arg17: memref<!tpu.dma_semaphore, #tpu.memory_space<semaphore_mem>>, %arg18: memref<!tpu.dma_semaphore, #tpu.memory_space<semaphore_mem>>, %arg19: memref<!tpu.dma_semaphore, #tpu.memory_space<semaphore_mem>>, %arg20: memref<!tpu.dma_semaphore, #tpu.memory_space<semaphore_mem>>, %arg21: memref<!tpu.dma_semaphore, #tpu.memory_space<semaphore_mem>>, %arg22: memref<10240x128xf32, #tpu.memory_space<vmem_shared>>, %arg23: memref<10240xf32, #tpu.memory_space<vmem_shared>>) attributes {dimension_semantics = [#tpu.dimension_semantics<core_parallel>, #tpu.dimension_semantics<subcore_parallel>], iteration_bounds = array<i64: 2, 16>, scalar_prefetch = 0 : i64, scratch_operands = 12 : i64, tpu.core_type = #tpu.core_type<sc_vector_subcore>, window_params = [{transform_indices = #map}, {transform_indices = #map}, {transform_indices = #map1}, {transform_indices = #map1}, {transform_indices = #map}, {transform_indices = #map2}, {transform_indices = #map2}, {transform_indices = #map}, {transform_indices = #map}, {transform_indices = #map2}]} {
    "tpu.region"() ({
      %run_scoped3A = tpu.sem_alloc : memref<!tpu.dma_semaphore, #tpu.memory_space<semaphore_mem>>
      %dma_start3A = arith.constant 0 : i32
      %dma_start3A_7 = arith.constant 0 : i32
      %dma_start3A_8 = tpu.memref_slice %arg4[%arg1, %dma_start3A, %dma_start3A_7] : memref<16x100x100xi32, #tpu.memory_space<hbm>> -> memref<1x100x100xi32, #tpu.memory_space<hbm>>
      %dma_start3A_9 = tpu.memref_squeeze %dma_start3A_8 : memref<1x100x100xi32, #tpu.memory_space<hbm>> -> memref<100x100xi32, #tpu.memory_space<hbm>>
      %dma_start3A_10 = arith.constant 0 : i32
      %dma_start3A_11 = arith.constant 0 : i32
      %dma_start3A_12 = tpu.memref_slice %arg4[%arg1, %dma_start3A_10, %dma_start3A_11] : memref<16x100x100xi32, #tpu.memory_space<hbm>> -> memref<1x100x100xi32, #tpu.memory_space<hbm>>
      %dma_start3A_13 = tpu.memref_squeeze %dma_start3A_12 : memref<1x100x100xi32, #tpu.memory_space<hbm>> -> memref<100x100xi32, #tpu.memory_space<hbm>>
      tpu.enqueue_dma source(%dma_start3A_13 : memref<100x100xi32, #tpu.memory_space<hbm>>) target(%arg12 : memref<100x100xi32, #tpu.memory_space<vmem>>) target_semaphore(%run_scoped3A : memref<!tpu.dma_semaphore, #tpu.memory_space<semaphore_mem>>)
      %dma_wait3A = arith.constant 0 : i32
      %dma_wait3A_14 = arith.constant 0 : i32
      %dma_wait3A_15 = tpu.memref_slice %arg4[%arg1, %dma_wait3A, %dma_wait3A_14] : memref<16x100x100xi32, #tpu.memory_space<hbm>> -> memref<1x100x100xi32, #tpu.memory_space<hbm>>
      %dma_wait3A_16 = tpu.memref_squeeze %dma_wait3A_15 : memref<1x100x100xi32, #tpu.memory_space<hbm>> -> memref<100x100xi32, #tpu.memory_space<hbm>>
      %dma_wait3A_17 = arith.constant 0 : i32
      %dma_wait3A_18 = arith.constant 0 : i32
      %dma_wait3A_19 = tpu.memref_slice %arg4[%arg1, %dma_wait3A_17, %dma_wait3A_18] : memref<16x100x100xi32, #tpu.memory_space<hbm>> -> memref<1x100x100xi32, #tpu.memory_space<hbm>>
      %dma_wait3A_20 = tpu.memref_squeeze %dma_wait3A_19 : memref<1x100x100xi32, #tpu.memory_space<hbm>> -> memref<100x100xi32, #tpu.memory_space<hbm>>
      tpu.wait_dma2 semaphore(%run_scoped3A : memref<!tpu.dma_semaphore, #tpu.memory_space<semaphore_mem>>) src(%dma_wait3A_20 : memref<100x100xi32, #tpu.memory_space<hbm>>) dst(%arg12 : memref<100x100xi32, #tpu.memory_space<vmem>>)
      tpu.yield
    }) : () -> ()
    "tpu.region"() ({
      %run_scoped3A = tpu.sem_alloc : memref<!tpu.dma_semaphore, #tpu.memory_space<semaphore_mem>>
      %dma_start3A = arith.constant 0 : i32
      %dma_start3A_7 = arith.constant 0 : i32
      %dma_start3A_8 = tpu.memref_slice %arg5[%arg1, %dma_start3A, %dma_start3A_7] : memref<16x100x100xi32, #tpu.memory_space<hbm>> -> memref<1x100x100xi32, #tpu.memory_space<hbm>>
      %dma_start3A_9 = tpu.memref_squeeze %dma_start3A_8 : memref<1x100x100xi32, #tpu.memory_space<hbm>> -> memref<100x100xi32, #tpu.memory_space<hbm>>
      %dma_start3A_10 = arith.constant 0 : i32
      %dma_start3A_11 = arith.constant 0 : i32
      %dma_start3A_12 = tpu.memref_slice %arg5[%arg1, %dma_start3A_10, %dma_start3A_11] : memref<16x100x100xi32, #tpu.memory_space<hbm>> -> memref<1x100x100xi32, #tpu.memory_space<hbm>>
      %dma_start3A_13 = tpu.memref_squeeze %dma_start3A_12 : memref<1x100x100xi32, #tpu.memory_space<hbm>> -> memref<100x100xi32, #tpu.memory_space<hbm>>
      tpu.enqueue_dma source(%dma_start3A_13 : memref<100x100xi32, #tpu.memory_space<hbm>>) target(%arg13 : memref<100x100xi32, #tpu.memory_space<vmem>>) target_semaphore(%run_scoped3A : memref<!tpu.dma_semaphore, #tpu.memory_space<semaphore_mem>>)
      %dma_wait3A = arith.constant 0 : i32
      %dma_wait3A_14 = arith.constant 0 : i32
      %dma_wait3A_15 = tpu.memref_slice %arg5[%arg1, %dma_wait3A, %dma_wait3A_14] : memref<16x100x100xi32, #tpu.memory_space<hbm>> -> memref<1x100x100xi32, #tpu.memory_space<hbm>>
      %dma_wait3A_16 = tpu.memref_squeeze %dma_wait3A_15 : memref<1x100x100xi32, #tpu.memory_space<hbm>> -> memref<100x100xi32, #tpu.memory_space<hbm>>
      %dma_wait3A_17 = arith.constant 0 : i32
      %dma_wait3A_18 = arith.constant 0 : i32
      %dma_wait3A_19 = tpu.memref_slice %arg5[%arg1, %dma_wait3A_17, %dma_wait3A_18] : memref<16x100x100xi32, #tpu.memory_space<hbm>> -> memref<1x100x100xi32, #tpu.memory_space<hbm>>
      %dma_wait3A_20 = tpu.memref_squeeze %dma_wait3A_19 : memref<1x100x100xi32, #tpu.memory_space<hbm>> -> memref<100x100xi32, #tpu.memory_space<hbm>>
      tpu.wait_dma2 semaphore(%run_scoped3A : memref<!tpu.dma_semaphore, #tpu.memory_space<semaphore_mem>>) src(%dma_wait3A_20 : memref<100x100xi32, #tpu.memory_space<hbm>>) dst(%arg13 : memref<100x100xi32, #tpu.memory_space<vmem>>)
      tpu.yield
    }) : () -> ()
    %eq3A = arith.constant 0 : i32
    %eq3A_0 = arith.cmpi eq, %arg0, %eq3A : i32
    %convert_element_type3A = arith.extui %eq3A_0 : i1 to i32
    %cond3A = arith.constant 0 : i32
    %cond3A_1 = arith.cmpi ne, %convert_element_type3A, %cond3A : i32
    scf.if %cond3A_1 {
      %mul3A = arith.constant 640 : i32
      %mul3A_7 = arith.muli %arg1, %mul3A : i32
      "tpu.region"() ({
        %run_scoped3A_323 = tpu.sem_alloc : memref<!tpu.dma_semaphore, #tpu.memory_space<semaphore_mem>>
        %dma_start3A_324 = arith.constant 0 : i32
        %dma_start3A_325 = tpu.memref_slice %arg22[%mul3A_7, %dma_start3A_324] : memref<10240x128xf32, #tpu.memory_space<vmem_shared>> -> memref<640x128xf32, #tpu.memory_space<vmem_shared>>
        tpu.enqueue_dma source(%arg6 : memref<640x128xf32, #tpu.memory_space<hbm>>) target(%dma_start3A_325 : memref<640x128xf32, #tpu.memory_space<vmem_shared>>) target_semaphore(%run_scoped3A_323 : memref<!tpu.dma_semaphore, #tpu.memory_space<semaphore_mem>>)
        %dma_wait3A_326 = arith.constant 0 : i32
        %dma_wait3A_327 = tpu.memref_slice %arg22[%mul3A_7, %dma_wait3A_326] : memref<10240x128xf32, #tpu.memory_space<vmem_shared>> -> memref<640x128xf32, #tpu.memory_space<vmem_shared>>
        tpu.wait_dma2 semaphore(%run_scoped3A_323 : memref<!tpu.dma_semaphore, #tpu.memory_space<semaphore_mem>>) src(%arg6 : memref<640x128xf32, #tpu.memory_space<hbm>>) dst(%dma_wait3A_327 : memref<640x128xf32, #tpu.memory_space<vmem_shared>>)
        tpu.yield
      }) : () -> ()
      %mul3A_8 = arith.constant 640 : i32
      %mul3A_9 = arith.muli %arg1, %mul3A_8 : i32
      %mul3A_10 = arith.constant 640 : i32
      %mul3A_11 = arith.muli %arg1, %mul3A_10 : i32
      "tpu.region"() ({
        %run_scoped3A_323 = tpu.sem_alloc : memref<!tpu.dma_semaphore, #tpu.memory_space<semaphore_mem>>
        %dma_start3A_324 = tpu.memref_slice %arg23[%mul3A_11] : memref<10240xf32, #tpu.memory_space<vmem_shared>> -> memref<640xf32, #tpu.memory_space<vmem_shared>>
        %dma_start3A_325 = tpu.memref_slice %arg7[%mul3A_9] : memref<10240xf32, #tpu.memory_space<hbm>> -> memref<640xf32, #tpu.memory_space<hbm>>
        tpu.enqueue_dma source(%dma_start3A_325 : memref<640xf32, #tpu.memory_space<hbm>>) target(%dma_start3A_324 : memref<640xf32, #tpu.memory_space<vmem_shared>>) target_semaphore(%run_scoped3A_323 : memref<!tpu.dma_semaphore, #tpu.memory_space<semaphore_mem>>)
        %dma_wait3A_326 = tpu.memref_slice %arg23[%mul3A_11] : memref<10240xf32, #tpu.memory_space<vmem_shared>> -> memref<640xf32, #tpu.memory_space<vmem_shared>>
        %dma_wait3A_327 = tpu.memref_slice %arg7[%mul3A_9] : memref<10240xf32, #tpu.memory_space<hbm>> -> memref<640xf32, #tpu.memory_space<hbm>>
        tpu.wait_dma2 semaphore(%run_scoped3A_323 : memref<!tpu.dma_semaphore, #tpu.memory_space<semaphore_mem>>) src(%dma_wait3A_327 : memref<640xf32, #tpu.memory_space<hbm>>) dst(%dma_wait3A_326 : memref<640xf32, #tpu.memory_space<vmem_shared>>)
        tpu.yield
      }) : () -> ()
      "tpu.region"() ({
        %run_scoped3A_323 = tpu.sem_alloc : memref<!tpu.dma_semaphore, #tpu.memory_space<semaphore_mem>>
        tpu.enqueue_dma source(%arg8 : memref<100xf32, #tpu.memory_space<hbm>>) target(%arg15 : memref<100xf32, #tpu.memory_space<vmem>>) target_semaphore(%run_scoped3A_323 : memref<!tpu.dma_semaphore, #tpu.memory_space<semaphore_mem>>)
        tpu.wait_dma2 semaphore(%run_scoped3A_323 : memref<!tpu.dma_semaphore, #tpu.memory_space<semaphore_mem>>) src(%arg8 : memref<100xf32, #tpu.memory_space<hbm>>) dst(%arg15 : memref<100xf32, #tpu.memory_space<vmem>>)
        tpu.yield
      }) : () -> ()
      %barrier3A = arith.constant 0 : index
      tpu.barrier barrier_id(%barrier3A)
      %dma_start3A = arith.constant 0 : i32
      %dma_start3A_12 = arith.constant 0 : i32
      %dma_start3A_13 = arith.constant 0 : i32
      %dma_start3A_14 = arith.constant 0 : i32
      %dma_start3A_15 = tpu.memref_slice %arg14[%dma_start3A_12, %dma_start3A_13, %dma_start3A_14] : memref<2x100x128xf32, #tpu.memory_space<vmem>> -> memref<1x100x128xf32, #tpu.memory_space<vmem>>
      %dma_start3A_16 = tpu.memref_squeeze %dma_start3A_15 : memref<1x100x128xf32, #tpu.memory_space<vmem>> -> memref<100x128xf32, #tpu.memory_space<vmem>>
      %dma_start3A_17 = arith.constant 0 : i32
      %dma_start3A_18 = tpu.memref_slice %arg12[%dma_start3A, %dma_start3A_17] : memref<100x100xi32, #tpu.memory_space<vmem>> -> memref<1x100xi32, #tpu.memory_space<vmem>>
      %dma_start3A_19 = tpu.memref_squeeze %dma_start3A_18 : memref<1x100xi32, #tpu.memory_space<vmem>> -> memref<100xi32, #tpu.memory_space<vmem>>
      %dma_start3A_20 = arith.constant 0 : i32
      %dma_start3A_21 = arith.constant 0 : i32
      %dma_start3A_22 = tpu.memref_slice %arg2[%dma_start3A_20, %dma_start3A_21] : memref<10000x128xf32, #tpu.memory_space<hbm>> -> memref<10000x128xf32, #tpu.memory_space<hbm>>
      tpu.enqueue_indirect_dma source(%dma_start3A_22 : memref<10000x128xf32, #tpu.memory_space<hbm>>) target(%dma_start3A_16 : memref<100x128xf32, #tpu.memory_space<vmem>>) offsets(%dma_start3A_19 : memref<100xi32, #tpu.memory_space<vmem>>) semaphore(%arg17 : memref<!tpu.dma_semaphore, #tpu.memory_space<semaphore_mem>>)
      %dma_start3A_23 = arith.constant 1 : i32
      %dma_start3A_24 = arith.constant 1 : i32
      %dma_start3A_25 = arith.constant 0 : i32
      %dma_start3A_26 = arith.constant 0 : i32
      %dma_start3A_27 = tpu.memref_slice %arg14[%dma_start3A_24, %dma_start3A_25, %dma_start3A_26] : memref<2x100x128xf32, #tpu.memory_space<vmem>> -> memref<1x100x128xf32, #tpu.memory_space<vmem>>
      %dma_start3A_28 = tpu.memref_squeeze %dma_start3A_27 : memref<1x100x128xf32, #tpu.memory_space<vmem>> -> memref<100x128xf32, #tpu.memory_space<vmem>>
      %dma_start3A_29 = arith.constant 0 : i32
      %dma_start3A_30 = tpu.memref_slice %arg12[%dma_start3A_23, %dma_start3A_29] : memref<100x100xi32, #tpu.memory_space<vmem>> -> memref<1x100xi32, #tpu.memory_space<vmem>>
      %dma_start3A_31 = tpu.memref_squeeze %dma_start3A_30 : memref<1x100xi32, #tpu.memory_space<vmem>> -> memref<100xi32, #tpu.memory_space<vmem>>
      %dma_start3A_32 = arith.constant 0 : i32
      %dma_start3A_33 = arith.constant 0 : i32
      %dma_start3A_34 = tpu.memref_slice %arg2[%dma_start3A_32, %dma_start3A_33] : memref<10000x128xf32, #tpu.memory_space<hbm>> -> memref<10000x128xf32, #tpu.memory_space<hbm>>
      tpu.enqueue_indirect_dma source(%dma_start3A_34 : memref<10000x128xf32, #tpu.memory_space<hbm>>) target(%dma_start3A_28 : memref<100x128xf32, #tpu.memory_space<vmem>>) offsets(%dma_start3A_31 : memref<100xi32, #tpu.memory_space<vmem>>) semaphore(%arg18 : memref<!tpu.dma_semaphore, #tpu.memory_space<semaphore_mem>>)
      %scan3A = arith.constant 0 : i32
      %scan3A_35 = arith.constant 0 : i32
      %scan3A_36 = arith.constant 50 : i32
      %scan3A_37 = arith.addi %scan3A_35, %scan3A_36 : i32
      %scan3A_38 = arith.constant 1 : i32
      scf.for %scan3A_323 = %scan3A_35 to %scan3A_37 step %scan3A_38  : i32 {
        %mul3A_324 = arith.constant 2 : i32
        %mul3A_325 = arith.muli %mul3A_324, %scan3A_323 : i32
        %dma_wait3A_326 = arith.constant 0 : i32
        %dma_wait3A_327 = arith.constant 0 : i32
        %dma_wait3A_328 = arith.constant 0 : i32
        %dma_wait3A_329 = tpu.memref_slice %arg14[%dma_wait3A_326, %dma_wait3A_327, %dma_wait3A_328] : memref<2x100x128xf32, #tpu.memory_space<vmem>> -> memref<1x100x128xf32, #tpu.memory_space<vmem>>
        %dma_wait3A_330 = tpu.memref_squeeze %dma_wait3A_329 : memref<1x100x128xf32, #tpu.memory_space<vmem>> -> memref<100x128xf32, #tpu.memory_space<vmem>>
        %dma_wait3A_331 = arith.constant 0 : i32
        %dma_wait3A_332 = tpu.memref_slice %arg12[%mul3A_325, %dma_wait3A_331] : memref<100x100xi32, #tpu.memory_space<vmem>> -> memref<1x100xi32, #tpu.memory_space<vmem>>
        %dma_wait3A_333 = tpu.memref_squeeze %dma_wait3A_332 : memref<1x100xi32, #tpu.memory_space<vmem>> -> memref<100xi32, #tpu.memory_space<vmem>>
        %dma_wait3A_334 = arith.constant 0 : i32
        %dma_wait3A_335 = arith.constant 0 : i32
        %dma_wait3A_336 = tpu.memref_slice %arg2[%dma_wait3A_334, %dma_wait3A_335] : memref<10000x128xf32, #tpu.memory_space<hbm>> -> memref<10000x128xf32, #tpu.memory_space<hbm>>
        tpu.wait_indirect_dma semaphore(%arg17 : memref<!tpu.dma_semaphore, #tpu.memory_space<semaphore_mem>>) src(%dma_wait3A_336 : memref<10000x128xf32, #tpu.memory_space<hbm>>) dst(%dma_wait3A_330 : memref<100x128xf32, #tpu.memory_space<vmem>>)
        %dma_start3A_337 = arith.constant 0 : i32
        %dma_start3A_338 = arith.constant 0 : i32
        %dma_start3A_339 = arith.constant 0 : i32
        %dma_start3A_340 = tpu.memref_slice %arg14[%dma_start3A_337, %dma_start3A_338, %dma_start3A_339] : memref<2x100x128xf32, #tpu.memory_space<vmem>> -> memref<1x100x128xf32, #tpu.memory_space<vmem>>
        %dma_start3A_341 = tpu.memref_squeeze %dma_start3A_340 : memref<1x100x128xf32, #tpu.memory_space<vmem>> -> memref<100x128xf32, #tpu.memory_space<vmem>>
        %dma_start3A_342 = arith.constant 0 : i32
        %dma_start3A_343 = tpu.memref_slice %arg13[%mul3A_325, %dma_start3A_342] : memref<100x100xi32, #tpu.memory_space<vmem>> -> memref<1x100xi32, #tpu.memory_space<vmem>>
        %dma_start3A_344 = tpu.memref_squeeze %dma_start3A_343 : memref<1x100xi32, #tpu.memory_space<vmem>> -> memref<100xi32, #tpu.memory_space<vmem>>
        %dma_start3A_345 = arith.constant 0 : i32
        %dma_start3A_346 = arith.constant 0 : i32
        %dma_start3A_347 = tpu.memref_slice %arg22[%dma_start3A_345, %dma_start3A_346] : memref<10240x128xf32, #tpu.memory_space<vmem_shared>> -> memref<10240x128xf32, #tpu.memory_space<vmem_shared>>
        tpu.enqueue_indirect_dma source(%dma_start3A_341 : memref<100x128xf32, #tpu.memory_space<vmem>>) target(%dma_start3A_347 : memref<10240x128xf32, #tpu.memory_space<vmem_shared>>) offsets(%dma_start3A_344 : memref<100xi32, #tpu.memory_space<vmem>>) semaphore(%arg19 : memref<!tpu.dma_semaphore, #tpu.memory_space<semaphore_mem>>) {add = true}
        %dma_start3A_348 = arith.constant 0 : i32
        %dma_start3A_349 = tpu.memref_slice %arg13[%mul3A_325, %dma_start3A_348] : memref<100x100xi32, #tpu.memory_space<vmem>> -> memref<1x100xi32, #tpu.memory_space<vmem>>
        %dma_start3A_350 = tpu.memref_squeeze %dma_start3A_349 : memref<1x100xi32, #tpu.memory_space<vmem>> -> memref<100xi32, #tpu.memory_space<vmem>>
        %dma_start3A_351 = arith.constant 0 : i32
        %dma_start3A_352 = tpu.memref_slice %arg23[%dma_start3A_351] : memref<10240xf32, #tpu.memory_space<vmem_shared>> -> memref<10240xf32, #tpu.memory_space<vmem_shared>>
        tpu.enqueue_indirect_dma source(%arg15 : memref<100xf32, #tpu.memory_space<vmem>>) target(%dma_start3A_352 : memref<10240xf32, #tpu.memory_space<vmem_shared>>) offsets(%dma_start3A_350 : memref<100xi32, #tpu.memory_space<vmem>>) semaphore(%arg21 : memref<!tpu.dma_semaphore, #tpu.memory_space<semaphore_mem>>) {add = true}
        %add3A_353 = arith.constant 1 : i32
        %add3A_354 = arith.addi %mul3A_325, %add3A_353 : i32
        %dma_wait3A_355 = arith.constant 1 : i32
        %dma_wait3A_356 = arith.constant 0 : i32
        %dma_wait3A_357 = arith.constant 0 : i32
        %dma_wait3A_358 = tpu.memref_slice %arg14[%dma_wait3A_355, %dma_wait3A_356, %dma_wait3A_357] : memref<2x100x128xf32, #tpu.memory_space<vmem>> -> memref<1x100x128xf32, #tpu.memory_space<vmem>>
        %dma_wait3A_359 = tpu.memref_squeeze %dma_wait3A_358 : memref<1x100x128xf32, #tpu.memory_space<vmem>> -> memref<100x128xf32, #tpu.memory_space<vmem>>
        %dma_wait3A_360 = arith.constant 0 : i32
        %dma_wait3A_361 = tpu.memref_slice %arg12[%add3A_354, %dma_wait3A_360] : memref<100x100xi32, #tpu.memory_space<vmem>> -> memref<1x100xi32, #tpu.memory_space<vmem>>
        %dma_wait3A_362 = tpu.memref_squeeze %dma_wait3A_361 : memref<1x100xi32, #tpu.memory_space<vmem>> -> memref<100xi32, #tpu.memory_space<vmem>>
        %dma_wait3A_363 = arith.constant 0 : i32
        %dma_wait3A_364 = arith.constant 0 : i32
        %dma_wait3A_365 = tpu.memref_slice %arg2[%dma_wait3A_363, %dma_wait3A_364] : memref<10000x128xf32, #tpu.memory_space<hbm>> -> memref<10000x128xf32, #tpu.memory_space<hbm>>
        tpu.wait_indirect_dma semaphore(%arg18 : memref<!tpu.dma_semaphore, #tpu.memory_space<semaphore_mem>>) src(%dma_wait3A_365 : memref<10000x128xf32, #tpu.memory_space<hbm>>) dst(%dma_wait3A_359 : memref<100x128xf32, #tpu.memory_space<vmem>>)
        %add3A_366 = arith.constant 1 : i32
        %add3A_367 = arith.addi %mul3A_325, %add3A_366 : i32
        %dma_start3A_368 = arith.constant 1 : i32
        %dma_start3A_369 = arith.constant 0 : i32
        %dma_start3A_370 = arith.constant 0 : i32
        %dma_start3A_371 = tpu.memref_slice %arg14[%dma_start3A_368, %dma_start3A_369, %dma_start3A_370] : memref<2x100x128xf32, #tpu.memory_space<vmem>> -> memref<1x100x128xf32, #tpu.memory_space<vmem>>
        %dma_start3A_372 = tpu.memref_squeeze %dma_start3A_371 : memref<1x100x128xf32, #tpu.memory_space<vmem>> -> memref<100x128xf32, #tpu.memory_space<vmem>>
        %dma_start3A_373 = arith.constant 0 : i32
        %dma_start3A_374 = tpu.memref_slice %arg13[%add3A_367, %dma_start3A_373] : memref<100x100xi32, #tpu.memory_space<vmem>> -> memref<1x100xi32, #tpu.memory_space<vmem>>
        %dma_start3A_375 = tpu.memref_squeeze %dma_start3A_374 : memref<1x100xi32, #tpu.memory_space<vmem>> -> memref<100xi32, #tpu.memory_space<vmem>>
        %dma_start3A_376 = arith.constant 0 : i32
        %dma_start3A_377 = arith.constant 0 : i32
        %dma_start3A_378 = tpu.memref_slice %arg22[%dma_start3A_376, %dma_start3A_377] : memref<10240x128xf32, #tpu.memory_space<vmem_shared>> -> memref<10240x128xf32, #tpu.memory_space<vmem_shared>>
        tpu.enqueue_indirect_dma source(%dma_start3A_372 : memref<100x128xf32, #tpu.memory_space<vmem>>) target(%dma_start3A_378 : memref<10240x128xf32, #tpu.memory_space<vmem_shared>>) offsets(%dma_start3A_375 : memref<100xi32, #tpu.memory_space<vmem>>) semaphore(%arg20 : memref<!tpu.dma_semaphore, #tpu.memory_space<semaphore_mem>>) {add = true}
        %dma_start3A_379 = arith.constant 0 : i32
        %dma_start3A_380 = tpu.memref_slice %arg13[%add3A_367, %dma_start3A_379] : memref<100x100xi32, #tpu.memory_space<vmem>> -> memref<1x100xi32, #tpu.memory_space<vmem>>
        %dma_start3A_381 = tpu.memref_squeeze %dma_start3A_380 : memref<1x100xi32, #tpu.memory_space<vmem>> -> memref<100xi32, #tpu.memory_space<vmem>>
        %dma_start3A_382 = arith.constant 0 : i32
        %dma_start3A_383 = tpu.memref_slice %arg23[%dma_start3A_382] : memref<10240xf32, #tpu.memory_space<vmem_shared>> -> memref<10240xf32, #tpu.memory_space<vmem_shared>>
        tpu.enqueue_indirect_dma source(%arg15 : memref<100xf32, #tpu.memory_space<vmem>>) target(%dma_start3A_383 : memref<10240xf32, #tpu.memory_space<vmem_shared>>) offsets(%dma_start3A_381 : memref<100xi32, #tpu.memory_space<vmem>>) semaphore(%arg21 : memref<!tpu.dma_semaphore, #tpu.memory_space<semaphore_mem>>) {add = true}
        %dma_wait3A_384 = arith.constant 0 : i32
        %dma_wait3A_385 = arith.constant 0 : i32
        %dma_wait3A_386 = arith.constant 0 : i32
        %dma_wait3A_387 = tpu.memref_slice %arg14[%dma_wait3A_384, %dma_wait3A_385, %dma_wait3A_386] : memref<2x100x128xf32, #tpu.memory_space<vmem>> -> memref<1x100x128xf32, #tpu.memory_space<vmem>>
        %dma_wait3A_388 = tpu.memref_squeeze %dma_wait3A_387 : memref<1x100x128xf32, #tpu.memory_space<vmem>> -> memref<100x128xf32, #tpu.memory_space<vmem>>
        %dma_wait3A_389 = arith.constant 0 : i32
        %dma_wait3A_390 = tpu.memref_slice %arg13[%mul3A_325, %dma_wait3A_389] : memref<100x100xi32, #tpu.memory_space<vmem>> -> memref<1x100xi32, #tpu.memory_space<vmem>>
        %dma_wait3A_391 = tpu.memref_squeeze %dma_wait3A_390 : memref<1x100xi32, #tpu.memory_space<vmem>> -> memref<100xi32, #tpu.memory_space<vmem>>
        %dma_wait3A_392 = arith.constant 0 : i32
        %dma_wait3A_393 = arith.constant 0 : i32
        %dma_wait3A_394 = tpu.memref_slice %arg22[%dma_wait3A_392, %dma_wait3A_393] : memref<10240x128xf32, #tpu.memory_space<vmem_shared>> -> memref<10240x128xf32, #tpu.memory_space<vmem_shared>>
        tpu.wait_indirect_dma semaphore(%arg19 : memref<!tpu.dma_semaphore, #tpu.memory_space<semaphore_mem>>) src(%dma_wait3A_388 : memref<100x128xf32, #tpu.memory_space<vmem>>) dst(%dma_wait3A_394 : memref<10240x128xf32, #tpu.memory_space<vmem_shared>>)
        %dma_wait3A_395 = arith.constant 0 : i32
        %dma_wait3A_396 = tpu.memref_slice %arg13[%mul3A_325, %dma_wait3A_395] : memref<100x100xi32, #tpu.memory_space<vmem>> -> memref<1x100xi32, #tpu.memory_space<vmem>>
        %dma_wait3A_397 = tpu.memref_squeeze %dma_wait3A_396 : memref<1x100xi32, #tpu.memory_space<vmem>> -> memref<100xi32, #tpu.memory_space<vmem>>
        %dma_wait3A_398 = arith.constant 0 : i32
        %dma_wait3A_399 = tpu.memref_slice %arg23[%dma_wait3A_398] : memref<10240xf32, #tpu.memory_space<vmem_shared>> -> memref<10240xf32, #tpu.memory_space<vmem_shared>>
        tpu.wait_indirect_dma semaphore(%arg21 : memref<!tpu.dma_semaphore, #tpu.memory_space<semaphore_mem>>) src(%arg15 : memref<100xf32, #tpu.memory_space<vmem>>) dst(%dma_wait3A_399 : memref<10240xf32, #tpu.memory_space<vmem_shared>>)
        %add3A_400 = arith.constant 2 : i32
        %add3A_401 = arith.addi %mul3A_325, %add3A_400 : i32
        %lt3A = arith.constant 100 : i32
        %lt3A_402 = arith.cmpi slt, %add3A_401, %lt3A : i32
        %convert_element_type3A_403 = arith.extui %lt3A_402 : i1 to i32
        %cond3A_404 = arith.constant 0 : i32
        %cond3A_405 = arith.cmpi ne, %convert_element_type3A_403, %cond3A_404 : i32
        scf.if %cond3A_405 {
          %add3A_429 = arith.constant 2 : i32
          %add3A_430 = arith.addi %mul3A_325, %add3A_429 : i32
          %dma_start3A_431 = arith.constant 0 : i32
          %dma_start3A_432 = arith.constant 0 : i32
          %dma_start3A_433 = arith.constant 0 : i32
          %dma_start3A_434 = tpu.memref_slice %arg14[%dma_start3A_431, %dma_start3A_432, %dma_start3A_433] : memref<2x100x128xf32, #tpu.memory_space<vmem>> -> memref<1x100x128xf32, #tpu.memory_space<vmem>>
          %dma_start3A_435 = tpu.memref_squeeze %dma_start3A_434 : memref<1x100x128xf32, #tpu.memory_space<vmem>> -> memref<100x128xf32, #tpu.memory_space<vmem>>
          %dma_start3A_436 = arith.constant 0 : i32
          %dma_start3A_437 = tpu.memref_slice %arg12[%add3A_430, %dma_start3A_436] : memref<100x100xi32, #tpu.memory_space<vmem>> -> memref<1x100xi32, #tpu.memory_space<vmem>>
          %dma_start3A_438 = tpu.memref_squeeze %dma_start3A_437 : memref<1x100xi32, #tpu.memory_space<vmem>> -> memref<100xi32, #tpu.memory_space<vmem>>
          %dma_start3A_439 = arith.constant 0 : i32
          %dma_start3A_440 = arith.constant 0 : i32
          %dma_start3A_441 = tpu.memref_slice %arg2[%dma_start3A_439, %dma_start3A_440] : memref<10000x128xf32, #tpu.memory_space<hbm>> -> memref<10000x128xf32, #tpu.memory_space<hbm>>
          tpu.enqueue_indirect_dma source(%dma_start3A_441 : memref<10000x128xf32, #tpu.memory_space<hbm>>) target(%dma_start3A_435 : memref<100x128xf32, #tpu.memory_space<vmem>>) offsets(%dma_start3A_438 : memref<100xi32, #tpu.memory_space<vmem>>) semaphore(%arg17 : memref<!tpu.dma_semaphore, #tpu.memory_space<semaphore_mem>>)
        } else {
        }
        %dma_wait3A_406 = arith.constant 1 : i32
        %dma_wait3A_407 = arith.constant 0 : i32
        %dma_wait3A_408 = arith.constant 0 : i32
        %dma_wait3A_409 = tpu.memref_slice %arg14[%dma_wait3A_406, %dma_wait3A_407, %dma_wait3A_408] : memref<2x100x128xf32, #tpu.memory_space<vmem>> -> memref<1x100x128xf32, #tpu.memory_space<vmem>>
        %dma_wait3A_410 = tpu.memref_squeeze %dma_wait3A_409 : memref<1x100x128xf32, #tpu.memory_space<vmem>> -> memref<100x128xf32, #tpu.memory_space<vmem>>
        %dma_wait3A_411 = arith.constant 0 : i32
        %dma_wait3A_412 = tpu.memref_slice %arg13[%add3A_367, %dma_wait3A_411] : memref<100x100xi32, #tpu.memory_space<vmem>> -> memref<1x100xi32, #tpu.memory_space<vmem>>
        %dma_wait3A_413 = tpu.memref_squeeze %dma_wait3A_412 : memref<1x100xi32, #tpu.memory_space<vmem>> -> memref<100xi32, #tpu.memory_space<vmem>>
        %dma_wait3A_414 = arith.constant 0 : i32
        %dma_wait3A_415 = arith.constant 0 : i32
        %dma_wait3A_416 = tpu.memref_slice %arg22[%dma_wait3A_414, %dma_wait3A_415] : memref<10240x128xf32, #tpu.memory_space<vmem_shared>> -> memref<10240x128xf32, #tpu.memory_space<vmem_shared>>
        tpu.wait_indirect_dma semaphore(%arg20 : memref<!tpu.dma_semaphore, #tpu.memory_space<semaphore_mem>>) src(%dma_wait3A_410 : memref<100x128xf32, #tpu.memory_space<vmem>>) dst(%dma_wait3A_416 : memref<10240x128xf32, #tpu.memory_space<vmem_shared>>)
        %dma_wait3A_417 = arith.constant 0 : i32
        %dma_wait3A_418 = tpu.memref_slice %arg13[%add3A_367, %dma_wait3A_417] : memref<100x100xi32, #tpu.memory_space<vmem>> -> memref<1x100xi32, #tpu.memory_space<vmem>>
        %dma_wait3A_419 = tpu.memref_squeeze %dma_wait3A_418 : memref<1x100xi32, #tpu.memory_space<vmem>> -> memref<100xi32, #tpu.memory_space<vmem>>
        %dma_wait3A_420 = arith.constant 0 : i32
        %dma_wait3A_421 = tpu.memref_slice %arg23[%dma_wait3A_420] : memref<10240xf32, #tpu.memory_space<vmem_shared>> -> memref<10240xf32, #tpu.memory_space<vmem_shared>>
        tpu.wait_indirect_dma semaphore(%arg21 : memref<!tpu.dma_semaphore, #tpu.memory_space<semaphore_mem>>) src(%arg15 : memref<100xf32, #tpu.memory_space<vmem>>) dst(%dma_wait3A_421 : memref<10240xf32, #tpu.memory_space<vmem_shared>>)
        %add3A_422 = arith.constant 3 : i32
        %add3A_423 = arith.addi %mul3A_325, %add3A_422 : i32
        %lt3A_424 = arith.constant 100 : i32
        %lt3A_425 = arith.cmpi slt, %add3A_423, %lt3A_424 : i32
        %convert_element_type3A_426 = arith.extui %lt3A_425 : i1 to i32
        %cond3A_427 = arith.constant 0 : i32
        %cond3A_428 = arith.cmpi ne, %convert_element_type3A_426, %cond3A_427 : i32
        scf.if %cond3A_428 {
          %add3A_429 = arith.constant 3 : i32
          %add3A_430 = arith.addi %mul3A_325, %add3A_429 : i32
          %dma_start3A_431 = arith.constant 1 : i32
          %dma_start3A_432 = arith.constant 0 : i32
          %dma_start3A_433 = arith.constant 0 : i32
          %dma_start3A_434 = tpu.memref_slice %arg14[%dma_start3A_431, %dma_start3A_432, %dma_start3A_433] : memref<2x100x128xf32, #tpu.memory_space<vmem>> -> memref<1x100x128xf32, #tpu.memory_space<vmem>>
          %dma_start3A_435 = tpu.memref_squeeze %dma_start3A_434 : memref<1x100x128xf32, #tpu.memory_space<vmem>> -> memref<100x128xf32, #tpu.memory_space<vmem>>
          %dma_start3A_436 = arith.constant 0 : i32
          %dma_start3A_437 = tpu.memref_slice %arg12[%add3A_430, %dma_start3A_436] : memref<100x100xi32, #tpu.memory_space<vmem>> -> memref<1x100xi32, #tpu.memory_space<vmem>>
          %dma_start3A_438 = tpu.memref_squeeze %dma_start3A_437 : memref<1x100xi32, #tpu.memory_space<vmem>> -> memref<100xi32, #tpu.memory_space<vmem>>
          %dma_start3A_439 = arith.constant 0 : i32
          %dma_start3A_440 = arith.constant 0 : i32
          %dma_start3A_441 = tpu.memref_slice %arg2[%dma_start3A_439, %dma_start3A_440] : memref<10000x128xf32, #tpu.memory_space<hbm>> -> memref<10000x128xf32, #tpu.memory_space<hbm>>
          tpu.enqueue_indirect_dma source(%dma_start3A_441 : memref<10000x128xf32, #tpu.memory_space<hbm>>) target(%dma_start3A_435 : memref<100x128xf32, #tpu.memory_space<vmem>>) offsets(%dma_start3A_438 : memref<100xi32, #tpu.memory_space<vmem>>) semaphore(%arg18 : memref<!tpu.dma_semaphore, #tpu.memory_space<semaphore_mem>>)
        } else {
        }
      }
      %scan3A_39 = arith.constant 50 : i32
      %barrier3A_40 = arith.constant 0 : index
      tpu.barrier barrier_id(%barrier3A_40)
      %mul3A_41 = arith.constant 640 : i32
      %mul3A_42 = arith.muli %arg1, %mul3A_41 : i32
      %run_scoped3A = arith.constant 0 : i32
      "tpu.region"() ({
        %run_scoped3A_323 = tpu.sem_alloc : memref<!tpu.dma_semaphore, #tpu.memory_space<semaphore_mem>>
        %dma_start3A_324 = arith.constant 0 : i32
        %dma_start3A_325 = arith.constant 0 : i32
        %dma_start3A_326 = tpu.memref_slice %arg14[%run_scoped3A, %dma_start3A_324, %dma_start3A_325] : memref<2x100x128xf32, #tpu.memory_space<vmem>> -> memref<1x80x128xf32, #tpu.memory_space<vmem>>
        %dma_start3A_327 = tpu.memref_squeeze %dma_start3A_326 : memref<1x80x128xf32, #tpu.memory_space<vmem>> -> memref<80x128xf32, #tpu.memory_space<vmem>>
        %dma_start3A_328 = arith.constant 0 : i32
        %dma_start3A_329 = tpu.memref_slice %arg22[%mul3A_42, %dma_start3A_328] : memref<10240x128xf32, #tpu.memory_space<vmem_shared>> -> memref<80x128xf32, #tpu.memory_space<vmem_shared>>
        %dma_start3A_330 = arith.constant 0 : i32
        %dma_start3A_331 = arith.constant 0 : i32
        %dma_start3A_332 = tpu.memref_slice %arg14[%run_scoped3A, %dma_start3A_330, %dma_start3A_331] : memref<2x100x128xf32, #tpu.memory_space<vmem>> -> memref<1x80x128xf32, #tpu.memory_space<vmem>>
        %dma_start3A_333 = tpu.memref_squeeze %dma_start3A_332 : memref<1x80x128xf32, #tpu.memory_space<vmem>> -> memref<80x128xf32, #tpu.memory_space<vmem>>
        %dma_start3A_334 = arith.constant 0 : i32
        %dma_start3A_335 = tpu.memref_slice %arg22[%mul3A_42, %dma_start3A_334] : memref<10240x128xf32, #tpu.memory_space<vmem_shared>> -> memref<80x128xf32, #tpu.memory_space<vmem_shared>>
        tpu.enqueue_dma source(%dma_start3A_335 : memref<80x128xf32, #tpu.memory_space<vmem_shared>>) target(%dma_start3A_333 : memref<80x128xf32, #tpu.memory_space<vmem>>) target_semaphore(%run_scoped3A_323 : memref<!tpu.dma_semaphore, #tpu.memory_space<semaphore_mem>>)
        %dma_wait3A_336 = arith.constant 0 : i32
        %dma_wait3A_337 = arith.constant 0 : i32
        %dma_wait3A_338 = tpu.memref_slice %arg14[%run_scoped3A, %dma_wait3A_336, %dma_wait3A_337] : memref<2x100x128xf32, #tpu.memory_space<vmem>> -> memref<1x80x128xf32, #tpu.memory_space<vmem>>
        %dma_wait3A_339 = tpu.memref_squeeze %dma_wait3A_338 : memref<1x80x128xf32, #tpu.memory_space<vmem>> -> memref<80x128xf32, #tpu.memory_space<vmem>>
        %dma_wait3A_340 = arith.constant 0 : i32
        %dma_wait3A_341 = tpu.memref_slice %arg22[%mul3A_42, %dma_wait3A_340] : memref<10240x128xf32, #tpu.memory_space<vmem_shared>> -> memref<80x128xf32, #tpu.memory_space<vmem_shared>>
        %dma_wait3A_342 = arith.constant 0 : i32
        %dma_wait3A_343 = arith.constant 0 : i32
        %dma_wait3A_344 = tpu.memref_slice %arg14[%run_scoped3A, %dma_wait3A_342, %dma_wait3A_343] : memref<2x100x128xf32, #tpu.memory_space<vmem>> -> memref<1x80x128xf32, #tpu.memory_space<vmem>>
        %dma_wait3A_345 = tpu.memref_squeeze %dma_wait3A_344 : memref<1x80x128xf32, #tpu.memory_space<vmem>> -> memref<80x128xf32, #tpu.memory_space<vmem>>
        %dma_wait3A_346 = arith.constant 0 : i32
        %dma_wait3A_347 = tpu.memref_slice %arg22[%mul3A_42, %dma_wait3A_346] : memref<10240x128xf32, #tpu.memory_space<vmem_shared>> -> memref<80x128xf32, #tpu.memory_space<vmem_shared>>
        tpu.wait_dma2 semaphore(%run_scoped3A_323 : memref<!tpu.dma_semaphore, #tpu.memory_space<semaphore_mem>>) src(%dma_wait3A_347 : memref<80x128xf32, #tpu.memory_space<vmem_shared>>) dst(%dma_wait3A_345 : memref<80x128xf32, #tpu.memory_space<vmem>>)
        tpu.yield
      }) : () -> ()
      %mul3A_43 = arith.constant 640 : i32
      %mul3A_44 = arith.muli %arg1, %mul3A_43 : i32
      %add3A = arith.constant 80 : i32
      %add3A_45 = arith.addi %mul3A_44, %add3A : i32
      %dma_start3A_46 = arith.constant 1 : i32
      %dma_start3A_47 = arith.constant 0 : i32
      %dma_start3A_48 = arith.constant 0 : i32
      %dma_start3A_49 = tpu.memref_slice %arg14[%dma_start3A_46, %dma_start3A_47, %dma_start3A_48] : memref<2x100x128xf32, #tpu.memory_space<vmem>> -> memref<1x80x128xf32, #tpu.memory_space<vmem>>
      %dma_start3A_50 = tpu.memref_squeeze %dma_start3A_49 : memref<1x80x128xf32, #tpu.memory_space<vmem>> -> memref<80x128xf32, #tpu.memory_space<vmem>>
      %dma_start3A_51 = arith.constant 0 : i32
      %dma_start3A_52 = tpu.memref_slice %arg22[%add3A_45, %dma_start3A_51] : memref<10240x128xf32, #tpu.memory_space<vmem_shared>> -> memref<80x128xf32, #tpu.memory_space<vmem_shared>>
      %dma_start3A_53 = arith.constant 0 : i32
      %dma_start3A_54 = arith.constant 0 : i32
      %dma_start3A_55 = tpu.memref_slice %arg14[%dma_start3A_46, %dma_start3A_53, %dma_start3A_54] : memref<2x100x128xf32, #tpu.memory_space<vmem>> -> memref<1x80x128xf32, #tpu.memory_space<vmem>>
      %dma_start3A_56 = tpu.memref_squeeze %dma_start3A_55 : memref<1x80x128xf32, #tpu.memory_space<vmem>> -> memref<80x128xf32, #tpu.memory_space<vmem>>
      %dma_start3A_57 = arith.constant 0 : i32
      %dma_start3A_58 = tpu.memref_slice %arg22[%add3A_45, %dma_start3A_57] : memref<10240x128xf32, #tpu.memory_space<vmem_shared>> -> memref<80x128xf32, #tpu.memory_space<vmem_shared>>
      tpu.enqueue_dma source(%dma_start3A_58 : memref<80x128xf32, #tpu.memory_space<vmem_shared>>) target(%dma_start3A_56 : memref<80x128xf32, #tpu.memory_space<vmem>>) target_semaphore(%arg17 : memref<!tpu.dma_semaphore, #tpu.memory_space<semaphore_mem>>)
      %mul3A_59 = arith.constant 640 : i32
      %mul3A_60 = arith.muli %arg1, %mul3A_59 : i32
      %add3A_61 = arith.constant 0 : i32
      %add3A_62 = arith.addi %mul3A_60, %add3A_61 : i32
      %run_scoped3A_63 = arith.constant 0 : i32
      "tpu.region"() ({
        %run_scoped3A_323 = tpu.sem_alloc : memref<!tpu.dma_semaphore, #tpu.memory_space<semaphore_mem>>
        %dma_start3A_324 = arith.constant 0 : i32
        %dma_start3A_325 = arith.constant 0 : i32
        %dma_start3A_326 = tpu.memref_slice %arg14[%run_scoped3A_63, %dma_start3A_324, %dma_start3A_325] : memref<2x100x128xf32, #tpu.memory_space<vmem>> -> memref<1x80x128xf32, #tpu.memory_space<vmem>>
        %dma_start3A_327 = tpu.memref_squeeze %dma_start3A_326 : memref<1x80x128xf32, #tpu.memory_space<vmem>> -> memref<80x128xf32, #tpu.memory_space<vmem>>
        %dma_start3A_328 = arith.constant 0 : i32
        %dma_start3A_329 = tpu.memref_slice %arg9[%add3A_62, %dma_start3A_328] : memref<10240x128xf32, #tpu.memory_space<hbm>> -> memref<80x128xf32, #tpu.memory_space<hbm>>
        %dma_start3A_330 = arith.constant 0 : i32
        %dma_start3A_331 = tpu.memref_slice %arg9[%add3A_62, %dma_start3A_330] : memref<10240x128xf32, #tpu.memory_space<hbm>> -> memref<80x128xf32, #tpu.memory_space<hbm>>
        %dma_start3A_332 = arith.constant 0 : i32
        %dma_start3A_333 = arith.constant 0 : i32
        %dma_start3A_334 = tpu.memref_slice %arg14[%run_scoped3A_63, %dma_start3A_332, %dma_start3A_333] : memref<2x100x128xf32, #tpu.memory_space<vmem>> -> memref<1x80x128xf32, #tpu.memory_space<vmem>>
        %dma_start3A_335 = tpu.memref_squeeze %dma_start3A_334 : memref<1x80x128xf32, #tpu.memory_space<vmem>> -> memref<80x128xf32, #tpu.memory_space<vmem>>
        tpu.enqueue_dma source(%dma_start3A_335 : memref<80x128xf32, #tpu.memory_space<vmem>>) target(%dma_start3A_331 : memref<80x128xf32, #tpu.memory_space<hbm>>) target_semaphore(%run_scoped3A_323 : memref<!tpu.dma_semaphore, #tpu.memory_space<semaphore_mem>>)
        %dma_wait3A_336 = arith.constant 0 : i32
        %dma_wait3A_337 = arith.constant 0 : i32
        %dma_wait3A_338 = tpu.memref_slice %arg14[%run_scoped3A_63, %dma_wait3A_336, %dma_wait3A_337] : memref<2x100x128xf32, #tpu.memory_space<vmem>> -> memref<1x80x128xf32, #tpu.memory_space<vmem>>
        %dma_wait3A_339 = tpu.memref_squeeze %dma_wait3A_338 : memref<1x80x128xf32, #tpu.memory_space<vmem>> -> memref<80x128xf32, #tpu.memory_space<vmem>>
        %dma_wait3A_340 = arith.constant 0 : i32
        %dma_wait3A_341 = tpu.memref_slice %arg9[%add3A_62, %dma_wait3A_340] : memref<10240x128xf32, #tpu.memory_space<hbm>> -> memref<80x128xf32, #tpu.memory_space<hbm>>
        %dma_wait3A_342 = arith.constant 0 : i32
        %dma_wait3A_343 = tpu.memref_slice %arg9[%add3A_62, %dma_wait3A_342] : memref<10240x128xf32, #tpu.memory_space<hbm>> -> memref<80x128xf32, #tpu.memory_space<hbm>>
        %dma_wait3A_344 = arith.constant 0 : i32
        %dma_wait3A_345 = arith.constant 0 : i32
        %dma_wait3A_346 = tpu.memref_slice %arg14[%run_scoped3A_63, %dma_wait3A_344, %dma_wait3A_345] : memref<2x100x128xf32, #tpu.memory_space<vmem>> -> memref<1x80x128xf32, #tpu.memory_space<vmem>>
        %dma_wait3A_347 = tpu.memref_squeeze %dma_wait3A_346 : memref<1x80x128xf32, #tpu.memory_space<vmem>> -> memref<80x128xf32, #tpu.memory_space<vmem>>
        tpu.wait_dma2 semaphore(%run_scoped3A_323 : memref<!tpu.dma_semaphore, #tpu.memory_space<semaphore_mem>>) src(%dma_wait3A_347 : memref<80x128xf32, #tpu.memory_space<vmem>>) dst(%dma_wait3A_343 : memref<80x128xf32, #tpu.memory_space<hbm>>)
        tpu.yield
      }) : () -> ()
      %mul3A_64 = arith.constant 640 : i32
      %mul3A_65 = arith.muli %arg1, %mul3A_64 : i32
      %add3A_66 = arith.constant 80 : i32
      %add3A_67 = arith.addi %mul3A_65, %add3A_66 : i32
      %dma_wait3A = arith.constant 1 : i32
      %dma_wait3A_68 = arith.constant 0 : i32
      %dma_wait3A_69 = arith.constant 0 : i32
      %dma_wait3A_70 = tpu.memref_slice %arg14[%dma_wait3A, %dma_wait3A_68, %dma_wait3A_69] : memref<2x100x128xf32, #tpu.memory_space<vmem>> -> memref<1x80x128xf32, #tpu.memory_space<vmem>>
      %dma_wait3A_71 = tpu.memref_squeeze %dma_wait3A_70 : memref<1x80x128xf32, #tpu.memory_space<vmem>> -> memref<80x128xf32, #tpu.memory_space<vmem>>
      %dma_wait3A_72 = arith.constant 0 : i32
      %dma_wait3A_73 = tpu.memref_slice %arg22[%add3A_67, %dma_wait3A_72] : memref<10240x128xf32, #tpu.memory_space<vmem_shared>> -> memref<80x128xf32, #tpu.memory_space<vmem_shared>>
      %dma_wait3A_74 = arith.constant 0 : i32
      %dma_wait3A_75 = arith.constant 0 : i32
      %dma_wait3A_76 = tpu.memref_slice %arg14[%dma_wait3A, %dma_wait3A_74, %dma_wait3A_75] : memref<2x100x128xf32, #tpu.memory_space<vmem>> -> memref<1x80x128xf32, #tpu.memory_space<vmem>>
      %dma_wait3A_77 = tpu.memref_squeeze %dma_wait3A_76 : memref<1x80x128xf32, #tpu.memory_space<vmem>> -> memref<80x128xf32, #tpu.memory_space<vmem>>
      %dma_wait3A_78 = arith.constant 0 : i32
      %dma_wait3A_79 = tpu.memref_slice %arg22[%add3A_67, %dma_wait3A_78] : memref<10240x128xf32, #tpu.memory_space<vmem_shared>> -> memref<80x128xf32, #tpu.memory_space<vmem_shared>>
      tpu.wait_dma2 semaphore(%arg17 : memref<!tpu.dma_semaphore, #tpu.memory_space<semaphore_mem>>) src(%dma_wait3A_79 : memref<80x128xf32, #tpu.memory_space<vmem_shared>>) dst(%dma_wait3A_77 : memref<80x128xf32, #tpu.memory_space<vmem>>)
      %mul3A_80 = arith.constant 640 : i32
      %mul3A_81 = arith.muli %arg1, %mul3A_80 : i32
      %add3A_82 = arith.constant 160 : i32
      %add3A_83 = arith.addi %mul3A_81, %add3A_82 : i32
      %dma_start3A_84 = arith.constant 0 : i32
      %dma_start3A_85 = arith.constant 0 : i32
      %dma_start3A_86 = arith.constant 0 : i32
      %dma_start3A_87 = tpu.memref_slice %arg14[%dma_start3A_84, %dma_start3A_85, %dma_start3A_86] : memref<2x100x128xf32, #tpu.memory_space<vmem>> -> memref<1x80x128xf32, #tpu.memory_space<vmem>>
      %dma_start3A_88 = tpu.memref_squeeze %dma_start3A_87 : memref<1x80x128xf32, #tpu.memory_space<vmem>> -> memref<80x128xf32, #tpu.memory_space<vmem>>
      %dma_start3A_89 = arith.constant 0 : i32
      %dma_start3A_90 = tpu.memref_slice %arg22[%add3A_83, %dma_start3A_89] : memref<10240x128xf32, #tpu.memory_space<vmem_shared>> -> memref<80x128xf32, #tpu.memory_space<vmem_shared>>
      %dma_start3A_91 = arith.constant 0 : i32
      %dma_start3A_92 = arith.constant 0 : i32
      %dma_start3A_93 = tpu.memref_slice %arg14[%dma_start3A_84, %dma_start3A_91, %dma_start3A_92] : memref<2x100x128xf32, #tpu.memory_space<vmem>> -> memref<1x80x128xf32, #tpu.memory_space<vmem>>
      %dma_start3A_94 = tpu.memref_squeeze %dma_start3A_93 : memref<1x80x128xf32, #tpu.memory_space<vmem>> -> memref<80x128xf32, #tpu.memory_space<vmem>>
      %dma_start3A_95 = arith.constant 0 : i32
      %dma_start3A_96 = tpu.memref_slice %arg22[%add3A_83, %dma_start3A_95] : memref<10240x128xf32, #tpu.memory_space<vmem_shared>> -> memref<80x128xf32, #tpu.memory_space<vmem_shared>>
      tpu.enqueue_dma source(%dma_start3A_96 : memref<80x128xf32, #tpu.memory_space<vmem_shared>>) target(%dma_start3A_94 : memref<80x128xf32, #tpu.memory_space<vmem>>) target_semaphore(%arg17 : memref<!tpu.dma_semaphore, #tpu.memory_space<semaphore_mem>>)
      %mul3A_97 = arith.constant 640 : i32
      %mul3A_98 = arith.muli %arg1, %mul3A_97 : i32
      %add3A_99 = arith.constant 80 : i32
      %add3A_100 = arith.addi %mul3A_98, %add3A_99 : i32
      %run_scoped3A_101 = arith.constant 1 : i32
      "tpu.region"() ({
        %run_scoped3A_323 = tpu.sem_alloc : memref<!tpu.dma_semaphore, #tpu.memory_space<semaphore_mem>>
        %dma_start3A_324 = arith.constant 0 : i32
        %dma_start3A_325 = arith.constant 0 : i32
        %dma_start3A_326 = tpu.memref_slice %arg14[%run_scoped3A_101, %dma_start3A_324, %dma_start3A_325] : memref<2x100x128xf32, #tpu.memory_space<vmem>> -> memref<1x80x128xf32, #tpu.memory_space<vmem>>
        %dma_start3A_327 = tpu.memref_squeeze %dma_start3A_326 : memref<1x80x128xf32, #tpu.memory_space<vmem>> -> memref<80x128xf32, #tpu.memory_space<vmem>>
        %dma_start3A_328 = arith.constant 0 : i32
        %dma_start3A_329 = tpu.memref_slice %arg9[%add3A_100, %dma_start3A_328] : memref<10240x128xf32, #tpu.memory_space<hbm>> -> memref<80x128xf32, #tpu.memory_space<hbm>>
        %dma_start3A_330 = arith.constant 0 : i32
        %dma_start3A_331 = tpu.memref_slice %arg9[%add3A_100, %dma_start3A_330] : memref<10240x128xf32, #tpu.memory_space<hbm>> -> memref<80x128xf32, #tpu.memory_space<hbm>>
        %dma_start3A_332 = arith.constant 0 : i32
        %dma_start3A_333 = arith.constant 0 : i32
        %dma_start3A_334 = tpu.memref_slice %arg14[%run_scoped3A_101, %dma_start3A_332, %dma_start3A_333] : memref<2x100x128xf32, #tpu.memory_space<vmem>> -> memref<1x80x128xf32, #tpu.memory_space<vmem>>
        %dma_start3A_335 = tpu.memref_squeeze %dma_start3A_334 : memref<1x80x128xf32, #tpu.memory_space<vmem>> -> memref<80x128xf32, #tpu.memory_space<vmem>>
        tpu.enqueue_dma source(%dma_start3A_335 : memref<80x128xf32, #tpu.memory_space<vmem>>) target(%dma_start3A_331 : memref<80x128xf32, #tpu.memory_space<hbm>>) target_semaphore(%run_scoped3A_323 : memref<!tpu.dma_semaphore, #tpu.memory_space<semaphore_mem>>)
        %dma_wait3A_336 = arith.constant 0 : i32
        %dma_wait3A_337 = arith.constant 0 : i32
        %dma_wait3A_338 = tpu.memref_slice %arg14[%run_scoped3A_101, %dma_wait3A_336, %dma_wait3A_337] : memref<2x100x128xf32, #tpu.memory_space<vmem>> -> memref<1x80x128xf32, #tpu.memory_space<vmem>>
        %dma_wait3A_339 = tpu.memref_squeeze %dma_wait3A_338 : memref<1x80x128xf32, #tpu.memory_space<vmem>> -> memref<80x128xf32, #tpu.memory_space<vmem>>
        %dma_wait3A_340 = arith.constant 0 : i32
        %dma_wait3A_341 = tpu.memref_slice %arg9[%add3A_100, %dma_wait3A_340] : memref<10240x128xf32, #tpu.memory_space<hbm>> -> memref<80x128xf32, #tpu.memory_space<hbm>>
        %dma_wait3A_342 = arith.constant 0 : i32
        %dma_wait3A_343 = tpu.memref_slice %arg9[%add3A_100, %dma_wait3A_342] : memref<10240x128xf32, #tpu.memory_space<hbm>> -> memref<80x128xf32, #tpu.memory_space<hbm>>
        %dma_wait3A_344 = arith.constant 0 : i32
        %dma_wait3A_345 = arith.constant 0 : i32
        %dma_wait3A_346 = tpu.memref_slice %arg14[%run_scoped3A_101, %dma_wait3A_344, %dma_wait3A_345] : memref<2x100x128xf32, #tpu.memory_space<vmem>> -> memref<1x80x128xf32, #tpu.memory_space<vmem>>
        %dma_wait3A_347 = tpu.memref_squeeze %dma_wait3A_346 : memref<1x80x128xf32, #tpu.memory_space<vmem>> -> memref<80x128xf32, #tpu.memory_space<vmem>>
        tpu.wait_dma2 semaphore(%run_scoped3A_323 : memref<!tpu.dma_semaphore, #tpu.memory_space<semaphore_mem>>) src(%dma_wait3A_347 : memref<80x128xf32, #tpu.memory_space<vmem>>) dst(%dma_wait3A_343 : memref<80x128xf32, #tpu.memory_space<hbm>>)
        tpu.yield
      }) : () -> ()
      %mul3A_102 = arith.constant 640 : i32
      %mul3A_103 = arith.muli %arg1, %mul3A_102 : i32
      %add3A_104 = arith.constant 160 : i32
      %add3A_105 = arith.addi %mul3A_103, %add3A_104 : i32
      %dma_wait3A_106 = arith.constant 0 : i32
      %dma_wait3A_107 = arith.constant 0 : i32
      %dma_wait3A_108 = arith.constant 0 : i32
      %dma_wait3A_109 = tpu.memref_slice %arg14[%dma_wait3A_106, %dma_wait3A_107, %dma_wait3A_108] : memref<2x100x128xf32, #tpu.memory_space<vmem>> -> memref<1x80x128xf32, #tpu.memory_space<vmem>>
      %dma_wait3A_110 = tpu.memref_squeeze %dma_wait3A_109 : memref<1x80x128xf32, #tpu.memory_space<vmem>> -> memref<80x128xf32, #tpu.memory_space<vmem>>
      %dma_wait3A_111 = arith.constant 0 : i32
      %dma_wait3A_112 = tpu.memref_slice %arg22[%add3A_105, %dma_wait3A_111] : memref<10240x128xf32, #tpu.memory_space<vmem_shared>> -> memref<80x128xf32, #tpu.memory_space<vmem_shared>>
      %dma_wait3A_113 = arith.constant 0 : i32
      %dma_wait3A_114 = arith.constant 0 : i32
      %dma_wait3A_115 = tpu.memref_slice %arg14[%dma_wait3A_106, %dma_wait3A_113, %dma_wait3A_114] : memref<2x100x128xf32, #tpu.memory_space<vmem>> -> memref<1x80x128xf32, #tpu.memory_space<vmem>>
      %dma_wait3A_116 = tpu.memref_squeeze %dma_wait3A_115 : memref<1x80x128xf32, #tpu.memory_space<vmem>> -> memref<80x128xf32, #tpu.memory_space<vmem>>
      %dma_wait3A_117 = arith.constant 0 : i32
      %dma_wait3A_118 = tpu.memref_slice %arg22[%add3A_105, %dma_wait3A_117] : memref<10240x128xf32, #tpu.memory_space<vmem_shared>> -> memref<80x128xf32, #tpu.memory_space<vmem_shared>>
      tpu.wait_dma2 semaphore(%arg17 : memref<!tpu.dma_semaphore, #tpu.memory_space<semaphore_mem>>) src(%dma_wait3A_118 : memref<80x128xf32, #tpu.memory_space<vmem_shared>>) dst(%dma_wait3A_116 : memref<80x128xf32, #tpu.memory_space<vmem>>)
      %mul3A_119 = arith.constant 640 : i32
      %mul3A_120 = arith.muli %arg1, %mul3A_119 : i32
      %add3A_121 = arith.constant 240 : i32
      %add3A_122 = arith.addi %mul3A_120, %add3A_121 : i32
      %dma_start3A_123 = arith.constant 1 : i32
      %dma_start3A_124 = arith.constant 0 : i32
      %dma_start3A_125 = arith.constant 0 : i32
      %dma_start3A_126 = tpu.memref_slice %arg14[%dma_start3A_123, %dma_start3A_124, %dma_start3A_125] : memref<2x100x128xf32, #tpu.memory_space<vmem>> -> memref<1x80x128xf32, #tpu.memory_space<vmem>>
      %dma_start3A_127 = tpu.memref_squeeze %dma_start3A_126 : memref<1x80x128xf32, #tpu.memory_space<vmem>> -> memref<80x128xf32, #tpu.memory_space<vmem>>
      %dma_start3A_128 = arith.constant 0 : i32
      %dma_start3A_129 = tpu.memref_slice %arg22[%add3A_122, %dma_start3A_128] : memref<10240x128xf32, #tpu.memory_space<vmem_shared>> -> memref<80x128xf32, #tpu.memory_space<vmem_shared>>
      %dma_start3A_130 = arith.constant 0 : i32
      %dma_start3A_131 = arith.constant 0 : i32
      %dma_start3A_132 = tpu.memref_slice %arg14[%dma_start3A_123, %dma_start3A_130, %dma_start3A_131] : memref<2x100x128xf32, #tpu.memory_space<vmem>> -> memref<1x80x128xf32, #tpu.memory_space<vmem>>
      %dma_start3A_133 = tpu.memref_squeeze %dma_start3A_132 : memref<1x80x128xf32, #tpu.memory_space<vmem>> -> memref<80x128xf32, #tpu.memory_space<vmem>>
      %dma_start3A_134 = arith.constant 0 : i32
      %dma_start3A_135 = tpu.memref_slice %arg22[%add3A_122, %dma_start3A_134] : memref<10240x128xf32, #tpu.memory_space<vmem_shared>> -> memref<80x128xf32, #tpu.memory_space<vmem_shared>>
      tpu.enqueue_dma source(%dma_start3A_135 : memref<80x128xf32, #tpu.memory_space<vmem_shared>>) target(%dma_start3A_133 : memref<80x128xf32, #tpu.memory_space<vmem>>) target_semaphore(%arg17 : memref<!tpu.dma_semaphore, #tpu.memory_space<semaphore_mem>>)
      %mul3A_136 = arith.constant 640 : i32
      %mul3A_137 = arith.muli %arg1, %mul3A_136 : i32
      %add3A_138 = arith.constant 160 : i32
      %add3A_139 = arith.addi %mul3A_137, %add3A_138 : i32
      %run_scoped3A_140 = arith.constant 0 : i32
      "tpu.region"() ({
        %run_scoped3A_323 = tpu.sem_alloc : memref<!tpu.dma_semaphore, #tpu.memory_space<semaphore_mem>>
        %dma_start3A_324 = arith.constant 0 : i32
        %dma_start3A_325 = arith.constant 0 : i32
        %dma_start3A_326 = tpu.memref_slice %arg14[%run_scoped3A_140, %dma_start3A_324, %dma_start3A_325] : memref<2x100x128xf32, #tpu.memory_space<vmem>> -> memref<1x80x128xf32, #tpu.memory_space<vmem>>
        %dma_start3A_327 = tpu.memref_squeeze %dma_start3A_326 : memref<1x80x128xf32, #tpu.memory_space<vmem>> -> memref<80x128xf32, #tpu.memory_space<vmem>>
        %dma_start3A_328 = arith.constant 0 : i32
        %dma_start3A_329 = tpu.memref_slice %arg9[%add3A_139, %dma_start3A_328] : memref<10240x128xf32, #tpu.memory_space<hbm>> -> memref<80x128xf32, #tpu.memory_space<hbm>>
        %dma_start3A_330 = arith.constant 0 : i32
        %dma_start3A_331 = tpu.memref_slice %arg9[%add3A_139, %dma_start3A_330] : memref<10240x128xf32, #tpu.memory_space<hbm>> -> memref<80x128xf32, #tpu.memory_space<hbm>>
        %dma_start3A_332 = arith.constant 0 : i32
        %dma_start3A_333 = arith.constant 0 : i32
        %dma_start3A_334 = tpu.memref_slice %arg14[%run_scoped3A_140, %dma_start3A_332, %dma_start3A_333] : memref<2x100x128xf32, #tpu.memory_space<vmem>> -> memref<1x80x128xf32, #tpu.memory_space<vmem>>
        %dma_start3A_335 = tpu.memref_squeeze %dma_start3A_334 : memref<1x80x128xf32, #tpu.memory_space<vmem>> -> memref<80x128xf32, #tpu.memory_space<vmem>>
        tpu.enqueue_dma source(%dma_start3A_335 : memref<80x128xf32, #tpu.memory_space<vmem>>) target(%dma_start3A_331 : memref<80x128xf32, #tpu.memory_space<hbm>>) target_semaphore(%run_scoped3A_323 : memref<!tpu.dma_semaphore, #tpu.memory_space<semaphore_mem>>)
        %dma_wait3A_336 = arith.constant 0 : i32
        %dma_wait3A_337 = arith.constant 0 : i32
        %dma_wait3A_338 = tpu.memref_slice %arg14[%run_scoped3A_140, %dma_wait3A_336, %dma_wait3A_337] : memref<2x100x128xf32, #tpu.memory_space<vmem>> -> memref<1x80x128xf32, #tpu.memory_space<vmem>>
        %dma_wait3A_339 = tpu.memref_squeeze %dma_wait3A_338 : memref<1x80x128xf32, #tpu.memory_space<vmem>> -> memref<80x128xf32, #tpu.memory_space<vmem>>
        %dma_wait3A_340 = arith.constant 0 : i32
        %dma_wait3A_341 = tpu.memref_slice %arg9[%add3A_139, %dma_wait3A_340] : memref<10240x128xf32, #tpu.memory_space<hbm>> -> memref<80x128xf32, #tpu.memory_space<hbm>>
        %dma_wait3A_342 = arith.constant 0 : i32
        %dma_wait3A_343 = tpu.memref_slice %arg9[%add3A_139, %dma_wait3A_342] : memref<10240x128xf32, #tpu.memory_space<hbm>> -> memref<80x128xf32, #tpu.memory_space<hbm>>
        %dma_wait3A_344 = arith.constant 0 : i32
        %dma_wait3A_345 = arith.constant 0 : i32
        %dma_wait3A_346 = tpu.memref_slice %arg14[%run_scoped3A_140, %dma_wait3A_344, %dma_wait3A_345] : memref<2x100x128xf32, #tpu.memory_space<vmem>> -> memref<1x80x128xf32, #tpu.memory_space<vmem>>
        %dma_wait3A_347 = tpu.memref_squeeze %dma_wait3A_346 : memref<1x80x128xf32, #tpu.memory_space<vmem>> -> memref<80x128xf32, #tpu.memory_space<vmem>>
        tpu.wait_dma2 semaphore(%run_scoped3A_323 : memref<!tpu.dma_semaphore, #tpu.memory_space<semaphore_mem>>) src(%dma_wait3A_347 : memref<80x128xf32, #tpu.memory_space<vmem>>) dst(%dma_wait3A_343 : memref<80x128xf32, #tpu.memory_space<hbm>>)
        tpu.yield
      }) : () -> ()
      %mul3A_141 = arith.constant 640 : i32
      %mul3A_142 = arith.muli %arg1, %mul3A_141 : i32
      %add3A_143 = arith.constant 240 : i32
      %add3A_144 = arith.addi %mul3A_142, %add3A_143 : i32
      %dma_wait3A_145 = arith.constant 1 : i32
      %dma_wait3A_146 = arith.constant 0 : i32
      %dma_wait3A_147 = arith.constant 0 : i32
      %dma_wait3A_148 = tpu.memref_slice %arg14[%dma_wait3A_145, %dma_wait3A_146, %dma_wait3A_147] : memref<2x100x128xf32, #tpu.memory_space<vmem>> -> memref<1x80x128xf32, #tpu.memory_space<vmem>>
      %dma_wait3A_149 = tpu.memref_squeeze %dma_wait3A_148 : memref<1x80x128xf32, #tpu.memory_space<vmem>> -> memref<80x128xf32, #tpu.memory_space<vmem>>
      %dma_wait3A_150 = arith.constant 0 : i32
      %dma_wait3A_151 = tpu.memref_slice %arg22[%add3A_144, %dma_wait3A_150] : memref<10240x128xf32, #tpu.memory_space<vmem_shared>> -> memref<80x128xf32, #tpu.memory_space<vmem_shared>>
      %dma_wait3A_152 = arith.constant 0 : i32
      %dma_wait3A_153 = arith.constant 0 : i32
      %dma_wait3A_154 = tpu.memref_slice %arg14[%dma_wait3A_145, %dma_wait3A_152, %dma_wait3A_153] : memref<2x100x128xf32, #tpu.memory_space<vmem>> -> memref<1x80x128xf32, #tpu.memory_space<vmem>>
      %dma_wait3A_155 = tpu.memref_squeeze %dma_wait3A_154 : memref<1x80x128xf32, #tpu.memory_space<vmem>> -> memref<80x128xf32, #tpu.memory_space<vmem>>
      %dma_wait3A_156 = arith.constant 0 : i32
      %dma_wait3A_157 = tpu.memref_slice %arg22[%add3A_144, %dma_wait3A_156] : memref<10240x128xf32, #tpu.memory_space<vmem_shared>> -> memref<80x128xf32, #tpu.memory_space<vmem_shared>>
      tpu.wait_dma2 semaphore(%arg17 : memref<!tpu.dma_semaphore, #tpu.memory_space<semaphore_mem>>) src(%dma_wait3A_157 : memref<80x128xf32, #tpu.memory_space<vmem_shared>>) dst(%dma_wait3A_155 : memref<80x128xf32, #tpu.memory_space<vmem>>)
      %mul3A_158 = arith.constant 640 : i32
      %mul3A_159 = arith.muli %arg1, %mul3A_158 : i32
      %add3A_160 = arith.constant 320 : i32
      %add3A_161 = arith.addi %mul3A_159, %add3A_160 : i32
      %dma_start3A_162 = arith.constant 0 : i32
      %dma_start3A_163 = arith.constant 0 : i32
      %dma_start3A_164 = arith.constant 0 : i32
      %dma_start3A_165 = tpu.memref_slice %arg14[%dma_start3A_162, %dma_start3A_163, %dma_start3A_164] : memref<2x100x128xf32, #tpu.memory_space<vmem>> -> memref<1x80x128xf32, #tpu.memory_space<vmem>>
      %dma_start3A_166 = tpu.memref_squeeze %dma_start3A_165 : memref<1x80x128xf32, #tpu.memory_space<vmem>> -> memref<80x128xf32, #tpu.memory_space<vmem>>
      %dma_start3A_167 = arith.constant 0 : i32
      %dma_start3A_168 = tpu.memref_slice %arg22[%add3A_161, %dma_start3A_167] : memref<10240x128xf32, #tpu.memory_space<vmem_shared>> -> memref<80x128xf32, #tpu.memory_space<vmem_shared>>
      %dma_start3A_169 = arith.constant 0 : i32
      %dma_start3A_170 = arith.constant 0 : i32
      %dma_start3A_171 = tpu.memref_slice %arg14[%dma_start3A_162, %dma_start3A_169, %dma_start3A_170] : memref<2x100x128xf32, #tpu.memory_space<vmem>> -> memref<1x80x128xf32, #tpu.memory_space<vmem>>
      %dma_start3A_172 = tpu.memref_squeeze %dma_start3A_171 : memref<1x80x128xf32, #tpu.memory_space<vmem>> -> memref<80x128xf32, #tpu.memory_space<vmem>>
      %dma_start3A_173 = arith.constant 0 : i32
      %dma_start3A_174 = tpu.memref_slice %arg22[%add3A_161, %dma_start3A_173] : memref<10240x128xf32, #tpu.memory_space<vmem_shared>> -> memref<80x128xf32, #tpu.memory_space<vmem_shared>>
      tpu.enqueue_dma source(%dma_start3A_174 : memref<80x128xf32, #tpu.memory_space<vmem_shared>>) target(%dma_start3A_172 : memref<80x128xf32, #tpu.memory_space<vmem>>) target_semaphore(%arg17 : memref<!tpu.dma_semaphore, #tpu.memory_space<semaphore_mem>>)
      %mul3A_175 = arith.constant 640 : i32
      %mul3A_176 = arith.muli %arg1, %mul3A_175 : i32
      %add3A_177 = arith.constant 240 : i32
      %add3A_178 = arith.addi %mul3A_176, %add3A_177 : i32
      %run_scoped3A_179 = arith.constant 1 : i32
      "tpu.region"() ({
        %run_scoped3A_323 = tpu.sem_alloc : memref<!tpu.dma_semaphore, #tpu.memory_space<semaphore_mem>>
        %dma_start3A_324 = arith.constant 0 : i32
        %dma_start3A_325 = arith.constant 0 : i32
        %dma_start3A_326 = tpu.memref_slice %arg14[%run_scoped3A_179, %dma_start3A_324, %dma_start3A_325] : memref<2x100x128xf32, #tpu.memory_space<vmem>> -> memref<1x80x128xf32, #tpu.memory_space<vmem>>
        %dma_start3A_327 = tpu.memref_squeeze %dma_start3A_326 : memref<1x80x128xf32, #tpu.memory_space<vmem>> -> memref<80x128xf32, #tpu.memory_space<vmem>>
        %dma_start3A_328 = arith.constant 0 : i32
        %dma_start3A_329 = tpu.memref_slice %arg9[%add3A_178, %dma_start3A_328] : memref<10240x128xf32, #tpu.memory_space<hbm>> -> memref<80x128xf32, #tpu.memory_space<hbm>>
        %dma_start3A_330 = arith.constant 0 : i32
        %dma_start3A_331 = tpu.memref_slice %arg9[%add3A_178, %dma_start3A_330] : memref<10240x128xf32, #tpu.memory_space<hbm>> -> memref<80x128xf32, #tpu.memory_space<hbm>>
        %dma_start3A_332 = arith.constant 0 : i32
        %dma_start3A_333 = arith.constant 0 : i32
        %dma_start3A_334 = tpu.memref_slice %arg14[%run_scoped3A_179, %dma_start3A_332, %dma_start3A_333] : memref<2x100x128xf32, #tpu.memory_space<vmem>> -> memref<1x80x128xf32, #tpu.memory_space<vmem>>
        %dma_start3A_335 = tpu.memref_squeeze %dma_start3A_334 : memref<1x80x128xf32, #tpu.memory_space<vmem>> -> memref<80x128xf32, #tpu.memory_space<vmem>>
        tpu.enqueue_dma source(%dma_start3A_335 : memref<80x128xf32, #tpu.memory_space<vmem>>) target(%dma_start3A_331 : memref<80x128xf32, #tpu.memory_space<hbm>>) target_semaphore(%run_scoped3A_323 : memref<!tpu.dma_semaphore, #tpu.memory_space<semaphore_mem>>)
        %dma_wait3A_336 = arith.constant 0 : i32
        %dma_wait3A_337 = arith.constant 0 : i32
        %dma_wait3A_338 = tpu.memref_slice %arg14[%run_scoped3A_179, %dma_wait3A_336, %dma_wait3A_337] : memref<2x100x128xf32, #tpu.memory_space<vmem>> -> memref<1x80x128xf32, #tpu.memory_space<vmem>>
        %dma_wait3A_339 = tpu.memref_squeeze %dma_wait3A_338 : memref<1x80x128xf32, #tpu.memory_space<vmem>> -> memref<80x128xf32, #tpu.memory_space<vmem>>
        %dma_wait3A_340 = arith.constant 0 : i32
        %dma_wait3A_341 = tpu.memref_slice %arg9[%add3A_178, %dma_wait3A_340] : memref<10240x128xf32, #tpu.memory_space<hbm>> -> memref<80x128xf32, #tpu.memory_space<hbm>>
        %dma_wait3A_342 = arith.constant 0 : i32
        %dma_wait3A_343 = tpu.memref_slice %arg9[%add3A_178, %dma_wait3A_342] : memref<10240x128xf32, #tpu.memory_space<hbm>> -> memref<80x128xf32, #tpu.memory_space<hbm>>
        %dma_wait3A_344 = arith.constant 0 : i32
        %dma_wait3A_345 = arith.constant 0 : i32
        %dma_wait3A_346 = tpu.memref_slice %arg14[%run_scoped3A_179, %dma_wait3A_344, %dma_wait3A_345] : memref<2x100x128xf32, #tpu.memory_space<vmem>> -> memref<1x80x128xf32, #tpu.memory_space<vmem>>
        %dma_wait3A_347 = tpu.memref_squeeze %dma_wait3A_346 : memref<1x80x128xf32, #tpu.memory_space<vmem>> -> memref<80x128xf32, #tpu.memory_space<vmem>>
        tpu.wait_dma2 semaphore(%run_scoped3A_323 : memref<!tpu.dma_semaphore, #tpu.memory_space<semaphore_mem>>) src(%dma_wait3A_347 : memref<80x128xf32, #tpu.memory_space<vmem>>) dst(%dma_wait3A_343 : memref<80x128xf32, #tpu.memory_space<hbm>>)
        tpu.yield
      }) : () -> ()
      %mul3A_180 = arith.constant 640 : i32
      %mul3A_181 = arith.muli %arg1, %mul3A_180 : i32
      %add3A_182 = arith.constant 320 : i32
      %add3A_183 = arith.addi %mul3A_181, %add3A_182 : i32
      %dma_wait3A_184 = arith.constant 0 : i32
      %dma_wait3A_185 = arith.constant 0 : i32
      %dma_wait3A_186 = arith.constant 0 : i32
      %dma_wait3A_187 = tpu.memref_slice %arg14[%dma_wait3A_184, %dma_wait3A_185, %dma_wait3A_186] : memref<2x100x128xf32, #tpu.memory_space<vmem>> -> memref<1x80x128xf32, #tpu.memory_space<vmem>>
      %dma_wait3A_188 = tpu.memref_squeeze %dma_wait3A_187 : memref<1x80x128xf32, #tpu.memory_space<vmem>> -> memref<80x128xf32, #tpu.memory_space<vmem>>
      %dma_wait3A_189 = arith.constant 0 : i32
      %dma_wait3A_190 = tpu.memref_slice %arg22[%add3A_183, %dma_wait3A_189] : memref<10240x128xf32, #tpu.memory_space<vmem_shared>> -> memref<80x128xf32, #tpu.memory_space<vmem_shared>>
      %dma_wait3A_191 = arith.constant 0 : i32
      %dma_wait3A_192 = arith.constant 0 : i32
      %dma_wait3A_193 = tpu.memref_slice %arg14[%dma_wait3A_184, %dma_wait3A_191, %dma_wait3A_192] : memref<2x100x128xf32, #tpu.memory_space<vmem>> -> memref<1x80x128xf32, #tpu.memory_space<vmem>>
      %dma_wait3A_194 = tpu.memref_squeeze %dma_wait3A_193 : memref<1x80x128xf32, #tpu.memory_space<vmem>> -> memref<80x128xf32, #tpu.memory_space<vmem>>
      %dma_wait3A_195 = arith.constant 0 : i32
      %dma_wait3A_196 = tpu.memref_slice %arg22[%add3A_183, %dma_wait3A_195] : memref<10240x128xf32, #tpu.memory_space<vmem_shared>> -> memref<80x128xf32, #tpu.memory_space<vmem_shared>>
      tpu.wait_dma2 semaphore(%arg17 : memref<!tpu.dma_semaphore, #tpu.memory_space<semaphore_mem>>) src(%dma_wait3A_196 : memref<80x128xf32, #tpu.memory_space<vmem_shared>>) dst(%dma_wait3A_194 : memref<80x128xf32, #tpu.memory_space<vmem>>)
      %mul3A_197 = arith.constant 640 : i32
      %mul3A_198 = arith.muli %arg1, %mul3A_197 : i32
      %add3A_199 = arith.constant 400 : i32
      %add3A_200 = arith.addi %mul3A_198, %add3A_199 : i32
      %dma_start3A_201 = arith.constant 1 : i32
      %dma_start3A_202 = arith.constant 0 : i32
      %dma_start3A_203 = arith.constant 0 : i32
      %dma_start3A_204 = tpu.memref_slice %arg14[%dma_start3A_201, %dma_start3A_202, %dma_start3A_203] : memref<2x100x128xf32, #tpu.memory_space<vmem>> -> memref<1x80x128xf32, #tpu.memory_space<vmem>>
      %dma_start3A_205 = tpu.memref_squeeze %dma_start3A_204 : memref<1x80x128xf32, #tpu.memory_space<vmem>> -> memref<80x128xf32, #tpu.memory_space<vmem>>
      %dma_start3A_206 = arith.constant 0 : i32
      %dma_start3A_207 = tpu.memref_slice %arg22[%add3A_200, %dma_start3A_206] : memref<10240x128xf32, #tpu.memory_space<vmem_shared>> -> memref<80x128xf32, #tpu.memory_space<vmem_shared>>
      %dma_start3A_208 = arith.constant 0 : i32
      %dma_start3A_209 = arith.constant 0 : i32
      %dma_start3A_210 = tpu.memref_slice %arg14[%dma_start3A_201, %dma_start3A_208, %dma_start3A_209] : memref<2x100x128xf32, #tpu.memory_space<vmem>> -> memref<1x80x128xf32, #tpu.memory_space<vmem>>
      %dma_start3A_211 = tpu.memref_squeeze %dma_start3A_210 : memref<1x80x128xf32, #tpu.memory_space<vmem>> -> memref<80x128xf32, #tpu.memory_space<vmem>>
      %dma_start3A_212 = arith.constant 0 : i32
      %dma_start3A_213 = tpu.memref_slice %arg22[%add3A_200, %dma_start3A_212] : memref<10240x128xf32, #tpu.memory_space<vmem_shared>> -> memref<80x128xf32, #tpu.memory_space<vmem_shared>>
      tpu.enqueue_dma source(%dma_start3A_213 : memref<80x128xf32, #tpu.memory_space<vmem_shared>>) target(%dma_start3A_211 : memref<80x128xf32, #tpu.memory_space<vmem>>) target_semaphore(%arg17 : memref<!tpu.dma_semaphore, #tpu.memory_space<semaphore_mem>>)
      %mul3A_214 = arith.constant 640 : i32
      %mul3A_215 = arith.muli %arg1, %mul3A_214 : i32
      %add3A_216 = arith.constant 320 : i32
      %add3A_217 = arith.addi %mul3A_215, %add3A_216 : i32
      %run_scoped3A_218 = arith.constant 0 : i32
      "tpu.region"() ({
        %run_scoped3A_323 = tpu.sem_alloc : memref<!tpu.dma_semaphore, #tpu.memory_space<semaphore_mem>>
        %dma_start3A_324 = arith.constant 0 : i32
        %dma_start3A_325 = arith.constant 0 : i32
        %dma_start3A_326 = tpu.memref_slice %arg14[%run_scoped3A_218, %dma_start3A_324, %dma_start3A_325] : memref<2x100x128xf32, #tpu.memory_space<vmem>> -> memref<1x80x128xf32, #tpu.memory_space<vmem>>
        %dma_start3A_327 = tpu.memref_squeeze %dma_start3A_326 : memref<1x80x128xf32, #tpu.memory_space<vmem>> -> memref<80x128xf32, #tpu.memory_space<vmem>>
        %dma_start3A_328 = arith.constant 0 : i32
        %dma_start3A_329 = tpu.memref_slice %arg9[%add3A_217, %dma_start3A_328] : memref<10240x128xf32, #tpu.memory_space<hbm>> -> memref<80x128xf32, #tpu.memory_space<hbm>>
        %dma_start3A_330 = arith.constant 0 : i32
        %dma_start3A_331 = tpu.memref_slice %arg9[%add3A_217, %dma_start3A_330] : memref<10240x128xf32, #tpu.memory_space<hbm>> -> memref<80x128xf32, #tpu.memory_space<hbm>>
        %dma_start3A_332 = arith.constant 0 : i32
        %dma_start3A_333 = arith.constant 0 : i32
        %dma_start3A_334 = tpu.memref_slice %arg14[%run_scoped3A_218, %dma_start3A_332, %dma_start3A_333] : memref<2x100x128xf32, #tpu.memory_space<vmem>> -> memref<1x80x128xf32, #tpu.memory_space<vmem>>
        %dma_start3A_335 = tpu.memref_squeeze %dma_start3A_334 : memref<1x80x128xf32, #tpu.memory_space<vmem>> -> memref<80x128xf32, #tpu.memory_space<vmem>>
        tpu.enqueue_dma source(%dma_start3A_335 : memref<80x128xf32, #tpu.memory_space<vmem>>) target(%dma_start3A_331 : memref<80x128xf32, #tpu.memory_space<hbm>>) target_semaphore(%run_scoped3A_323 : memref<!tpu.dma_semaphore, #tpu.memory_space<semaphore_mem>>)
        %dma_wait3A_336 = arith.constant 0 : i32
        %dma_wait3A_337 = arith.constant 0 : i32
        %dma_wait3A_338 = tpu.memref_slice %arg14[%run_scoped3A_218, %dma_wait3A_336, %dma_wait3A_337] : memref<2x100x128xf32, #tpu.memory_space<vmem>> -> memref<1x80x128xf32, #tpu.memory_space<vmem>>
        %dma_wait3A_339 = tpu.memref_squeeze %dma_wait3A_338 : memref<1x80x128xf32, #tpu.memory_space<vmem>> -> memref<80x128xf32, #tpu.memory_space<vmem>>
        %dma_wait3A_340 = arith.constant 0 : i32
        %dma_wait3A_341 = tpu.memref_slice %arg9[%add3A_217, %dma_wait3A_340] : memref<10240x128xf32, #tpu.memory_space<hbm>> -> memref<80x128xf32, #tpu.memory_space<hbm>>
        %dma_wait3A_342 = arith.constant 0 : i32
        %dma_wait3A_343 = tpu.memref_slice %arg9[%add3A_217, %dma_wait3A_342] : memref<10240x128xf32, #tpu.memory_space<hbm>> -> memref<80x128xf32, #tpu.memory_space<hbm>>
        %dma_wait3A_344 = arith.constant 0 : i32
        %dma_wait3A_345 = arith.constant 0 : i32
        %dma_wait3A_346 = tpu.memref_slice %arg14[%run_scoped3A_218, %dma_wait3A_344, %dma_wait3A_345] : memref<2x100x128xf32, #tpu.memory_space<vmem>> -> memref<1x80x128xf32, #tpu.memory_space<vmem>>
        %dma_wait3A_347 = tpu.memref_squeeze %dma_wait3A_346 : memref<1x80x128xf32, #tpu.memory_space<vmem>> -> memref<80x128xf32, #tpu.memory_space<vmem>>
        tpu.wait_dma2 semaphore(%run_scoped3A_323 : memref<!tpu.dma_semaphore, #tpu.memory_space<semaphore_mem>>) src(%dma_wait3A_347 : memref<80x128xf32, #tpu.memory_space<vmem>>) dst(%dma_wait3A_343 : memref<80x128xf32, #tpu.memory_space<hbm>>)
        tpu.yield
      }) : () -> ()
      %mul3A_219 = arith.constant 640 : i32
      %mul3A_220 = arith.muli %arg1, %mul3A_219 : i32
      %add3A_221 = arith.constant 400 : i32
      %add3A_222 = arith.addi %mul3A_220, %add3A_221 : i32
      %dma_wait3A_223 = arith.constant 1 : i32
      %dma_wait3A_224 = arith.constant 0 : i32
      %dma_wait3A_225 = arith.constant 0 : i32
      %dma_wait3A_226 = tpu.memref_slice %arg14[%dma_wait3A_223, %dma_wait3A_224, %dma_wait3A_225] : memref<2x100x128xf32, #tpu.memory_space<vmem>> -> memref<1x80x128xf32, #tpu.memory_space<vmem>>
      %dma_wait3A_227 = tpu.memref_squeeze %dma_wait3A_226 : memref<1x80x128xf32, #tpu.memory_space<vmem>> -> memref<80x128xf32, #tpu.memory_space<vmem>>
      %dma_wait3A_228 = arith.constant 0 : i32
      %dma_wait3A_229 = tpu.memref_slice %arg22[%add3A_222, %dma_wait3A_228] : memref<10240x128xf32, #tpu.memory_space<vmem_shared>> -> memref<80x128xf32, #tpu.memory_space<vmem_shared>>
      %dma_wait3A_230 = arith.constant 0 : i32
      %dma_wait3A_231 = arith.constant 0 : i32
      %dma_wait3A_232 = tpu.memref_slice %arg14[%dma_wait3A_223, %dma_wait3A_230, %dma_wait3A_231] : memref<2x100x128xf32, #tpu.memory_space<vmem>> -> memref<1x80x128xf32, #tpu.memory_space<vmem>>
      %dma_wait3A_233 = tpu.memref_squeeze %dma_wait3A_232 : memref<1x80x128xf32, #tpu.memory_space<vmem>> -> memref<80x128xf32, #tpu.memory_space<vmem>>
      %dma_wait3A_234 = arith.constant 0 : i32
      %dma_wait3A_235 = tpu.memref_slice %arg22[%add3A_222, %dma_wait3A_234] : memref<10240x128xf32, #tpu.memory_space<vmem_shared>> -> memref<80x128xf32, #tpu.memory_space<vmem_shared>>
      tpu.wait_dma2 semaphore(%arg17 : memref<!tpu.dma_semaphore, #tpu.memory_space<semaphore_mem>>) src(%dma_wait3A_235 : memref<80x128xf32, #tpu.memory_space<vmem_shared>>) dst(%dma_wait3A_233 : memref<80x128xf32, #tpu.memory_space<vmem>>)
      %mul3A_236 = arith.constant 640 : i32
      %mul3A_237 = arith.muli %arg1, %mul3A_236 : i32
      %add3A_238 = arith.constant 480 : i32
      %add3A_239 = arith.addi %mul3A_237, %add3A_238 : i32
      %dma_start3A_240 = arith.constant 0 : i32
      %dma_start3A_241 = arith.constant 0 : i32
      %dma_start3A_242 = arith.constant 0 : i32
      %dma_start3A_243 = tpu.memref_slice %arg14[%dma_start3A_240, %dma_start3A_241, %dma_start3A_242] : memref<2x100x128xf32, #tpu.memory_space<vmem>> -> memref<1x80x128xf32, #tpu.memory_space<vmem>>
      %dma_start3A_244 = tpu.memref_squeeze %dma_start3A_243 : memref<1x80x128xf32, #tpu.memory_space<vmem>> -> memref<80x128xf32, #tpu.memory_space<vmem>>
      %dma_start3A_245 = arith.constant 0 : i32
      %dma_start3A_246 = tpu.memref_slice %arg22[%add3A_239, %dma_start3A_245] : memref<10240x128xf32, #tpu.memory_space<vmem_shared>> -> memref<80x128xf32, #tpu.memory_space<vmem_shared>>
      %dma_start3A_247 = arith.constant 0 : i32
      %dma_start3A_248 = arith.constant 0 : i32
      %dma_start3A_249 = tpu.memref_slice %arg14[%dma_start3A_240, %dma_start3A_247, %dma_start3A_248] : memref<2x100x128xf32, #tpu.memory_space<vmem>> -> memref<1x80x128xf32, #tpu.memory_space<vmem>>
      %dma_start3A_250 = tpu.memref_squeeze %dma_start3A_249 : memref<1x80x128xf32, #tpu.memory_space<vmem>> -> memref<80x128xf32, #tpu.memory_space<vmem>>
      %dma_start3A_251 = arith.constant 0 : i32
      %dma_start3A_252 = tpu.memref_slice %arg22[%add3A_239, %dma_start3A_251] : memref<10240x128xf32, #tpu.memory_space<vmem_shared>> -> memref<80x128xf32, #tpu.memory_space<vmem_shared>>
      tpu.enqueue_dma source(%dma_start3A_252 : memref<80x128xf32, #tpu.memory_space<vmem_shared>>) target(%dma_start3A_250 : memref<80x128xf32, #tpu.memory_space<vmem>>) target_semaphore(%arg17 : memref<!tpu.dma_semaphore, #tpu.memory_space<semaphore_mem>>)
      %mul3A_253 = arith.constant 640 : i32
      %mul3A_254 = arith.muli %arg1, %mul3A_253 : i32
      %add3A_255 = arith.constant 400 : i32
      %add3A_256 = arith.addi %mul3A_254, %add3A_255 : i32
      %run_scoped3A_257 = arith.constant 1 : i32
      "tpu.region"() ({
        %run_scoped3A_323 = tpu.sem_alloc : memref<!tpu.dma_semaphore, #tpu.memory_space<semaphore_mem>>
        %dma_start3A_324 = arith.constant 0 : i32
        %dma_start3A_325 = arith.constant 0 : i32
        %dma_start3A_326 = tpu.memref_slice %arg14[%run_scoped3A_257, %dma_start3A_324, %dma_start3A_325] : memref<2x100x128xf32, #tpu.memory_space<vmem>> -> memref<1x80x128xf32, #tpu.memory_space<vmem>>
        %dma_start3A_327 = tpu.memref_squeeze %dma_start3A_326 : memref<1x80x128xf32, #tpu.memory_space<vmem>> -> memref<80x128xf32, #tpu.memory_space<vmem>>
        %dma_start3A_328 = arith.constant 0 : i32
        %dma_start3A_329 = tpu.memref_slice %arg9[%add3A_256, %dma_start3A_328] : memref<10240x128xf32, #tpu.memory_space<hbm>> -> memref<80x128xf32, #tpu.memory_space<hbm>>
        %dma_start3A_330 = arith.constant 0 : i32
        %dma_start3A_331 = tpu.memref_slice %arg9[%add3A_256, %dma_start3A_330] : memref<10240x128xf32, #tpu.memory_space<hbm>> -> memref<80x128xf32, #tpu.memory_space<hbm>>
        %dma_start3A_332 = arith.constant 0 : i32
        %dma_start3A_333 = arith.constant 0 : i32
        %dma_start3A_334 = tpu.memref_slice %arg14[%run_scoped3A_257, %dma_start3A_332, %dma_start3A_333] : memref<2x100x128xf32, #tpu.memory_space<vmem>> -> memref<1x80x128xf32, #tpu.memory_space<vmem>>
        %dma_start3A_335 = tpu.memref_squeeze %dma_start3A_334 : memref<1x80x128xf32, #tpu.memory_space<vmem>> -> memref<80x128xf32, #tpu.memory_space<vmem>>
        tpu.enqueue_dma source(%dma_start3A_335 : memref<80x128xf32, #tpu.memory_space<vmem>>) target(%dma_start3A_331 : memref<80x128xf32, #tpu.memory_space<hbm>>) target_semaphore(%run_scoped3A_323 : memref<!tpu.dma_semaphore, #tpu.memory_space<semaphore_mem>>)
        %dma_wait3A_336 = arith.constant 0 : i32
        %dma_wait3A_337 = arith.constant 0 : i32
        %dma_wait3A_338 = tpu.memref_slice %arg14[%run_scoped3A_257, %dma_wait3A_336, %dma_wait3A_337] : memref<2x100x128xf32, #tpu.memory_space<vmem>> -> memref<1x80x128xf32, #tpu.memory_space<vmem>>
        %dma_wait3A_339 = tpu.memref_squeeze %dma_wait3A_338 : memref<1x80x128xf32, #tpu.memory_space<vmem>> -> memref<80x128xf32, #tpu.memory_space<vmem>>
        %dma_wait3A_340 = arith.constant 0 : i32
        %dma_wait3A_341 = tpu.memref_slice %arg9[%add3A_256, %dma_wait3A_340] : memref<10240x128xf32, #tpu.memory_space<hbm>> -> memref<80x128xf32, #tpu.memory_space<hbm>>
        %dma_wait3A_342 = arith.constant 0 : i32
        %dma_wait3A_343 = tpu.memref_slice %arg9[%add3A_256, %dma_wait3A_342] : memref<10240x128xf32, #tpu.memory_space<hbm>> -> memref<80x128xf32, #tpu.memory_space<hbm>>
        %dma_wait3A_344 = arith.constant 0 : i32
        %dma_wait3A_345 = arith.constant 0 : i32
        %dma_wait3A_346 = tpu.memref_slice %arg14[%run_scoped3A_257, %dma_wait3A_344, %dma_wait3A_345] : memref<2x100x128xf32, #tpu.memory_space<vmem>> -> memref<1x80x128xf32, #tpu.memory_space<vmem>>
        %dma_wait3A_347 = tpu.memref_squeeze %dma_wait3A_346 : memref<1x80x128xf32, #tpu.memory_space<vmem>> -> memref<80x128xf32, #tpu.memory_space<vmem>>
        tpu.wait_dma2 semaphore(%run_scoped3A_323 : memref<!tpu.dma_semaphore, #tpu.memory_space<semaphore_mem>>) src(%dma_wait3A_347 : memref<80x128xf32, #tpu.memory_space<vmem>>) dst(%dma_wait3A_343 : memref<80x128xf32, #tpu.memory_space<hbm>>)
        tpu.yield
      }) : () -> ()
      %mul3A_258 = arith.constant 640 : i32
      %mul3A_259 = arith.muli %arg1, %mul3A_258 : i32
      %add3A_260 = arith.constant 480 : i32
      %add3A_261 = arith.addi %mul3A_259, %add3A_260 : i32
      %dma_wait3A_262 = arith.constant 0 : i32
      %dma_wait3A_263 = arith.constant 0 : i32
      %dma_wait3A_264 = arith.constant 0 : i32
      %dma_wait3A_265 = tpu.memref_slice %arg14[%dma_wait3A_262, %dma_wait3A_263, %dma_wait3A_264] : memref<2x100x128xf32, #tpu.memory_space<vmem>> -> memref<1x80x128xf32, #tpu.memory_space<vmem>>
      %dma_wait3A_266 = tpu.memref_squeeze %dma_wait3A_265 : memref<1x80x128xf32, #tpu.memory_space<vmem>> -> memref<80x128xf32, #tpu.memory_space<vmem>>
      %dma_wait3A_267 = arith.constant 0 : i32
      %dma_wait3A_268 = tpu.memref_slice %arg22[%add3A_261, %dma_wait3A_267] : memref<10240x128xf32, #tpu.memory_space<vmem_shared>> -> memref<80x128xf32, #tpu.memory_space<vmem_shared>>
      %dma_wait3A_269 = arith.constant 0 : i32
      %dma_wait3A_270 = arith.constant 0 : i32
      %dma_wait3A_271 = tpu.memref_slice %arg14[%dma_wait3A_262, %dma_wait3A_269, %dma_wait3A_270] : memref<2x100x128xf32, #tpu.memory_space<vmem>> -> memref<1x80x128xf32, #tpu.memory_space<vmem>>
      %dma_wait3A_272 = tpu.memref_squeeze %dma_wait3A_271 : memref<1x80x128xf32, #tpu.memory_space<vmem>> -> memref<80x128xf32, #tpu.memory_space<vmem>>
      %dma_wait3A_273 = arith.constant 0 : i32
      %dma_wait3A_274 = tpu.memref_slice %arg22[%add3A_261, %dma_wait3A_273] : memref<10240x128xf32, #tpu.memory_space<vmem_shared>> -> memref<80x128xf32, #tpu.memory_space<vmem_shared>>
      tpu.wait_dma2 semaphore(%arg17 : memref<!tpu.dma_semaphore, #tpu.memory_space<semaphore_mem>>) src(%dma_wait3A_274 : memref<80x128xf32, #tpu.memory_space<vmem_shared>>) dst(%dma_wait3A_272 : memref<80x128xf32, #tpu.memory_space<vmem>>)
      %mul3A_275 = arith.constant 640 : i32
      %mul3A_276 = arith.muli %arg1, %mul3A_275 : i32
      %add3A_277 = arith.constant 560 : i32
      %add3A_278 = arith.addi %mul3A_276, %add3A_277 : i32
      %dma_start3A_279 = arith.constant 1 : i32
      %dma_start3A_280 = arith.constant 0 : i32
      %dma_start3A_281 = arith.constant 0 : i32
      %dma_start3A_282 = tpu.memref_slice %arg14[%dma_start3A_279, %dma_start3A_280, %dma_start3A_281] : memref<2x100x128xf32, #tpu.memory_space<vmem>> -> memref<1x80x128xf32, #tpu.memory_space<vmem>>
      %dma_start3A_283 = tpu.memref_squeeze %dma_start3A_282 : memref<1x80x128xf32, #tpu.memory_space<vmem>> -> memref<80x128xf32, #tpu.memory_space<vmem>>
      %dma_start3A_284 = arith.constant 0 : i32
      %dma_start3A_285 = tpu.memref_slice %arg22[%add3A_278, %dma_start3A_284] : memref<10240x128xf32, #tpu.memory_space<vmem_shared>> -> memref<80x128xf32, #tpu.memory_space<vmem_shared>>
      %dma_start3A_286 = arith.constant 0 : i32
      %dma_start3A_287 = arith.constant 0 : i32
      %dma_start3A_288 = tpu.memref_slice %arg14[%dma_start3A_279, %dma_start3A_286, %dma_start3A_287] : memref<2x100x128xf32, #tpu.memory_space<vmem>> -> memref<1x80x128xf32, #tpu.memory_space<vmem>>
      %dma_start3A_289 = tpu.memref_squeeze %dma_start3A_288 : memref<1x80x128xf32, #tpu.memory_space<vmem>> -> memref<80x128xf32, #tpu.memory_space<vmem>>
      %dma_start3A_290 = arith.constant 0 : i32
      %dma_start3A_291 = tpu.memref_slice %arg22[%add3A_278, %dma_start3A_290] : memref<10240x128xf32, #tpu.memory_space<vmem_shared>> -> memref<80x128xf32, #tpu.memory_space<vmem_shared>>
      tpu.enqueue_dma source(%dma_start3A_291 : memref<80x128xf32, #tpu.memory_space<vmem_shared>>) target(%dma_start3A_289 : memref<80x128xf32, #tpu.memory_space<vmem>>) target_semaphore(%arg17 : memref<!tpu.dma_semaphore, #tpu.memory_space<semaphore_mem>>)
      %mul3A_292 = arith.constant 640 : i32
      %mul3A_293 = arith.muli %arg1, %mul3A_292 : i32
      %add3A_294 = arith.constant 480 : i32
      %add3A_295 = arith.addi %mul3A_293, %add3A_294 : i32
      %run_scoped3A_296 = arith.constant 0 : i32
      "tpu.region"() ({
        %run_scoped3A_323 = tpu.sem_alloc : memref<!tpu.dma_semaphore, #tpu.memory_space<semaphore_mem>>
        %dma_start3A_324 = arith.constant 0 : i32
        %dma_start3A_325 = arith.constant 0 : i32
        %dma_start3A_326 = tpu.memref_slice %arg14[%run_scoped3A_296, %dma_start3A_324, %dma_start3A_325] : memref<2x100x128xf32, #tpu.memory_space<vmem>> -> memref<1x80x128xf32, #tpu.memory_space<vmem>>
        %dma_start3A_327 = tpu.memref_squeeze %dma_start3A_326 : memref<1x80x128xf32, #tpu.memory_space<vmem>> -> memref<80x128xf32, #tpu.memory_space<vmem>>
        %dma_start3A_328 = arith.constant 0 : i32
        %dma_start3A_329 = tpu.memref_slice %arg9[%add3A_295, %dma_start3A_328] : memref<10240x128xf32, #tpu.memory_space<hbm>> -> memref<80x128xf32, #tpu.memory_space<hbm>>
        %dma_start3A_330 = arith.constant 0 : i32
        %dma_start3A_331 = tpu.memref_slice %arg9[%add3A_295, %dma_start3A_330] : memref<10240x128xf32, #tpu.memory_space<hbm>> -> memref<80x128xf32, #tpu.memory_space<hbm>>
        %dma_start3A_332 = arith.constant 0 : i32
        %dma_start3A_333 = arith.constant 0 : i32
        %dma_start3A_334 = tpu.memref_slice %arg14[%run_scoped3A_296, %dma_start3A_332, %dma_start3A_333] : memref<2x100x128xf32, #tpu.memory_space<vmem>> -> memref<1x80x128xf32, #tpu.memory_space<vmem>>
        %dma_start3A_335 = tpu.memref_squeeze %dma_start3A_334 : memref<1x80x128xf32, #tpu.memory_space<vmem>> -> memref<80x128xf32, #tpu.memory_space<vmem>>
        tpu.enqueue_dma source(%dma_start3A_335 : memref<80x128xf32, #tpu.memory_space<vmem>>) target(%dma_start3A_331 : memref<80x128xf32, #tpu.memory_space<hbm>>) target_semaphore(%run_scoped3A_323 : memref<!tpu.dma_semaphore, #tpu.memory_space<semaphore_mem>>)
        %dma_wait3A_336 = arith.constant 0 : i32
        %dma_wait3A_337 = arith.constant 0 : i32
        %dma_wait3A_338 = tpu.memref_slice %arg14[%run_scoped3A_296, %dma_wait3A_336, %dma_wait3A_337] : memref<2x100x128xf32, #tpu.memory_space<vmem>> -> memref<1x80x128xf32, #tpu.memory_space<vmem>>
        %dma_wait3A_339 = tpu.memref_squeeze %dma_wait3A_338 : memref<1x80x128xf32, #tpu.memory_space<vmem>> -> memref<80x128xf32, #tpu.memory_space<vmem>>
        %dma_wait3A_340 = arith.constant 0 : i32
        %dma_wait3A_341 = tpu.memref_slice %arg9[%add3A_295, %dma_wait3A_340] : memref<10240x128xf32, #tpu.memory_space<hbm>> -> memref<80x128xf32, #tpu.memory_space<hbm>>
        %dma_wait3A_342 = arith.constant 0 : i32
        %dma_wait3A_343 = tpu.memref_slice %arg9[%add3A_295, %dma_wait3A_342] : memref<10240x128xf32, #tpu.memory_space<hbm>> -> memref<80x128xf32, #tpu.memory_space<hbm>>
        %dma_wait3A_344 = arith.constant 0 : i32
        %dma_wait3A_345 = arith.constant 0 : i32
        %dma_wait3A_346 = tpu.memref_slice %arg14[%run_scoped3A_296, %dma_wait3A_344, %dma_wait3A_345] : memref<2x100x128xf32, #tpu.memory_space<vmem>> -> memref<1x80x128xf32, #tpu.memory_space<vmem>>
        %dma_wait3A_347 = tpu.memref_squeeze %dma_wait3A_346 : memref<1x80x128xf32, #tpu.memory_space<vmem>> -> memref<80x128xf32, #tpu.memory_space<vmem>>
        tpu.wait_dma2 semaphore(%run_scoped3A_323 : memref<!tpu.dma_semaphore, #tpu.memory_space<semaphore_mem>>) src(%dma_wait3A_347 : memref<80x128xf32, #tpu.memory_space<vmem>>) dst(%dma_wait3A_343 : memref<80x128xf32, #tpu.memory_space<hbm>>)
        tpu.yield
      }) : () -> ()
      %mul3A_297 = arith.constant 640 : i32
      %mul3A_298 = arith.muli %arg1, %mul3A_297 : i32
      %add3A_299 = arith.constant 560 : i32
      %add3A_300 = arith.addi %mul3A_298, %add3A_299 : i32
      %dma_wait3A_301 = arith.constant 1 : i32
      %dma_wait3A_302 = arith.constant 0 : i32
      %dma_wait3A_303 = arith.constant 0 : i32
      %dma_wait3A_304 = tpu.memref_slice %arg14[%dma_wait3A_301, %dma_wait3A_302, %dma_wait3A_303] : memref<2x100x128xf32, #tpu.memory_space<vmem>> -> memref<1x80x128xf32, #tpu.memory_space<vmem>>
      %dma_wait3A_305 = tpu.memref_squeeze %dma_wait3A_304 : memref<1x80x128xf32, #tpu.memory_space<vmem>> -> memref<80x128xf32, #tpu.memory_space<vmem>>
      %dma_wait3A_306 = arith.constant 0 : i32
      %dma_wait3A_307 = tpu.memref_slice %arg22[%add3A_300, %dma_wait3A_306] : memref<10240x128xf32, #tpu.memory_space<vmem_shared>> -> memref<80x128xf32, #tpu.memory_space<vmem_shared>>
      %dma_wait3A_308 = arith.constant 0 : i32
      %dma_wait3A_309 = arith.constant 0 : i32
      %dma_wait3A_310 = tpu.memref_slice %arg14[%dma_wait3A_301, %dma_wait3A_308, %dma_wait3A_309] : memref<2x100x128xf32, #tpu.memory_space<vmem>> -> memref<1x80x128xf32, #tpu.memory_space<vmem>>
      %dma_wait3A_311 = tpu.memref_squeeze %dma_wait3A_310 : memref<1x80x128xf32, #tpu.memory_space<vmem>> -> memref<80x128xf32, #tpu.memory_space<vmem>>
      %dma_wait3A_312 = arith.constant 0 : i32
      %dma_wait3A_313 = tpu.memref_slice %arg22[%add3A_300, %dma_wait3A_312] : memref<10240x128xf32, #tpu.memory_space<vmem_shared>> -> memref<80x128xf32, #tpu.memory_space<vmem_shared>>
      tpu.wait_dma2 semaphore(%arg17 : memref<!tpu.dma_semaphore, #tpu.memory_space<semaphore_mem>>) src(%dma_wait3A_313 : memref<80x128xf32, #tpu.memory_space<vmem_shared>>) dst(%dma_wait3A_311 : memref<80x128xf32, #tpu.memory_space<vmem>>)
      %mul3A_314 = arith.constant 640 : i32
      %mul3A_315 = arith.muli %arg1, %mul3A_314 : i32
      %add3A_316 = arith.constant 560 : i32
      %add3A_317 = arith.addi %mul3A_315, %add3A_316 : i32
      %run_scoped3A_318 = arith.constant 1 : i32
      "tpu.region"() ({
        %run_scoped3A_323 = tpu.sem_alloc : memref<!tpu.dma_semaphore, #tpu.memory_space<semaphore_mem>>
        %dma_start3A_324 = arith.constant 0 : i32
        %dma_start3A_325 = arith.constant 0 : i32
        %dma_start3A_326 = tpu.memref_slice %arg14[%run_scoped3A_318, %dma_start3A_324, %dma_start3A_325] : memref<2x100x128xf32, #tpu.memory_space<vmem>> -> memref<1x80x128xf32, #tpu.memory_space<vmem>>
        %dma_start3A_327 = tpu.memref_squeeze %dma_start3A_326 : memref<1x80x128xf32, #tpu.memory_space<vmem>> -> memref<80x128xf32, #tpu.memory_space<vmem>>
        %dma_start3A_328 = arith.constant 0 : i32
        %dma_start3A_329 = tpu.memref_slice %arg9[%add3A_317, %dma_start3A_328] : memref<10240x128xf32, #tpu.memory_space<hbm>> -> memref<80x128xf32, #tpu.memory_space<hbm>>
        %dma_start3A_330 = arith.constant 0 : i32
        %dma_start3A_331 = tpu.memref_slice %arg9[%add3A_317, %dma_start3A_330] : memref<10240x128xf32, #tpu.memory_space<hbm>> -> memref<80x128xf32, #tpu.memory_space<hbm>>
        %dma_start3A_332 = arith.constant 0 : i32
        %dma_start3A_333 = arith.constant 0 : i32
        %dma_start3A_334 = tpu.memref_slice %arg14[%run_scoped3A_318, %dma_start3A_332, %dma_start3A_333] : memref<2x100x128xf32, #tpu.memory_space<vmem>> -> memref<1x80x128xf32, #tpu.memory_space<vmem>>
        %dma_start3A_335 = tpu.memref_squeeze %dma_start3A_334 : memref<1x80x128xf32, #tpu.memory_space<vmem>> -> memref<80x128xf32, #tpu.memory_space<vmem>>
        tpu.enqueue_dma source(%dma_start3A_335 : memref<80x128xf32, #tpu.memory_space<vmem>>) target(%dma_start3A_331 : memref<80x128xf32, #tpu.memory_space<hbm>>) target_semaphore(%run_scoped3A_323 : memref<!tpu.dma_semaphore, #tpu.memory_space<semaphore_mem>>)
        %dma_wait3A_336 = arith.constant 0 : i32
        %dma_wait3A_337 = arith.constant 0 : i32
        %dma_wait3A_338 = tpu.memref_slice %arg14[%run_scoped3A_318, %dma_wait3A_336, %dma_wait3A_337] : memref<2x100x128xf32, #tpu.memory_space<vmem>> -> memref<1x80x128xf32, #tpu.memory_space<vmem>>
        %dma_wait3A_339 = tpu.memref_squeeze %dma_wait3A_338 : memref<1x80x128xf32, #tpu.memory_space<vmem>> -> memref<80x128xf32, #tpu.memory_space<vmem>>
        %dma_wait3A_340 = arith.constant 0 : i32
        %dma_wait3A_341 = tpu.memref_slice %arg9[%add3A_317, %dma_wait3A_340] : memref<10240x128xf32, #tpu.memory_space<hbm>> -> memref<80x128xf32, #tpu.memory_space<hbm>>
        %dma_wait3A_342 = arith.constant 0 : i32
        %dma_wait3A_343 = tpu.memref_slice %arg9[%add3A_317, %dma_wait3A_342] : memref<10240x128xf32, #tpu.memory_space<hbm>> -> memref<80x128xf32, #tpu.memory_space<hbm>>
        %dma_wait3A_344 = arith.constant 0 : i32
        %dma_wait3A_345 = arith.constant 0 : i32
        %dma_wait3A_346 = tpu.memref_slice %arg14[%run_scoped3A_318, %dma_wait3A_344, %dma_wait3A_345] : memref<2x100x128xf32, #tpu.memory_space<vmem>> -> memref<1x80x128xf32, #tpu.memory_space<vmem>>
        %dma_wait3A_347 = tpu.memref_squeeze %dma_wait3A_346 : memref<1x80x128xf32, #tpu.memory_space<vmem>> -> memref<80x128xf32, #tpu.memory_space<vmem>>
        tpu.wait_dma2 semaphore(%run_scoped3A_323 : memref<!tpu.dma_semaphore, #tpu.memory_space<semaphore_mem>>) src(%dma_wait3A_347 : memref<80x128xf32, #tpu.memory_space<vmem>>) dst(%dma_wait3A_343 : memref<80x128xf32, #tpu.memory_space<hbm>>)
        tpu.yield
      }) : () -> ()
      %mul3A_319 = arith.constant 640 : i32
      %mul3A_320 = arith.muli %arg1, %mul3A_319 : i32
      "tpu.region"() ({
        %run_scoped3A_323 = tpu.sem_alloc : memref<!tpu.dma_semaphore, #tpu.memory_space<semaphore_mem>>
        %dma_start3A_324 = tpu.memref_slice %arg23[%mul3A_320] : memref<10240xf32, #tpu.memory_space<vmem_shared>> -> memref<640xf32, #tpu.memory_space<vmem_shared>>
        %dma_start3A_325 = tpu.memref_slice %arg23[%mul3A_320] : memref<10240xf32, #tpu.memory_space<vmem_shared>> -> memref<640xf32, #tpu.memory_space<vmem_shared>>
        tpu.enqueue_dma source(%dma_start3A_325 : memref<640xf32, #tpu.memory_space<vmem_shared>>) target(%arg16 : memref<640xf32, #tpu.memory_space<vmem>>) target_semaphore(%run_scoped3A_323 : memref<!tpu.dma_semaphore, #tpu.memory_space<semaphore_mem>>)
        %dma_wait3A_326 = tpu.memref_slice %arg23[%mul3A_320] : memref<10240xf32, #tpu.memory_space<vmem_shared>> -> memref<640xf32, #tpu.memory_space<vmem_shared>>
        %dma_wait3A_327 = tpu.memref_slice %arg23[%mul3A_320] : memref<10240xf32, #tpu.memory_space<vmem_shared>> -> memref<640xf32, #tpu.memory_space<vmem_shared>>
        tpu.wait_dma2 semaphore(%run_scoped3A_323 : memref<!tpu.dma_semaphore, #tpu.memory_space<semaphore_mem>>) src(%dma_wait3A_327 : memref<640xf32, #tpu.memory_space<vmem_shared>>) dst(%arg16 : memref<640xf32, #tpu.memory_space<vmem>>)
        tpu.yield
      }) : () -> ()
      %mul3A_321 = arith.constant 640 : i32
      %mul3A_322 = arith.muli %arg1, %mul3A_321 : i32
      "tpu.region"() ({
        %run_scoped3A_323 = tpu.sem_alloc : memref<!tpu.dma_semaphore, #tpu.memory_space<semaphore_mem>>
        %dma_start3A_324 = tpu.memref_slice %arg11[%mul3A_322] : memref<10240xf32, #tpu.memory_space<hbm>> -> memref<640xf32, #tpu.memory_space<hbm>>
        %dma_start3A_325 = tpu.memref_slice %arg11[%mul3A_322] : memref<10240xf32, #tpu.memory_space<hbm>> -> memref<640xf32, #tpu.memory_space<hbm>>
        tpu.enqueue_dma source(%arg16 : memref<640xf32, #tpu.memory_space<vmem>>) target(%dma_start3A_325 : memref<640xf32, #tpu.memory_space<hbm>>) target_semaphore(%run_scoped3A_323 : memref<!tpu.dma_semaphore, #tpu.memory_space<semaphore_mem>>)
        %dma_wait3A_326 = tpu.memref_slice %arg11[%mul3A_322] : memref<10240xf32, #tpu.memory_space<hbm>> -> memref<640xf32, #tpu.memory_space<hbm>>
        %dma_wait3A_327 = tpu.memref_slice %arg11[%mul3A_322] : memref<10240xf32, #tpu.memory_space<hbm>> -> memref<640xf32, #tpu.memory_space<hbm>>
        tpu.wait_dma2 semaphore(%run_scoped3A_323 : memref<!tpu.dma_semaphore, #tpu.memory_space<semaphore_mem>>) src(%arg16 : memref<640xf32, #tpu.memory_space<vmem>>) dst(%dma_wait3A_327 : memref<640xf32, #tpu.memory_space<hbm>>)
        tpu.yield
      }) : () -> ()
    } else {
    }
    %eq3A_2 = arith.constant 1 : i32
    %eq3A_3 = arith.cmpi eq, %arg0, %eq3A_2 : i32
    %convert_element_type3A_4 = arith.extui %eq3A_3 : i1 to i32
    %cond3A_5 = arith.constant 0 : i32
    %cond3A_6 = arith.cmpi ne, %convert_element_type3A_4, %cond3A_5 : i32
    scf.if %cond3A_6 {
      %mul3A = arith.constant 640 : i32
      %mul3A_7 = arith.muli %arg1, %mul3A : i32
      "tpu.region"() ({
        %run_scoped3A_315 = tpu.sem_alloc : memref<!tpu.dma_semaphore, #tpu.memory_space<semaphore_mem>>
        %dma_start3A_316 = arith.constant 0 : i32
        %dma_start3A_317 = tpu.memref_slice %arg22[%mul3A_7, %dma_start3A_316] : memref<10240x128xf32, #tpu.memory_space<vmem_shared>> -> memref<640x128xf32, #tpu.memory_space<vmem_shared>>
        tpu.enqueue_dma source(%arg6 : memref<640x128xf32, #tpu.memory_space<hbm>>) target(%dma_start3A_317 : memref<640x128xf32, #tpu.memory_space<vmem_shared>>) target_semaphore(%run_scoped3A_315 : memref<!tpu.dma_semaphore, #tpu.memory_space<semaphore_mem>>)
        %dma_wait3A_318 = arith.constant 0 : i32
        %dma_wait3A_319 = tpu.memref_slice %arg22[%mul3A_7, %dma_wait3A_318] : memref<10240x128xf32, #tpu.memory_space<vmem_shared>> -> memref<640x128xf32, #tpu.memory_space<vmem_shared>>
        tpu.wait_dma2 semaphore(%run_scoped3A_315 : memref<!tpu.dma_semaphore, #tpu.memory_space<semaphore_mem>>) src(%arg6 : memref<640x128xf32, #tpu.memory_space<hbm>>) dst(%dma_wait3A_319 : memref<640x128xf32, #tpu.memory_space<vmem_shared>>)
        tpu.yield
      }) : () -> ()
      %barrier3A = arith.constant 0 : index
      tpu.barrier barrier_id(%barrier3A)
      %dma_start3A = arith.constant 0 : i32
      %dma_start3A_8 = arith.constant 0 : i32
      %dma_start3A_9 = arith.constant 0 : i32
      %dma_start3A_10 = arith.constant 0 : i32
      %dma_start3A_11 = tpu.memref_slice %arg14[%dma_start3A_8, %dma_start3A_9, %dma_start3A_10] : memref<2x100x128xf32, #tpu.memory_space<vmem>> -> memref<1x100x128xf32, #tpu.memory_space<vmem>>
      %dma_start3A_12 = tpu.memref_squeeze %dma_start3A_11 : memref<1x100x128xf32, #tpu.memory_space<vmem>> -> memref<100x128xf32, #tpu.memory_space<vmem>>
      %dma_start3A_13 = arith.constant 0 : i32
      %dma_start3A_14 = tpu.memref_slice %arg12[%dma_start3A, %dma_start3A_13] : memref<100x100xi32, #tpu.memory_space<vmem>> -> memref<1x100xi32, #tpu.memory_space<vmem>>
      %dma_start3A_15 = tpu.memref_squeeze %dma_start3A_14 : memref<1x100xi32, #tpu.memory_space<vmem>> -> memref<100xi32, #tpu.memory_space<vmem>>
      %dma_start3A_16 = arith.constant 0 : i32
      %dma_start3A_17 = arith.constant 0 : i32
      %dma_start3A_18 = tpu.memref_slice %arg3[%dma_start3A_16, %dma_start3A_17] : memref<10000x128xf32, #tpu.memory_space<hbm>> -> memref<10000x128xf32, #tpu.memory_space<hbm>>
      tpu.enqueue_indirect_dma source(%dma_start3A_18 : memref<10000x128xf32, #tpu.memory_space<hbm>>) target(%dma_start3A_12 : memref<100x128xf32, #tpu.memory_space<vmem>>) offsets(%dma_start3A_15 : memref<100xi32, #tpu.memory_space<vmem>>) semaphore(%arg17 : memref<!tpu.dma_semaphore, #tpu.memory_space<semaphore_mem>>)
      %dma_start3A_19 = arith.constant 1 : i32
      %dma_start3A_20 = arith.constant 1 : i32
      %dma_start3A_21 = arith.constant 0 : i32
      %dma_start3A_22 = arith.constant 0 : i32
      %dma_start3A_23 = tpu.memref_slice %arg14[%dma_start3A_20, %dma_start3A_21, %dma_start3A_22] : memref<2x100x128xf32, #tpu.memory_space<vmem>> -> memref<1x100x128xf32, #tpu.memory_space<vmem>>
      %dma_start3A_24 = tpu.memref_squeeze %dma_start3A_23 : memref<1x100x128xf32, #tpu.memory_space<vmem>> -> memref<100x128xf32, #tpu.memory_space<vmem>>
      %dma_start3A_25 = arith.constant 0 : i32
      %dma_start3A_26 = tpu.memref_slice %arg12[%dma_start3A_19, %dma_start3A_25] : memref<100x100xi32, #tpu.memory_space<vmem>> -> memref<1x100xi32, #tpu.memory_space<vmem>>
      %dma_start3A_27 = tpu.memref_squeeze %dma_start3A_26 : memref<1x100xi32, #tpu.memory_space<vmem>> -> memref<100xi32, #tpu.memory_space<vmem>>
      %dma_start3A_28 = arith.constant 0 : i32
      %dma_start3A_29 = arith.constant 0 : i32
      %dma_start3A_30 = tpu.memref_slice %arg3[%dma_start3A_28, %dma_start3A_29] : memref<10000x128xf32, #tpu.memory_space<hbm>> -> memref<10000x128xf32, #tpu.memory_space<hbm>>
      tpu.enqueue_indirect_dma source(%dma_start3A_30 : memref<10000x128xf32, #tpu.memory_space<hbm>>) target(%dma_start3A_24 : memref<100x128xf32, #tpu.memory_space<vmem>>) offsets(%dma_start3A_27 : memref<100xi32, #tpu.memory_space<vmem>>) semaphore(%arg18 : memref<!tpu.dma_semaphore, #tpu.memory_space<semaphore_mem>>)
      %scan3A = arith.constant 0 : i32
      %scan3A_31 = arith.constant 0 : i32
      %scan3A_32 = arith.constant 50 : i32
      %scan3A_33 = arith.addi %scan3A_31, %scan3A_32 : i32
      %scan3A_34 = arith.constant 1 : i32
      scf.for %scan3A_315 = %scan3A_31 to %scan3A_33 step %scan3A_34  : i32 {
        %mul3A_316 = arith.constant 2 : i32
        %mul3A_317 = arith.muli %mul3A_316, %scan3A_315 : i32
        %dma_wait3A_318 = arith.constant 0 : i32
        %dma_wait3A_319 = arith.constant 0 : i32
        %dma_wait3A_320 = arith.constant 0 : i32
        %dma_wait3A_321 = tpu.memref_slice %arg14[%dma_wait3A_318, %dma_wait3A_319, %dma_wait3A_320] : memref<2x100x128xf32, #tpu.memory_space<vmem>> -> memref<1x100x128xf32, #tpu.memory_space<vmem>>
        %dma_wait3A_322 = tpu.memref_squeeze %dma_wait3A_321 : memref<1x100x128xf32, #tpu.memory_space<vmem>> -> memref<100x128xf32, #tpu.memory_space<vmem>>
        %dma_wait3A_323 = arith.constant 0 : i32
        %dma_wait3A_324 = tpu.memref_slice %arg12[%mul3A_317, %dma_wait3A_323] : memref<100x100xi32, #tpu.memory_space<vmem>> -> memref<1x100xi32, #tpu.memory_space<vmem>>
        %dma_wait3A_325 = tpu.memref_squeeze %dma_wait3A_324 : memref<1x100xi32, #tpu.memory_space<vmem>> -> memref<100xi32, #tpu.memory_space<vmem>>
        %dma_wait3A_326 = arith.constant 0 : i32
        %dma_wait3A_327 = arith.constant 0 : i32
        %dma_wait3A_328 = tpu.memref_slice %arg3[%dma_wait3A_326, %dma_wait3A_327] : memref<10000x128xf32, #tpu.memory_space<hbm>> -> memref<10000x128xf32, #tpu.memory_space<hbm>>
        tpu.wait_indirect_dma semaphore(%arg17 : memref<!tpu.dma_semaphore, #tpu.memory_space<semaphore_mem>>) src(%dma_wait3A_328 : memref<10000x128xf32, #tpu.memory_space<hbm>>) dst(%dma_wait3A_322 : memref<100x128xf32, #tpu.memory_space<vmem>>)
        %dma_start3A_329 = arith.constant 0 : i32
        %dma_start3A_330 = arith.constant 0 : i32
        %dma_start3A_331 = arith.constant 0 : i32
        %dma_start3A_332 = tpu.memref_slice %arg14[%dma_start3A_329, %dma_start3A_330, %dma_start3A_331] : memref<2x100x128xf32, #tpu.memory_space<vmem>> -> memref<1x100x128xf32, #tpu.memory_space<vmem>>
        %dma_start3A_333 = tpu.memref_squeeze %dma_start3A_332 : memref<1x100x128xf32, #tpu.memory_space<vmem>> -> memref<100x128xf32, #tpu.memory_space<vmem>>
        %dma_start3A_334 = arith.constant 0 : i32
        %dma_start3A_335 = tpu.memref_slice %arg13[%mul3A_317, %dma_start3A_334] : memref<100x100xi32, #tpu.memory_space<vmem>> -> memref<1x100xi32, #tpu.memory_space<vmem>>
        %dma_start3A_336 = tpu.memref_squeeze %dma_start3A_335 : memref<1x100xi32, #tpu.memory_space<vmem>> -> memref<100xi32, #tpu.memory_space<vmem>>
        %dma_start3A_337 = arith.constant 0 : i32
        %dma_start3A_338 = arith.constant 0 : i32
        %dma_start3A_339 = tpu.memref_slice %arg22[%dma_start3A_337, %dma_start3A_338] : memref<10240x128xf32, #tpu.memory_space<vmem_shared>> -> memref<10240x128xf32, #tpu.memory_space<vmem_shared>>
        tpu.enqueue_indirect_dma source(%dma_start3A_333 : memref<100x128xf32, #tpu.memory_space<vmem>>) target(%dma_start3A_339 : memref<10240x128xf32, #tpu.memory_space<vmem_shared>>) offsets(%dma_start3A_336 : memref<100xi32, #tpu.memory_space<vmem>>) semaphore(%arg19 : memref<!tpu.dma_semaphore, #tpu.memory_space<semaphore_mem>>) {add = true}
        %add3A_340 = arith.constant 1 : i32
        %add3A_341 = arith.addi %mul3A_317, %add3A_340 : i32
        %dma_wait3A_342 = arith.constant 1 : i32
        %dma_wait3A_343 = arith.constant 0 : i32
        %dma_wait3A_344 = arith.constant 0 : i32
        %dma_wait3A_345 = tpu.memref_slice %arg14[%dma_wait3A_342, %dma_wait3A_343, %dma_wait3A_344] : memref<2x100x128xf32, #tpu.memory_space<vmem>> -> memref<1x100x128xf32, #tpu.memory_space<vmem>>
        %dma_wait3A_346 = tpu.memref_squeeze %dma_wait3A_345 : memref<1x100x128xf32, #tpu.memory_space<vmem>> -> memref<100x128xf32, #tpu.memory_space<vmem>>
        %dma_wait3A_347 = arith.constant 0 : i32
        %dma_wait3A_348 = tpu.memref_slice %arg12[%add3A_341, %dma_wait3A_347] : memref<100x100xi32, #tpu.memory_space<vmem>> -> memref<1x100xi32, #tpu.memory_space<vmem>>
        %dma_wait3A_349 = tpu.memref_squeeze %dma_wait3A_348 : memref<1x100xi32, #tpu.memory_space<vmem>> -> memref<100xi32, #tpu.memory_space<vmem>>
        %dma_wait3A_350 = arith.constant 0 : i32
        %dma_wait3A_351 = arith.constant 0 : i32
        %dma_wait3A_352 = tpu.memref_slice %arg3[%dma_wait3A_350, %dma_wait3A_351] : memref<10000x128xf32, #tpu.memory_space<hbm>> -> memref<10000x128xf32, #tpu.memory_space<hbm>>
        tpu.wait_indirect_dma semaphore(%arg18 : memref<!tpu.dma_semaphore, #tpu.memory_space<semaphore_mem>>) src(%dma_wait3A_352 : memref<10000x128xf32, #tpu.memory_space<hbm>>) dst(%dma_wait3A_346 : memref<100x128xf32, #tpu.memory_space<vmem>>)
        %add3A_353 = arith.constant 1 : i32
        %add3A_354 = arith.addi %mul3A_317, %add3A_353 : i32
        %dma_start3A_355 = arith.constant 1 : i32
        %dma_start3A_356 = arith.constant 0 : i32
        %dma_start3A_357 = arith.constant 0 : i32
        %dma_start3A_358 = tpu.memref_slice %arg14[%dma_start3A_355, %dma_start3A_356, %dma_start3A_357] : memref<2x100x128xf32, #tpu.memory_space<vmem>> -> memref<1x100x128xf32, #tpu.memory_space<vmem>>
        %dma_start3A_359 = tpu.memref_squeeze %dma_start3A_358 : memref<1x100x128xf32, #tpu.memory_space<vmem>> -> memref<100x128xf32, #tpu.memory_space<vmem>>
        %dma_start3A_360 = arith.constant 0 : i32
        %dma_start3A_361 = tpu.memref_slice %arg13[%add3A_354, %dma_start3A_360] : memref<100x100xi32, #tpu.memory_space<vmem>> -> memref<1x100xi32, #tpu.memory_space<vmem>>
        %dma_start3A_362 = tpu.memref_squeeze %dma_start3A_361 : memref<1x100xi32, #tpu.memory_space<vmem>> -> memref<100xi32, #tpu.memory_space<vmem>>
        %dma_start3A_363 = arith.constant 0 : i32
        %dma_start3A_364 = arith.constant 0 : i32
        %dma_start3A_365 = tpu.memref_slice %arg22[%dma_start3A_363, %dma_start3A_364] : memref<10240x128xf32, #tpu.memory_space<vmem_shared>> -> memref<10240x128xf32, #tpu.memory_space<vmem_shared>>
        tpu.enqueue_indirect_dma source(%dma_start3A_359 : memref<100x128xf32, #tpu.memory_space<vmem>>) target(%dma_start3A_365 : memref<10240x128xf32, #tpu.memory_space<vmem_shared>>) offsets(%dma_start3A_362 : memref<100xi32, #tpu.memory_space<vmem>>) semaphore(%arg20 : memref<!tpu.dma_semaphore, #tpu.memory_space<semaphore_mem>>) {add = true}
        %dma_wait3A_366 = arith.constant 0 : i32
        %dma_wait3A_367 = arith.constant 0 : i32
        %dma_wait3A_368 = arith.constant 0 : i32
        %dma_wait3A_369 = tpu.memref_slice %arg14[%dma_wait3A_366, %dma_wait3A_367, %dma_wait3A_368] : memref<2x100x128xf32, #tpu.memory_space<vmem>> -> memref<1x100x128xf32, #tpu.memory_space<vmem>>
        %dma_wait3A_370 = tpu.memref_squeeze %dma_wait3A_369 : memref<1x100x128xf32, #tpu.memory_space<vmem>> -> memref<100x128xf32, #tpu.memory_space<vmem>>
        %dma_wait3A_371 = arith.constant 0 : i32
        %dma_wait3A_372 = tpu.memref_slice %arg13[%mul3A_317, %dma_wait3A_371] : memref<100x100xi32, #tpu.memory_space<vmem>> -> memref<1x100xi32, #tpu.memory_space<vmem>>
        %dma_wait3A_373 = tpu.memref_squeeze %dma_wait3A_372 : memref<1x100xi32, #tpu.memory_space<vmem>> -> memref<100xi32, #tpu.memory_space<vmem>>
        %dma_wait3A_374 = arith.constant 0 : i32
        %dma_wait3A_375 = arith.constant 0 : i32
        %dma_wait3A_376 = tpu.memref_slice %arg22[%dma_wait3A_374, %dma_wait3A_375] : memref<10240x128xf32, #tpu.memory_space<vmem_shared>> -> memref<10240x128xf32, #tpu.memory_space<vmem_shared>>
        tpu.wait_indirect_dma semaphore(%arg19 : memref<!tpu.dma_semaphore, #tpu.memory_space<semaphore_mem>>) src(%dma_wait3A_370 : memref<100x128xf32, #tpu.memory_space<vmem>>) dst(%dma_wait3A_376 : memref<10240x128xf32, #tpu.memory_space<vmem_shared>>)
        %add3A_377 = arith.constant 2 : i32
        %add3A_378 = arith.addi %mul3A_317, %add3A_377 : i32
        %lt3A = arith.constant 100 : i32
        %lt3A_379 = arith.cmpi slt, %add3A_378, %lt3A : i32
        %convert_element_type3A_380 = arith.extui %lt3A_379 : i1 to i32
        %cond3A_381 = arith.constant 0 : i32
        %cond3A_382 = arith.cmpi ne, %convert_element_type3A_380, %cond3A_381 : i32
        scf.if %cond3A_382 {
          %add3A_401 = arith.constant 2 : i32
          %add3A_402 = arith.addi %mul3A_317, %add3A_401 : i32
          %dma_start3A_403 = arith.constant 0 : i32
          %dma_start3A_404 = arith.constant 0 : i32
          %dma_start3A_405 = arith.constant 0 : i32
          %dma_start3A_406 = tpu.memref_slice %arg14[%dma_start3A_403, %dma_start3A_404, %dma_start3A_405] : memref<2x100x128xf32, #tpu.memory_space<vmem>> -> memref<1x100x128xf32, #tpu.memory_space<vmem>>
          %dma_start3A_407 = tpu.memref_squeeze %dma_start3A_406 : memref<1x100x128xf32, #tpu.memory_space<vmem>> -> memref<100x128xf32, #tpu.memory_space<vmem>>
          %dma_start3A_408 = arith.constant 0 : i32
          %dma_start3A_409 = tpu.memref_slice %arg12[%add3A_402, %dma_start3A_408] : memref<100x100xi32, #tpu.memory_space<vmem>> -> memref<1x100xi32, #tpu.memory_space<vmem>>
          %dma_start3A_410 = tpu.memref_squeeze %dma_start3A_409 : memref<1x100xi32, #tpu.memory_space<vmem>> -> memref<100xi32, #tpu.memory_space<vmem>>
          %dma_start3A_411 = arith.constant 0 : i32
          %dma_start3A_412 = arith.constant 0 : i32
          %dma_start3A_413 = tpu.memref_slice %arg3[%dma_start3A_411, %dma_start3A_412] : memref<10000x128xf32, #tpu.memory_space<hbm>> -> memref<10000x128xf32, #tpu.memory_space<hbm>>
          tpu.enqueue_indirect_dma source(%dma_start3A_413 : memref<10000x128xf32, #tpu.memory_space<hbm>>) target(%dma_start3A_407 : memref<100x128xf32, #tpu.memory_space<vmem>>) offsets(%dma_start3A_410 : memref<100xi32, #tpu.memory_space<vmem>>) semaphore(%arg17 : memref<!tpu.dma_semaphore, #tpu.memory_space<semaphore_mem>>)
        } else {
        }
        %dma_wait3A_383 = arith.constant 1 : i32
        %dma_wait3A_384 = arith.constant 0 : i32
        %dma_wait3A_385 = arith.constant 0 : i32
        %dma_wait3A_386 = tpu.memref_slice %arg14[%dma_wait3A_383, %dma_wait3A_384, %dma_wait3A_385] : memref<2x100x128xf32, #tpu.memory_space<vmem>> -> memref<1x100x128xf32, #tpu.memory_space<vmem>>
        %dma_wait3A_387 = tpu.memref_squeeze %dma_wait3A_386 : memref<1x100x128xf32, #tpu.memory_space<vmem>> -> memref<100x128xf32, #tpu.memory_space<vmem>>
        %dma_wait3A_388 = arith.constant 0 : i32
        %dma_wait3A_389 = tpu.memref_slice %arg13[%add3A_354, %dma_wait3A_388] : memref<100x100xi32, #tpu.memory_space<vmem>> -> memref<1x100xi32, #tpu.memory_space<vmem>>
        %dma_wait3A_390 = tpu.memref_squeeze %dma_wait3A_389 : memref<1x100xi32, #tpu.memory_space<vmem>> -> memref<100xi32, #tpu.memory_space<vmem>>
        %dma_wait3A_391 = arith.constant 0 : i32
        %dma_wait3A_392 = arith.constant 0 : i32
        %dma_wait3A_393 = tpu.memref_slice %arg22[%dma_wait3A_391, %dma_wait3A_392] : memref<10240x128xf32, #tpu.memory_space<vmem_shared>> -> memref<10240x128xf32, #tpu.memory_space<vmem_shared>>
        tpu.wait_indirect_dma semaphore(%arg20 : memref<!tpu.dma_semaphore, #tpu.memory_space<semaphore_mem>>) src(%dma_wait3A_387 : memref<100x128xf32, #tpu.memory_space<vmem>>) dst(%dma_wait3A_393 : memref<10240x128xf32, #tpu.memory_space<vmem_shared>>)
        %add3A_394 = arith.constant 3 : i32
        %add3A_395 = arith.addi %mul3A_317, %add3A_394 : i32
        %lt3A_396 = arith.constant 100 : i32
        %lt3A_397 = arith.cmpi slt, %add3A_395, %lt3A_396 : i32
        %convert_element_type3A_398 = arith.extui %lt3A_397 : i1 to i32
        %cond3A_399 = arith.constant 0 : i32
        %cond3A_400 = arith.cmpi ne, %convert_element_type3A_398, %cond3A_399 : i32
        scf.if %cond3A_400 {
          %add3A_401 = arith.constant 3 : i32
          %add3A_402 = arith.addi %mul3A_317, %add3A_401 : i32
          %dma_start3A_403 = arith.constant 1 : i32
          %dma_start3A_404 = arith.constant 0 : i32
          %dma_start3A_405 = arith.constant 0 : i32
          %dma_start3A_406 = tpu.memref_slice %arg14[%dma_start3A_403, %dma_start3A_404, %dma_start3A_405] : memref<2x100x128xf32, #tpu.memory_space<vmem>> -> memref<1x100x128xf32, #tpu.memory_space<vmem>>
          %dma_start3A_407 = tpu.memref_squeeze %dma_start3A_406 : memref<1x100x128xf32, #tpu.memory_space<vmem>> -> memref<100x128xf32, #tpu.memory_space<vmem>>
          %dma_start3A_408 = arith.constant 0 : i32
          %dma_start3A_409 = tpu.memref_slice %arg12[%add3A_402, %dma_start3A_408] : memref<100x100xi32, #tpu.memory_space<vmem>> -> memref<1x100xi32, #tpu.memory_space<vmem>>
          %dma_start3A_410 = tpu.memref_squeeze %dma_start3A_409 : memref<1x100xi32, #tpu.memory_space<vmem>> -> memref<100xi32, #tpu.memory_space<vmem>>
          %dma_start3A_411 = arith.constant 0 : i32
          %dma_start3A_412 = arith.constant 0 : i32
          %dma_start3A_413 = tpu.memref_slice %arg3[%dma_start3A_411, %dma_start3A_412] : memref<10000x128xf32, #tpu.memory_space<hbm>> -> memref<10000x128xf32, #tpu.memory_space<hbm>>
          tpu.enqueue_indirect_dma source(%dma_start3A_413 : memref<10000x128xf32, #tpu.memory_space<hbm>>) target(%dma_start3A_407 : memref<100x128xf32, #tpu.memory_space<vmem>>) offsets(%dma_start3A_410 : memref<100xi32, #tpu.memory_space<vmem>>) semaphore(%arg18 : memref<!tpu.dma_semaphore, #tpu.memory_space<semaphore_mem>>)
        } else {
        }
      }
      %scan3A_35 = arith.constant 50 : i32
      %barrier3A_36 = arith.constant 0 : index
      tpu.barrier barrier_id(%barrier3A_36)
      %mul3A_37 = arith.constant 640 : i32
      %mul3A_38 = arith.muli %arg1, %mul3A_37 : i32
      %run_scoped3A = arith.constant 0 : i32
      "tpu.region"() ({
        %run_scoped3A_315 = tpu.sem_alloc : memref<!tpu.dma_semaphore, #tpu.memory_space<semaphore_mem>>
        %dma_start3A_316 = arith.constant 0 : i32
        %dma_start3A_317 = arith.constant 0 : i32
        %dma_start3A_318 = tpu.memref_slice %arg14[%run_scoped3A, %dma_start3A_316, %dma_start3A_317] : memref<2x100x128xf32, #tpu.memory_space<vmem>> -> memref<1x80x128xf32, #tpu.memory_space<vmem>>
        %dma_start3A_319 = tpu.memref_squeeze %dma_start3A_318 : memref<1x80x128xf32, #tpu.memory_space<vmem>> -> memref<80x128xf32, #tpu.memory_space<vmem>>
        %dma_start3A_320 = arith.constant 0 : i32
        %dma_start3A_321 = tpu.memref_slice %arg22[%mul3A_38, %dma_start3A_320] : memref<10240x128xf32, #tpu.memory_space<vmem_shared>> -> memref<80x128xf32, #tpu.memory_space<vmem_shared>>
        %dma_start3A_322 = arith.constant 0 : i32
        %dma_start3A_323 = arith.constant 0 : i32
        %dma_start3A_324 = tpu.memref_slice %arg14[%run_scoped3A, %dma_start3A_322, %dma_start3A_323] : memref<2x100x128xf32, #tpu.memory_space<vmem>> -> memref<1x80x128xf32, #tpu.memory_space<vmem>>
        %dma_start3A_325 = tpu.memref_squeeze %dma_start3A_324 : memref<1x80x128xf32, #tpu.memory_space<vmem>> -> memref<80x128xf32, #tpu.memory_space<vmem>>
        %dma_start3A_326 = arith.constant 0 : i32
        %dma_start3A_327 = tpu.memref_slice %arg22[%mul3A_38, %dma_start3A_326] : memref<10240x128xf32, #tpu.memory_space<vmem_shared>> -> memref<80x128xf32, #tpu.memory_space<vmem_shared>>
        tpu.enqueue_dma source(%dma_start3A_327 : memref<80x128xf32, #tpu.memory_space<vmem_shared>>) target(%dma_start3A_325 : memref<80x128xf32, #tpu.memory_space<vmem>>) target_semaphore(%run_scoped3A_315 : memref<!tpu.dma_semaphore, #tpu.memory_space<semaphore_mem>>)
        %dma_wait3A_328 = arith.constant 0 : i32
        %dma_wait3A_329 = arith.constant 0 : i32
        %dma_wait3A_330 = tpu.memref_slice %arg14[%run_scoped3A, %dma_wait3A_328, %dma_wait3A_329] : memref<2x100x128xf32, #tpu.memory_space<vmem>> -> memref<1x80x128xf32, #tpu.memory_space<vmem>>
        %dma_wait3A_331 = tpu.memref_squeeze %dma_wait3A_330 : memref<1x80x128xf32, #tpu.memory_space<vmem>> -> memref<80x128xf32, #tpu.memory_space<vmem>>
        %dma_wait3A_332 = arith.constant 0 : i32
        %dma_wait3A_333 = tpu.memref_slice %arg22[%mul3A_38, %dma_wait3A_332] : memref<10240x128xf32, #tpu.memory_space<vmem_shared>> -> memref<80x128xf32, #tpu.memory_space<vmem_shared>>
        %dma_wait3A_334 = arith.constant 0 : i32
        %dma_wait3A_335 = arith.constant 0 : i32
        %dma_wait3A_336 = tpu.memref_slice %arg14[%run_scoped3A, %dma_wait3A_334, %dma_wait3A_335] : memref<2x100x128xf32, #tpu.memory_space<vmem>> -> memref<1x80x128xf32, #tpu.memory_space<vmem>>
        %dma_wait3A_337 = tpu.memref_squeeze %dma_wait3A_336 : memref<1x80x128xf32, #tpu.memory_space<vmem>> -> memref<80x128xf32, #tpu.memory_space<vmem>>
        %dma_wait3A_338 = arith.constant 0 : i32
        %dma_wait3A_339 = tpu.memref_slice %arg22[%mul3A_38, %dma_wait3A_338] : memref<10240x128xf32, #tpu.memory_space<vmem_shared>> -> memref<80x128xf32, #tpu.memory_space<vmem_shared>>
        tpu.wait_dma2 semaphore(%run_scoped3A_315 : memref<!tpu.dma_semaphore, #tpu.memory_space<semaphore_mem>>) src(%dma_wait3A_339 : memref<80x128xf32, #tpu.memory_space<vmem_shared>>) dst(%dma_wait3A_337 : memref<80x128xf32, #tpu.memory_space<vmem>>)
        tpu.yield
      }) : () -> ()
      %mul3A_39 = arith.constant 640 : i32
      %mul3A_40 = arith.muli %arg1, %mul3A_39 : i32
      %add3A = arith.constant 80 : i32
      %add3A_41 = arith.addi %mul3A_40, %add3A : i32
      %dma_start3A_42 = arith.constant 1 : i32
      %dma_start3A_43 = arith.constant 0 : i32
      %dma_start3A_44 = arith.constant 0 : i32
      %dma_start3A_45 = tpu.memref_slice %arg14[%dma_start3A_42, %dma_start3A_43, %dma_start3A_44] : memref<2x100x128xf32, #tpu.memory_space<vmem>> -> memref<1x80x128xf32, #tpu.memory_space<vmem>>
      %dma_start3A_46 = tpu.memref_squeeze %dma_start3A_45 : memref<1x80x128xf32, #tpu.memory_space<vmem>> -> memref<80x128xf32, #tpu.memory_space<vmem>>
      %dma_start3A_47 = arith.constant 0 : i32
      %dma_start3A_48 = tpu.memref_slice %arg22[%add3A_41, %dma_start3A_47] : memref<10240x128xf32, #tpu.memory_space<vmem_shared>> -> memref<80x128xf32, #tpu.memory_space<vmem_shared>>
      %dma_start3A_49 = arith.constant 0 : i32
      %dma_start3A_50 = arith.constant 0 : i32
      %dma_start3A_51 = tpu.memref_slice %arg14[%dma_start3A_42, %dma_start3A_49, %dma_start3A_50] : memref<2x100x128xf32, #tpu.memory_space<vmem>> -> memref<1x80x128xf32, #tpu.memory_space<vmem>>
      %dma_start3A_52 = tpu.memref_squeeze %dma_start3A_51 : memref<1x80x128xf32, #tpu.memory_space<vmem>> -> memref<80x128xf32, #tpu.memory_space<vmem>>
      %dma_start3A_53 = arith.constant 0 : i32
      %dma_start3A_54 = tpu.memref_slice %arg22[%add3A_41, %dma_start3A_53] : memref<10240x128xf32, #tpu.memory_space<vmem_shared>> -> memref<80x128xf32, #tpu.memory_space<vmem_shared>>
      tpu.enqueue_dma source(%dma_start3A_54 : memref<80x128xf32, #tpu.memory_space<vmem_shared>>) target(%dma_start3A_52 : memref<80x128xf32, #tpu.memory_space<vmem>>) target_semaphore(%arg17 : memref<!tpu.dma_semaphore, #tpu.memory_space<semaphore_mem>>)
      %mul3A_55 = arith.constant 640 : i32
      %mul3A_56 = arith.muli %arg1, %mul3A_55 : i32
      %add3A_57 = arith.constant 0 : i32
      %add3A_58 = arith.addi %mul3A_56, %add3A_57 : i32
      %run_scoped3A_59 = arith.constant 0 : i32
      "tpu.region"() ({
        %run_scoped3A_315 = tpu.sem_alloc : memref<!tpu.dma_semaphore, #tpu.memory_space<semaphore_mem>>
        %dma_start3A_316 = arith.constant 0 : i32
        %dma_start3A_317 = arith.constant 0 : i32
        %dma_start3A_318 = tpu.memref_slice %arg14[%run_scoped3A_59, %dma_start3A_316, %dma_start3A_317] : memref<2x100x128xf32, #tpu.memory_space<vmem>> -> memref<1x80x128xf32, #tpu.memory_space<vmem>>
        %dma_start3A_319 = tpu.memref_squeeze %dma_start3A_318 : memref<1x80x128xf32, #tpu.memory_space<vmem>> -> memref<80x128xf32, #tpu.memory_space<vmem>>
        %dma_start3A_320 = arith.constant 0 : i32
        %dma_start3A_321 = tpu.memref_slice %arg10[%add3A_58, %dma_start3A_320] : memref<10240x128xf32, #tpu.memory_space<hbm>> -> memref<80x128xf32, #tpu.memory_space<hbm>>
        %dma_start3A_322 = arith.constant 0 : i32
        %dma_start3A_323 = tpu.memref_slice %arg10[%add3A_58, %dma_start3A_322] : memref<10240x128xf32, #tpu.memory_space<hbm>> -> memref<80x128xf32, #tpu.memory_space<hbm>>
        %dma_start3A_324 = arith.constant 0 : i32
        %dma_start3A_325 = arith.constant 0 : i32
        %dma_start3A_326 = tpu.memref_slice %arg14[%run_scoped3A_59, %dma_start3A_324, %dma_start3A_325] : memref<2x100x128xf32, #tpu.memory_space<vmem>> -> memref<1x80x128xf32, #tpu.memory_space<vmem>>
        %dma_start3A_327 = tpu.memref_squeeze %dma_start3A_326 : memref<1x80x128xf32, #tpu.memory_space<vmem>> -> memref<80x128xf32, #tpu.memory_space<vmem>>
        tpu.enqueue_dma source(%dma_start3A_327 : memref<80x128xf32, #tpu.memory_space<vmem>>) target(%dma_start3A_323 : memref<80x128xf32, #tpu.memory_space<hbm>>) target_semaphore(%run_scoped3A_315 : memref<!tpu.dma_semaphore, #tpu.memory_space<semaphore_mem>>)
        %dma_wait3A_328 = arith.constant 0 : i32
        %dma_wait3A_329 = arith.constant 0 : i32
        %dma_wait3A_330 = tpu.memref_slice %arg14[%run_scoped3A_59, %dma_wait3A_328, %dma_wait3A_329] : memref<2x100x128xf32, #tpu.memory_space<vmem>> -> memref<1x80x128xf32, #tpu.memory_space<vmem>>
        %dma_wait3A_331 = tpu.memref_squeeze %dma_wait3A_330 : memref<1x80x128xf32, #tpu.memory_space<vmem>> -> memref<80x128xf32, #tpu.memory_space<vmem>>
        %dma_wait3A_332 = arith.constant 0 : i32
        %dma_wait3A_333 = tpu.memref_slice %arg10[%add3A_58, %dma_wait3A_332] : memref<10240x128xf32, #tpu.memory_space<hbm>> -> memref<80x128xf32, #tpu.memory_space<hbm>>
        %dma_wait3A_334 = arith.constant 0 : i32
        %dma_wait3A_335 = tpu.memref_slice %arg10[%add3A_58, %dma_wait3A_334] : memref<10240x128xf32, #tpu.memory_space<hbm>> -> memref<80x128xf32, #tpu.memory_space<hbm>>
        %dma_wait3A_336 = arith.constant 0 : i32
        %dma_wait3A_337 = arith.constant 0 : i32
        %dma_wait3A_338 = tpu.memref_slice %arg14[%run_scoped3A_59, %dma_wait3A_336, %dma_wait3A_337] : memref<2x100x128xf32, #tpu.memory_space<vmem>> -> memref<1x80x128xf32, #tpu.memory_space<vmem>>
        %dma_wait3A_339 = tpu.memref_squeeze %dma_wait3A_338 : memref<1x80x128xf32, #tpu.memory_space<vmem>> -> memref<80x128xf32, #tpu.memory_space<vmem>>
        tpu.wait_dma2 semaphore(%run_scoped3A_315 : memref<!tpu.dma_semaphore, #tpu.memory_space<semaphore_mem>>) src(%dma_wait3A_339 : memref<80x128xf32, #tpu.memory_space<vmem>>) dst(%dma_wait3A_335 : memref<80x128xf32, #tpu.memory_space<hbm>>)
        tpu.yield
      }) : () -> ()
      %mul3A_60 = arith.constant 640 : i32
      %mul3A_61 = arith.muli %arg1, %mul3A_60 : i32
      %add3A_62 = arith.constant 80 : i32
      %add3A_63 = arith.addi %mul3A_61, %add3A_62 : i32
      %dma_wait3A = arith.constant 1 : i32
      %dma_wait3A_64 = arith.constant 0 : i32
      %dma_wait3A_65 = arith.constant 0 : i32
      %dma_wait3A_66 = tpu.memref_slice %arg14[%dma_wait3A, %dma_wait3A_64, %dma_wait3A_65] : memref<2x100x128xf32, #tpu.memory_space<vmem>> -> memref<1x80x128xf32, #tpu.memory_space<vmem>>
      %dma_wait3A_67 = tpu.memref_squeeze %dma_wait3A_66 : memref<1x80x128xf32, #tpu.memory_space<vmem>> -> memref<80x128xf32, #tpu.memory_space<vmem>>
      %dma_wait3A_68 = arith.constant 0 : i32
      %dma_wait3A_69 = tpu.memref_slice %arg22[%add3A_63, %dma_wait3A_68] : memref<10240x128xf32, #tpu.memory_space<vmem_shared>> -> memref<80x128xf32, #tpu.memory_space<vmem_shared>>
      %dma_wait3A_70 = arith.constant 0 : i32
      %dma_wait3A_71 = arith.constant 0 : i32
      %dma_wait3A_72 = tpu.memref_slice %arg14[%dma_wait3A, %dma_wait3A_70, %dma_wait3A_71] : memref<2x100x128xf32, #tpu.memory_space<vmem>> -> memref<1x80x128xf32, #tpu.memory_space<vmem>>
      %dma_wait3A_73 = tpu.memref_squeeze %dma_wait3A_72 : memref<1x80x128xf32, #tpu.memory_space<vmem>> -> memref<80x128xf32, #tpu.memory_space<vmem>>
      %dma_wait3A_74 = arith.constant 0 : i32
      %dma_wait3A_75 = tpu.memref_slice %arg22[%add3A_63, %dma_wait3A_74] : memref<10240x128xf32, #tpu.memory_space<vmem_shared>> -> memref<80x128xf32, #tpu.memory_space<vmem_shared>>
      tpu.wait_dma2 semaphore(%arg17 : memref<!tpu.dma_semaphore, #tpu.memory_space<semaphore_mem>>) src(%dma_wait3A_75 : memref<80x128xf32, #tpu.memory_space<vmem_shared>>) dst(%dma_wait3A_73 : memref<80x128xf32, #tpu.memory_space<vmem>>)
      %mul3A_76 = arith.constant 640 : i32
      %mul3A_77 = arith.muli %arg1, %mul3A_76 : i32
      %add3A_78 = arith.constant 160 : i32
      %add3A_79 = arith.addi %mul3A_77, %add3A_78 : i32
      %dma_start3A_80 = arith.constant 0 : i32
      %dma_start3A_81 = arith.constant 0 : i32
      %dma_start3A_82 = arith.constant 0 : i32
      %dma_start3A_83 = tpu.memref_slice %arg14[%dma_start3A_80, %dma_start3A_81, %dma_start3A_82] : memref<2x100x128xf32, #tpu.memory_space<vmem>> -> memref<1x80x128xf32, #tpu.memory_space<vmem>>
      %dma_start3A_84 = tpu.memref_squeeze %dma_start3A_83 : memref<1x80x128xf32, #tpu.memory_space<vmem>> -> memref<80x128xf32, #tpu.memory_space<vmem>>
      %dma_start3A_85 = arith.constant 0 : i32
      %dma_start3A_86 = tpu.memref_slice %arg22[%add3A_79, %dma_start3A_85] : memref<10240x128xf32, #tpu.memory_space<vmem_shared>> -> memref<80x128xf32, #tpu.memory_space<vmem_shared>>
      %dma_start3A_87 = arith.constant 0 : i32
      %dma_start3A_88 = arith.constant 0 : i32
      %dma_start3A_89 = tpu.memref_slice %arg14[%dma_start3A_80, %dma_start3A_87, %dma_start3A_88] : memref<2x100x128xf32, #tpu.memory_space<vmem>> -> memref<1x80x128xf32, #tpu.memory_space<vmem>>
      %dma_start3A_90 = tpu.memref_squeeze %dma_start3A_89 : memref<1x80x128xf32, #tpu.memory_space<vmem>> -> memref<80x128xf32, #tpu.memory_space<vmem>>
      %dma_start3A_91 = arith.constant 0 : i32
      %dma_start3A_92 = tpu.memref_slice %arg22[%add3A_79, %dma_start3A_91] : memref<10240x128xf32, #tpu.memory_space<vmem_shared>> -> memref<80x128xf32, #tpu.memory_space<vmem_shared>>
      tpu.enqueue_dma source(%dma_start3A_92 : memref<80x128xf32, #tpu.memory_space<vmem_shared>>) target(%dma_start3A_90 : memref<80x128xf32, #tpu.memory_space<vmem>>) target_semaphore(%arg17 : memref<!tpu.dma_semaphore, #tpu.memory_space<semaphore_mem>>)
      %mul3A_93 = arith.constant 640 : i32
      %mul3A_94 = arith.muli %arg1, %mul3A_93 : i32
      %add3A_95 = arith.constant 80 : i32
      %add3A_96 = arith.addi %mul3A_94, %add3A_95 : i32
      %run_scoped3A_97 = arith.constant 1 : i32
      "tpu.region"() ({
        %run_scoped3A_315 = tpu.sem_alloc : memref<!tpu.dma_semaphore, #tpu.memory_space<semaphore_mem>>
        %dma_start3A_316 = arith.constant 0 : i32
        %dma_start3A_317 = arith.constant 0 : i32
        %dma_start3A_318 = tpu.memref_slice %arg14[%run_scoped3A_97, %dma_start3A_316, %dma_start3A_317] : memref<2x100x128xf32, #tpu.memory_space<vmem>> -> memref<1x80x128xf32, #tpu.memory_space<vmem>>
        %dma_start3A_319 = tpu.memref_squeeze %dma_start3A_318 : memref<1x80x128xf32, #tpu.memory_space<vmem>> -> memref<80x128xf32, #tpu.memory_space<vmem>>
        %dma_start3A_320 = arith.constant 0 : i32
        %dma_start3A_321 = tpu.memref_slice %arg10[%add3A_96, %dma_start3A_320] : memref<10240x128xf32, #tpu.memory_space<hbm>> -> memref<80x128xf32, #tpu.memory_space<hbm>>
        %dma_start3A_322 = arith.constant 0 : i32
        %dma_start3A_323 = tpu.memref_slice %arg10[%add3A_96, %dma_start3A_322] : memref<10240x128xf32, #tpu.memory_space<hbm>> -> memref<80x128xf32, #tpu.memory_space<hbm>>
        %dma_start3A_324 = arith.constant 0 : i32
        %dma_start3A_325 = arith.constant 0 : i32
        %dma_start3A_326 = tpu.memref_slice %arg14[%run_scoped3A_97, %dma_start3A_324, %dma_start3A_325] : memref<2x100x128xf32, #tpu.memory_space<vmem>> -> memref<1x80x128xf32, #tpu.memory_space<vmem>>
        %dma_start3A_327 = tpu.memref_squeeze %dma_start3A_326 : memref<1x80x128xf32, #tpu.memory_space<vmem>> -> memref<80x128xf32, #tpu.memory_space<vmem>>
        tpu.enqueue_dma source(%dma_start3A_327 : memref<80x128xf32, #tpu.memory_space<vmem>>) target(%dma_start3A_323 : memref<80x128xf32, #tpu.memory_space<hbm>>) target_semaphore(%run_scoped3A_315 : memref<!tpu.dma_semaphore, #tpu.memory_space<semaphore_mem>>)
        %dma_wait3A_328 = arith.constant 0 : i32
        %dma_wait3A_329 = arith.constant 0 : i32
        %dma_wait3A_330 = tpu.memref_slice %arg14[%run_scoped3A_97, %dma_wait3A_328, %dma_wait3A_329] : memref<2x100x128xf32, #tpu.memory_space<vmem>> -> memref<1x80x128xf32, #tpu.memory_space<vmem>>
        %dma_wait3A_331 = tpu.memref_squeeze %dma_wait3A_330 : memref<1x80x128xf32, #tpu.memory_space<vmem>> -> memref<80x128xf32, #tpu.memory_space<vmem>>
        %dma_wait3A_332 = arith.constant 0 : i32
        %dma_wait3A_333 = tpu.memref_slice %arg10[%add3A_96, %dma_wait3A_332] : memref<10240x128xf32, #tpu.memory_space<hbm>> -> memref<80x128xf32, #tpu.memory_space<hbm>>
        %dma_wait3A_334 = arith.constant 0 : i32
        %dma_wait3A_335 = tpu.memref_slice %arg10[%add3A_96, %dma_wait3A_334] : memref<10240x128xf32, #tpu.memory_space<hbm>> -> memref<80x128xf32, #tpu.memory_space<hbm>>
        %dma_wait3A_336 = arith.constant 0 : i32
        %dma_wait3A_337 = arith.constant 0 : i32
        %dma_wait3A_338 = tpu.memref_slice %arg14[%run_scoped3A_97, %dma_wait3A_336, %dma_wait3A_337] : memref<2x100x128xf32, #tpu.memory_space<vmem>> -> memref<1x80x128xf32, #tpu.memory_space<vmem>>
        %dma_wait3A_339 = tpu.memref_squeeze %dma_wait3A_338 : memref<1x80x128xf32, #tpu.memory_space<vmem>> -> memref<80x128xf32, #tpu.memory_space<vmem>>
        tpu.wait_dma2 semaphore(%run_scoped3A_315 : memref<!tpu.dma_semaphore, #tpu.memory_space<semaphore_mem>>) src(%dma_wait3A_339 : memref<80x128xf32, #tpu.memory_space<vmem>>) dst(%dma_wait3A_335 : memref<80x128xf32, #tpu.memory_space<hbm>>)
        tpu.yield
      }) : () -> ()
      %mul3A_98 = arith.constant 640 : i32
      %mul3A_99 = arith.muli %arg1, %mul3A_98 : i32
      %add3A_100 = arith.constant 160 : i32
      %add3A_101 = arith.addi %mul3A_99, %add3A_100 : i32
      %dma_wait3A_102 = arith.constant 0 : i32
      %dma_wait3A_103 = arith.constant 0 : i32
      %dma_wait3A_104 = arith.constant 0 : i32
      %dma_wait3A_105 = tpu.memref_slice %arg14[%dma_wait3A_102, %dma_wait3A_103, %dma_wait3A_104] : memref<2x100x128xf32, #tpu.memory_space<vmem>> -> memref<1x80x128xf32, #tpu.memory_space<vmem>>
      %dma_wait3A_106 = tpu.memref_squeeze %dma_wait3A_105 : memref<1x80x128xf32, #tpu.memory_space<vmem>> -> memref<80x128xf32, #tpu.memory_space<vmem>>
      %dma_wait3A_107 = arith.constant 0 : i32
      %dma_wait3A_108 = tpu.memref_slice %arg22[%add3A_101, %dma_wait3A_107] : memref<10240x128xf32, #tpu.memory_space<vmem_shared>> -> memref<80x128xf32, #tpu.memory_space<vmem_shared>>
      %dma_wait3A_109 = arith.constant 0 : i32
      %dma_wait3A_110 = arith.constant 0 : i32
      %dma_wait3A_111 = tpu.memref_slice %arg14[%dma_wait3A_102, %dma_wait3A_109, %dma_wait3A_110] : memref<2x100x128xf32, #tpu.memory_space<vmem>> -> memref<1x80x128xf32, #tpu.memory_space<vmem>>
      %dma_wait3A_112 = tpu.memref_squeeze %dma_wait3A_111 : memref<1x80x128xf32, #tpu.memory_space<vmem>> -> memref<80x128xf32, #tpu.memory_space<vmem>>
      %dma_wait3A_113 = arith.constant 0 : i32
      %dma_wait3A_114 = tpu.memref_slice %arg22[%add3A_101, %dma_wait3A_113] : memref<10240x128xf32, #tpu.memory_space<vmem_shared>> -> memref<80x128xf32, #tpu.memory_space<vmem_shared>>
      tpu.wait_dma2 semaphore(%arg17 : memref<!tpu.dma_semaphore, #tpu.memory_space<semaphore_mem>>) src(%dma_wait3A_114 : memref<80x128xf32, #tpu.memory_space<vmem_shared>>) dst(%dma_wait3A_112 : memref<80x128xf32, #tpu.memory_space<vmem>>)
      %mul3A_115 = arith.constant 640 : i32
      %mul3A_116 = arith.muli %arg1, %mul3A_115 : i32
      %add3A_117 = arith.constant 240 : i32
      %add3A_118 = arith.addi %mul3A_116, %add3A_117 : i32
      %dma_start3A_119 = arith.constant 1 : i32
      %dma_start3A_120 = arith.constant 0 : i32
      %dma_start3A_121 = arith.constant 0 : i32
      %dma_start3A_122 = tpu.memref_slice %arg14[%dma_start3A_119, %dma_start3A_120, %dma_start3A_121] : memref<2x100x128xf32, #tpu.memory_space<vmem>> -> memref<1x80x128xf32, #tpu.memory_space<vmem>>
      %dma_start3A_123 = tpu.memref_squeeze %dma_start3A_122 : memref<1x80x128xf32, #tpu.memory_space<vmem>> -> memref<80x128xf32, #tpu.memory_space<vmem>>
      %dma_start3A_124 = arith.constant 0 : i32
      %dma_start3A_125 = tpu.memref_slice %arg22[%add3A_118, %dma_start3A_124] : memref<10240x128xf32, #tpu.memory_space<vmem_shared>> -> memref<80x128xf32, #tpu.memory_space<vmem_shared>>
      %dma_start3A_126 = arith.constant 0 : i32
      %dma_start3A_127 = arith.constant 0 : i32
      %dma_start3A_128 = tpu.memref_slice %arg14[%dma_start3A_119, %dma_start3A_126, %dma_start3A_127] : memref<2x100x128xf32, #tpu.memory_space<vmem>> -> memref<1x80x128xf32, #tpu.memory_space<vmem>>
      %dma_start3A_129 = tpu.memref_squeeze %dma_start3A_128 : memref<1x80x128xf32, #tpu.memory_space<vmem>> -> memref<80x128xf32, #tpu.memory_space<vmem>>
      %dma_start3A_130 = arith.constant 0 : i32
      %dma_start3A_131 = tpu.memref_slice %arg22[%add3A_118, %dma_start3A_130] : memref<10240x128xf32, #tpu.memory_space<vmem_shared>> -> memref<80x128xf32, #tpu.memory_space<vmem_shared>>
      tpu.enqueue_dma source(%dma_start3A_131 : memref<80x128xf32, #tpu.memory_space<vmem_shared>>) target(%dma_start3A_129 : memref<80x128xf32, #tpu.memory_space<vmem>>) target_semaphore(%arg17 : memref<!tpu.dma_semaphore, #tpu.memory_space<semaphore_mem>>)
      %mul3A_132 = arith.constant 640 : i32
      %mul3A_133 = arith.muli %arg1, %mul3A_132 : i32
      %add3A_134 = arith.constant 160 : i32
      %add3A_135 = arith.addi %mul3A_133, %add3A_134 : i32
      %run_scoped3A_136 = arith.constant 0 : i32
      "tpu.region"() ({
        %run_scoped3A_315 = tpu.sem_alloc : memref<!tpu.dma_semaphore, #tpu.memory_space<semaphore_mem>>
        %dma_start3A_316 = arith.constant 0 : i32
        %dma_start3A_317 = arith.constant 0 : i32
        %dma_start3A_318 = tpu.memref_slice %arg14[%run_scoped3A_136, %dma_start3A_316, %dma_start3A_317] : memref<2x100x128xf32, #tpu.memory_space<vmem>> -> memref<1x80x128xf32, #tpu.memory_space<vmem>>
        %dma_start3A_319 = tpu.memref_squeeze %dma_start3A_318 : memref<1x80x128xf32, #tpu.memory_space<vmem>> -> memref<80x128xf32, #tpu.memory_space<vmem>>
        %dma_start3A_320 = arith.constant 0 : i32
        %dma_start3A_321 = tpu.memref_slice %arg10[%add3A_135, %dma_start3A_320] : memref<10240x128xf32, #tpu.memory_space<hbm>> -> memref<80x128xf32, #tpu.memory_space<hbm>>
        %dma_start3A_322 = arith.constant 0 : i32
        %dma_start3A_323 = tpu.memref_slice %arg10[%add3A_135, %dma_start3A_322] : memref<10240x128xf32, #tpu.memory_space<hbm>> -> memref<80x128xf32, #tpu.memory_space<hbm>>
        %dma_start3A_324 = arith.constant 0 : i32
        %dma_start3A_325 = arith.constant 0 : i32
        %dma_start3A_326 = tpu.memref_slice %arg14[%run_scoped3A_136, %dma_start3A_324, %dma_start3A_325] : memref<2x100x128xf32, #tpu.memory_space<vmem>> -> memref<1x80x128xf32, #tpu.memory_space<vmem>>
        %dma_start3A_327 = tpu.memref_squeeze %dma_start3A_326 : memref<1x80x128xf32, #tpu.memory_space<vmem>> -> memref<80x128xf32, #tpu.memory_space<vmem>>
        tpu.enqueue_dma source(%dma_start3A_327 : memref<80x128xf32, #tpu.memory_space<vmem>>) target(%dma_start3A_323 : memref<80x128xf32, #tpu.memory_space<hbm>>) target_semaphore(%run_scoped3A_315 : memref<!tpu.dma_semaphore, #tpu.memory_space<semaphore_mem>>)
        %dma_wait3A_328 = arith.constant 0 : i32
        %dma_wait3A_329 = arith.constant 0 : i32
        %dma_wait3A_330 = tpu.memref_slice %arg14[%run_scoped3A_136, %dma_wait3A_328, %dma_wait3A_329] : memref<2x100x128xf32, #tpu.memory_space<vmem>> -> memref<1x80x128xf32, #tpu.memory_space<vmem>>
        %dma_wait3A_331 = tpu.memref_squeeze %dma_wait3A_330 : memref<1x80x128xf32, #tpu.memory_space<vmem>> -> memref<80x128xf32, #tpu.memory_space<vmem>>
        %dma_wait3A_332 = arith.constant 0 : i32
        %dma_wait3A_333 = tpu.memref_slice %arg10[%add3A_135, %dma_wait3A_332] : memref<10240x128xf32, #tpu.memory_space<hbm>> -> memref<80x128xf32, #tpu.memory_space<hbm>>
        %dma_wait3A_334 = arith.constant 0 : i32
        %dma_wait3A_335 = tpu.memref_slice %arg10[%add3A_135, %dma_wait3A_334] : memref<10240x128xf32, #tpu.memory_space<hbm>> -> memref<80x128xf32, #tpu.memory_space<hbm>>
        %dma_wait3A_336 = arith.constant 0 : i32
        %dma_wait3A_337 = arith.constant 0 : i32
        %dma_wait3A_338 = tpu.memref_slice %arg14[%run_scoped3A_136, %dma_wait3A_336, %dma_wait3A_337] : memref<2x100x128xf32, #tpu.memory_space<vmem>> -> memref<1x80x128xf32, #tpu.memory_space<vmem>>
        %dma_wait3A_339 = tpu.memref_squeeze %dma_wait3A_338 : memref<1x80x128xf32, #tpu.memory_space<vmem>> -> memref<80x128xf32, #tpu.memory_space<vmem>>
        tpu.wait_dma2 semaphore(%run_scoped3A_315 : memref<!tpu.dma_semaphore, #tpu.memory_space<semaphore_mem>>) src(%dma_wait3A_339 : memref<80x128xf32, #tpu.memory_space<vmem>>) dst(%dma_wait3A_335 : memref<80x128xf32, #tpu.memory_space<hbm>>)
        tpu.yield
      }) : () -> ()
      %mul3A_137 = arith.constant 640 : i32
      %mul3A_138 = arith.muli %arg1, %mul3A_137 : i32
      %add3A_139 = arith.constant 240 : i32
      %add3A_140 = arith.addi %mul3A_138, %add3A_139 : i32
      %dma_wait3A_141 = arith.constant 1 : i32
      %dma_wait3A_142 = arith.constant 0 : i32
      %dma_wait3A_143 = arith.constant 0 : i32
      %dma_wait3A_144 = tpu.memref_slice %arg14[%dma_wait3A_141, %dma_wait3A_142, %dma_wait3A_143] : memref<2x100x128xf32, #tpu.memory_space<vmem>> -> memref<1x80x128xf32, #tpu.memory_space<vmem>>
      %dma_wait3A_145 = tpu.memref_squeeze %dma_wait3A_144 : memref<1x80x128xf32, #tpu.memory_space<vmem>> -> memref<80x128xf32, #tpu.memory_space<vmem>>
      %dma_wait3A_146 = arith.constant 0 : i32
      %dma_wait3A_147 = tpu.memref_slice %arg22[%add3A_140, %dma_wait3A_146] : memref<10240x128xf32, #tpu.memory_space<vmem_shared>> -> memref<80x128xf32, #tpu.memory_space<vmem_shared>>
      %dma_wait3A_148 = arith.constant 0 : i32
      %dma_wait3A_149 = arith.constant 0 : i32
      %dma_wait3A_150 = tpu.memref_slice %arg14[%dma_wait3A_141, %dma_wait3A_148, %dma_wait3A_149] : memref<2x100x128xf32, #tpu.memory_space<vmem>> -> memref<1x80x128xf32, #tpu.memory_space<vmem>>
      %dma_wait3A_151 = tpu.memref_squeeze %dma_wait3A_150 : memref<1x80x128xf32, #tpu.memory_space<vmem>> -> memref<80x128xf32, #tpu.memory_space<vmem>>
      %dma_wait3A_152 = arith.constant 0 : i32
      %dma_wait3A_153 = tpu.memref_slice %arg22[%add3A_140, %dma_wait3A_152] : memref<10240x128xf32, #tpu.memory_space<vmem_shared>> -> memref<80x128xf32, #tpu.memory_space<vmem_shared>>
      tpu.wait_dma2 semaphore(%arg17 : memref<!tpu.dma_semaphore, #tpu.memory_space<semaphore_mem>>) src(%dma_wait3A_153 : memref<80x128xf32, #tpu.memory_space<vmem_shared>>) dst(%dma_wait3A_151 : memref<80x128xf32, #tpu.memory_space<vmem>>)
      %mul3A_154 = arith.constant 640 : i32
      %mul3A_155 = arith.muli %arg1, %mul3A_154 : i32
      %add3A_156 = arith.constant 320 : i32
      %add3A_157 = arith.addi %mul3A_155, %add3A_156 : i32
      %dma_start3A_158 = arith.constant 0 : i32
      %dma_start3A_159 = arith.constant 0 : i32
      %dma_start3A_160 = arith.constant 0 : i32
      %dma_start3A_161 = tpu.memref_slice %arg14[%dma_start3A_158, %dma_start3A_159, %dma_start3A_160] : memref<2x100x128xf32, #tpu.memory_space<vmem>> -> memref<1x80x128xf32, #tpu.memory_space<vmem>>
      %dma_start3A_162 = tpu.memref_squeeze %dma_start3A_161 : memref<1x80x128xf32, #tpu.memory_space<vmem>> -> memref<80x128xf32, #tpu.memory_space<vmem>>
      %dma_start3A_163 = arith.constant 0 : i32
      %dma_start3A_164 = tpu.memref_slice %arg22[%add3A_157, %dma_start3A_163] : memref<10240x128xf32, #tpu.memory_space<vmem_shared>> -> memref<80x128xf32, #tpu.memory_space<vmem_shared>>
      %dma_start3A_165 = arith.constant 0 : i32
      %dma_start3A_166 = arith.constant 0 : i32
      %dma_start3A_167 = tpu.memref_slice %arg14[%dma_start3A_158, %dma_start3A_165, %dma_start3A_166] : memref<2x100x128xf32, #tpu.memory_space<vmem>> -> memref<1x80x128xf32, #tpu.memory_space<vmem>>
      %dma_start3A_168 = tpu.memref_squeeze %dma_start3A_167 : memref<1x80x128xf32, #tpu.memory_space<vmem>> -> memref<80x128xf32, #tpu.memory_space<vmem>>
      %dma_start3A_169 = arith.constant 0 : i32
      %dma_start3A_170 = tpu.memref_slice %arg22[%add3A_157, %dma_start3A_169] : memref<10240x128xf32, #tpu.memory_space<vmem_shared>> -> memref<80x128xf32, #tpu.memory_space<vmem_shared>>
      tpu.enqueue_dma source(%dma_start3A_170 : memref<80x128xf32, #tpu.memory_space<vmem_shared>>) target(%dma_start3A_168 : memref<80x128xf32, #tpu.memory_space<vmem>>) target_semaphore(%arg17 : memref<!tpu.dma_semaphore, #tpu.memory_space<semaphore_mem>>)
      %mul3A_171 = arith.constant 640 : i32
      %mul3A_172 = arith.muli %arg1, %mul3A_171 : i32
      %add3A_173 = arith.constant 240 : i32
      %add3A_174 = arith.addi %mul3A_172, %add3A_173 : i32
      %run_scoped3A_175 = arith.constant 1 : i32
      "tpu.region"() ({
        %run_scoped3A_315 = tpu.sem_alloc : memref<!tpu.dma_semaphore, #tpu.memory_space<semaphore_mem>>
        %dma_start3A_316 = arith.constant 0 : i32
        %dma_start3A_317 = arith.constant 0 : i32
        %dma_start3A_318 = tpu.memref_slice %arg14[%run_scoped3A_175, %dma_start3A_316, %dma_start3A_317] : memref<2x100x128xf32, #tpu.memory_space<vmem>> -> memref<1x80x128xf32, #tpu.memory_space<vmem>>
        %dma_start3A_319 = tpu.memref_squeeze %dma_start3A_318 : memref<1x80x128xf32, #tpu.memory_space<vmem>> -> memref<80x128xf32, #tpu.memory_space<vmem>>
        %dma_start3A_320 = arith.constant 0 : i32
        %dma_start3A_321 = tpu.memref_slice %arg10[%add3A_174, %dma_start3A_320] : memref<10240x128xf32, #tpu.memory_space<hbm>> -> memref<80x128xf32, #tpu.memory_space<hbm>>
        %dma_start3A_322 = arith.constant 0 : i32
        %dma_start3A_323 = tpu.memref_slice %arg10[%add3A_174, %dma_start3A_322] : memref<10240x128xf32, #tpu.memory_space<hbm>> -> memref<80x128xf32, #tpu.memory_space<hbm>>
        %dma_start3A_324 = arith.constant 0 : i32
        %dma_start3A_325 = arith.constant 0 : i32
        %dma_start3A_326 = tpu.memref_slice %arg14[%run_scoped3A_175, %dma_start3A_324, %dma_start3A_325] : memref<2x100x128xf32, #tpu.memory_space<vmem>> -> memref<1x80x128xf32, #tpu.memory_space<vmem>>
        %dma_start3A_327 = tpu.memref_squeeze %dma_start3A_326 : memref<1x80x128xf32, #tpu.memory_space<vmem>> -> memref<80x128xf32, #tpu.memory_space<vmem>>
        tpu.enqueue_dma source(%dma_start3A_327 : memref<80x128xf32, #tpu.memory_space<vmem>>) target(%dma_start3A_323 : memref<80x128xf32, #tpu.memory_space<hbm>>) target_semaphore(%run_scoped3A_315 : memref<!tpu.dma_semaphore, #tpu.memory_space<semaphore_mem>>)
        %dma_wait3A_328 = arith.constant 0 : i32
        %dma_wait3A_329 = arith.constant 0 : i32
        %dma_wait3A_330 = tpu.memref_slice %arg14[%run_scoped3A_175, %dma_wait3A_328, %dma_wait3A_329] : memref<2x100x128xf32, #tpu.memory_space<vmem>> -> memref<1x80x128xf32, #tpu.memory_space<vmem>>
        %dma_wait3A_331 = tpu.memref_squeeze %dma_wait3A_330 : memref<1x80x128xf32, #tpu.memory_space<vmem>> -> memref<80x128xf32, #tpu.memory_space<vmem>>
        %dma_wait3A_332 = arith.constant 0 : i32
        %dma_wait3A_333 = tpu.memref_slice %arg10[%add3A_174, %dma_wait3A_332] : memref<10240x128xf32, #tpu.memory_space<hbm>> -> memref<80x128xf32, #tpu.memory_space<hbm>>
        %dma_wait3A_334 = arith.constant 0 : i32
        %dma_wait3A_335 = tpu.memref_slice %arg10[%add3A_174, %dma_wait3A_334] : memref<10240x128xf32, #tpu.memory_space<hbm>> -> memref<80x128xf32, #tpu.memory_space<hbm>>
        %dma_wait3A_336 = arith.constant 0 : i32
        %dma_wait3A_337 = arith.constant 0 : i32
        %dma_wait3A_338 = tpu.memref_slice %arg14[%run_scoped3A_175, %dma_wait3A_336, %dma_wait3A_337] : memref<2x100x128xf32, #tpu.memory_space<vmem>> -> memref<1x80x128xf32, #tpu.memory_space<vmem>>
        %dma_wait3A_339 = tpu.memref_squeeze %dma_wait3A_338 : memref<1x80x128xf32, #tpu.memory_space<vmem>> -> memref<80x128xf32, #tpu.memory_space<vmem>>
        tpu.wait_dma2 semaphore(%run_scoped3A_315 : memref<!tpu.dma_semaphore, #tpu.memory_space<semaphore_mem>>) src(%dma_wait3A_339 : memref<80x128xf32, #tpu.memory_space<vmem>>) dst(%dma_wait3A_335 : memref<80x128xf32, #tpu.memory_space<hbm>>)
        tpu.yield
      }) : () -> ()
      %mul3A_176 = arith.constant 640 : i32
      %mul3A_177 = arith.muli %arg1, %mul3A_176 : i32
      %add3A_178 = arith.constant 320 : i32
      %add3A_179 = arith.addi %mul3A_177, %add3A_178 : i32
      %dma_wait3A_180 = arith.constant 0 : i32
      %dma_wait3A_181 = arith.constant 0 : i32
      %dma_wait3A_182 = arith.constant 0 : i32
      %dma_wait3A_183 = tpu.memref_slice %arg14[%dma_wait3A_180, %dma_wait3A_181, %dma_wait3A_182] : memref<2x100x128xf32, #tpu.memory_space<vmem>> -> memref<1x80x128xf32, #tpu.memory_space<vmem>>
      %dma_wait3A_184 = tpu.memref_squeeze %dma_wait3A_183 : memref<1x80x128xf32, #tpu.memory_space<vmem>> -> memref<80x128xf32, #tpu.memory_space<vmem>>
      %dma_wait3A_185 = arith.constant 0 : i32
      %dma_wait3A_186 = tpu.memref_slice %arg22[%add3A_179, %dma_wait3A_185] : memref<10240x128xf32, #tpu.memory_space<vmem_shared>> -> memref<80x128xf32, #tpu.memory_space<vmem_shared>>
      %dma_wait3A_187 = arith.constant 0 : i32
      %dma_wait3A_188 = arith.constant 0 : i32
      %dma_wait3A_189 = tpu.memref_slice %arg14[%dma_wait3A_180, %dma_wait3A_187, %dma_wait3A_188] : memref<2x100x128xf32, #tpu.memory_space<vmem>> -> memref<1x80x128xf32, #tpu.memory_space<vmem>>
      %dma_wait3A_190 = tpu.memref_squeeze %dma_wait3A_189 : memref<1x80x128xf32, #tpu.memory_space<vmem>> -> memref<80x128xf32, #tpu.memory_space<vmem>>
      %dma_wait3A_191 = arith.constant 0 : i32
      %dma_wait3A_192 = tpu.memref_slice %arg22[%add3A_179, %dma_wait3A_191] : memref<10240x128xf32, #tpu.memory_space<vmem_shared>> -> memref<80x128xf32, #tpu.memory_space<vmem_shared>>
      tpu.wait_dma2 semaphore(%arg17 : memref<!tpu.dma_semaphore, #tpu.memory_space<semaphore_mem>>) src(%dma_wait3A_192 : memref<80x128xf32, #tpu.memory_space<vmem_shared>>) dst(%dma_wait3A_190 : memref<80x128xf32, #tpu.memory_space<vmem>>)
      %mul3A_193 = arith.constant 640 : i32
      %mul3A_194 = arith.muli %arg1, %mul3A_193 : i32
      %add3A_195 = arith.constant 400 : i32
      %add3A_196 = arith.addi %mul3A_194, %add3A_195 : i32
      %dma_start3A_197 = arith.constant 1 : i32
      %dma_start3A_198 = arith.constant 0 : i32
      %dma_start3A_199 = arith.constant 0 : i32
      %dma_start3A_200 = tpu.memref_slice %arg14[%dma_start3A_197, %dma_start3A_198, %dma_start3A_199] : memref<2x100x128xf32, #tpu.memory_space<vmem>> -> memref<1x80x128xf32, #tpu.memory_space<vmem>>
      %dma_start3A_201 = tpu.memref_squeeze %dma_start3A_200 : memref<1x80x128xf32, #tpu.memory_space<vmem>> -> memref<80x128xf32, #tpu.memory_space<vmem>>
      %dma_start3A_202 = arith.constant 0 : i32
      %dma_start3A_203 = tpu.memref_slice %arg22[%add3A_196, %dma_start3A_202] : memref<10240x128xf32, #tpu.memory_space<vmem_shared>> -> memref<80x128xf32, #tpu.memory_space<vmem_shared>>
      %dma_start3A_204 = arith.constant 0 : i32
      %dma_start3A_205 = arith.constant 0 : i32
      %dma_start3A_206 = tpu.memref_slice %arg14[%dma_start3A_197, %dma_start3A_204, %dma_start3A_205] : memref<2x100x128xf32, #tpu.memory_space<vmem>> -> memref<1x80x128xf32, #tpu.memory_space<vmem>>
      %dma_start3A_207 = tpu.memref_squeeze %dma_start3A_206 : memref<1x80x128xf32, #tpu.memory_space<vmem>> -> memref<80x128xf32, #tpu.memory_space<vmem>>
      %dma_start3A_208 = arith.constant 0 : i32
      %dma_start3A_209 = tpu.memref_slice %arg22[%add3A_196, %dma_start3A_208] : memref<10240x128xf32, #tpu.memory_space<vmem_shared>> -> memref<80x128xf32, #tpu.memory_space<vmem_shared>>
      tpu.enqueue_dma source(%dma_start3A_209 : memref<80x128xf32, #tpu.memory_space<vmem_shared>>) target(%dma_start3A_207 : memref<80x128xf32, #tpu.memory_space<vmem>>) target_semaphore(%arg17 : memref<!tpu.dma_semaphore, #tpu.memory_space<semaphore_mem>>)
      %mul3A_210 = arith.constant 640 : i32
      %mul3A_211 = arith.muli %arg1, %mul3A_210 : i32
      %add3A_212 = arith.constant 320 : i32
      %add3A_213 = arith.addi %mul3A_211, %add3A_212 : i32
      %run_scoped3A_214 = arith.constant 0 : i32
      "tpu.region"() ({
        %run_scoped3A_315 = tpu.sem_alloc : memref<!tpu.dma_semaphore, #tpu.memory_space<semaphore_mem>>
        %dma_start3A_316 = arith.constant 0 : i32
        %dma_start3A_317 = arith.constant 0 : i32
        %dma_start3A_318 = tpu.memref_slice %arg14[%run_scoped3A_214, %dma_start3A_316, %dma_start3A_317] : memref<2x100x128xf32, #tpu.memory_space<vmem>> -> memref<1x80x128xf32, #tpu.memory_space<vmem>>
        %dma_start3A_319 = tpu.memref_squeeze %dma_start3A_318 : memref<1x80x128xf32, #tpu.memory_space<vmem>> -> memref<80x128xf32, #tpu.memory_space<vmem>>
        %dma_start3A_320 = arith.constant 0 : i32
        %dma_start3A_321 = tpu.memref_slice %arg10[%add3A_213, %dma_start3A_320] : memref<10240x128xf32, #tpu.memory_space<hbm>> -> memref<80x128xf32, #tpu.memory_space<hbm>>
        %dma_start3A_322 = arith.constant 0 : i32
        %dma_start3A_323 = tpu.memref_slice %arg10[%add3A_213, %dma_start3A_322] : memref<10240x128xf32, #tpu.memory_space<hbm>> -> memref<80x128xf32, #tpu.memory_space<hbm>>
        %dma_start3A_324 = arith.constant 0 : i32
        %dma_start3A_325 = arith.constant 0 : i32
        %dma_start3A_326 = tpu.memref_slice %arg14[%run_scoped3A_214, %dma_start3A_324, %dma_start3A_325] : memref<2x100x128xf32, #tpu.memory_space<vmem>> -> memref<1x80x128xf32, #tpu.memory_space<vmem>>
        %dma_start3A_327 = tpu.memref_squeeze %dma_start3A_326 : memref<1x80x128xf32, #tpu.memory_space<vmem>> -> memref<80x128xf32, #tpu.memory_space<vmem>>
        tpu.enqueue_dma source(%dma_start3A_327 : memref<80x128xf32, #tpu.memory_space<vmem>>) target(%dma_start3A_323 : memref<80x128xf32, #tpu.memory_space<hbm>>) target_semaphore(%run_scoped3A_315 : memref<!tpu.dma_semaphore, #tpu.memory_space<semaphore_mem>>)
        %dma_wait3A_328 = arith.constant 0 : i32
        %dma_wait3A_329 = arith.constant 0 : i32
        %dma_wait3A_330 = tpu.memref_slice %arg14[%run_scoped3A_214, %dma_wait3A_328, %dma_wait3A_329] : memref<2x100x128xf32, #tpu.memory_space<vmem>> -> memref<1x80x128xf32, #tpu.memory_space<vmem>>
        %dma_wait3A_331 = tpu.memref_squeeze %dma_wait3A_330 : memref<1x80x128xf32, #tpu.memory_space<vmem>> -> memref<80x128xf32, #tpu.memory_space<vmem>>
        %dma_wait3A_332 = arith.constant 0 : i32
        %dma_wait3A_333 = tpu.memref_slice %arg10[%add3A_213, %dma_wait3A_332] : memref<10240x128xf32, #tpu.memory_space<hbm>> -> memref<80x128xf32, #tpu.memory_space<hbm>>
        %dma_wait3A_334 = arith.constant 0 : i32
        %dma_wait3A_335 = tpu.memref_slice %arg10[%add3A_213, %dma_wait3A_334] : memref<10240x128xf32, #tpu.memory_space<hbm>> -> memref<80x128xf32, #tpu.memory_space<hbm>>
        %dma_wait3A_336 = arith.constant 0 : i32
        %dma_wait3A_337 = arith.constant 0 : i32
        %dma_wait3A_338 = tpu.memref_slice %arg14[%run_scoped3A_214, %dma_wait3A_336, %dma_wait3A_337] : memref<2x100x128xf32, #tpu.memory_space<vmem>> -> memref<1x80x128xf32, #tpu.memory_space<vmem>>
        %dma_wait3A_339 = tpu.memref_squeeze %dma_wait3A_338 : memref<1x80x128xf32, #tpu.memory_space<vmem>> -> memref<80x128xf32, #tpu.memory_space<vmem>>
        tpu.wait_dma2 semaphore(%run_scoped3A_315 : memref<!tpu.dma_semaphore, #tpu.memory_space<semaphore_mem>>) src(%dma_wait3A_339 : memref<80x128xf32, #tpu.memory_space<vmem>>) dst(%dma_wait3A_335 : memref<80x128xf32, #tpu.memory_space<hbm>>)
        tpu.yield
      }) : () -> ()
      %mul3A_215 = arith.constant 640 : i32
      %mul3A_216 = arith.muli %arg1, %mul3A_215 : i32
      %add3A_217 = arith.constant 400 : i32
      %add3A_218 = arith.addi %mul3A_216, %add3A_217 : i32
      %dma_wait3A_219 = arith.constant 1 : i32
      %dma_wait3A_220 = arith.constant 0 : i32
      %dma_wait3A_221 = arith.constant 0 : i32
      %dma_wait3A_222 = tpu.memref_slice %arg14[%dma_wait3A_219, %dma_wait3A_220, %dma_wait3A_221] : memref<2x100x128xf32, #tpu.memory_space<vmem>> -> memref<1x80x128xf32, #tpu.memory_space<vmem>>
      %dma_wait3A_223 = tpu.memref_squeeze %dma_wait3A_222 : memref<1x80x128xf32, #tpu.memory_space<vmem>> -> memref<80x128xf32, #tpu.memory_space<vmem>>
      %dma_wait3A_224 = arith.constant 0 : i32
      %dma_wait3A_225 = tpu.memref_slice %arg22[%add3A_218, %dma_wait3A_224] : memref<10240x128xf32, #tpu.memory_space<vmem_shared>> -> memref<80x128xf32, #tpu.memory_space<vmem_shared>>
      %dma_wait3A_226 = arith.constant 0 : i32
      %dma_wait3A_227 = arith.constant 0 : i32
      %dma_wait3A_228 = tpu.memref_slice %arg14[%dma_wait3A_219, %dma_wait3A_226, %dma_wait3A_227] : memref<2x100x128xf32, #tpu.memory_space<vmem>> -> memref<1x80x128xf32, #tpu.memory_space<vmem>>
      %dma_wait3A_229 = tpu.memref_squeeze %dma_wait3A_228 : memref<1x80x128xf32, #tpu.memory_space<vmem>> -> memref<80x128xf32, #tpu.memory_space<vmem>>
      %dma_wait3A_230 = arith.constant 0 : i32
      %dma_wait3A_231 = tpu.memref_slice %arg22[%add3A_218, %dma_wait3A_230] : memref<10240x128xf32, #tpu.memory_space<vmem_shared>> -> memref<80x128xf32, #tpu.memory_space<vmem_shared>>
      tpu.wait_dma2 semaphore(%arg17 : memref<!tpu.dma_semaphore, #tpu.memory_space<semaphore_mem>>) src(%dma_wait3A_231 : memref<80x128xf32, #tpu.memory_space<vmem_shared>>) dst(%dma_wait3A_229 : memref<80x128xf32, #tpu.memory_space<vmem>>)
      %mul3A_232 = arith.constant 640 : i32
      %mul3A_233 = arith.muli %arg1, %mul3A_232 : i32
      %add3A_234 = arith.constant 480 : i32
      %add3A_235 = arith.addi %mul3A_233, %add3A_234 : i32
      %dma_start3A_236 = arith.constant 0 : i32
      %dma_start3A_237 = arith.constant 0 : i32
      %dma_start3A_238 = arith.constant 0 : i32
      %dma_start3A_239 = tpu.memref_slice %arg14[%dma_start3A_236, %dma_start3A_237, %dma_start3A_238] : memref<2x100x128xf32, #tpu.memory_space<vmem>> -> memref<1x80x128xf32, #tpu.memory_space<vmem>>
      %dma_start3A_240 = tpu.memref_squeeze %dma_start3A_239 : memref<1x80x128xf32, #tpu.memory_space<vmem>> -> memref<80x128xf32, #tpu.memory_space<vmem>>
      %dma_start3A_241 = arith.constant 0 : i32
      %dma_start3A_242 = tpu.memref_slice %arg22[%add3A_235, %dma_start3A_241] : memref<10240x128xf32, #tpu.memory_space<vmem_shared>> -> memref<80x128xf32, #tpu.memory_space<vmem_shared>>
      %dma_start3A_243 = arith.constant 0 : i32
      %dma_start3A_244 = arith.constant 0 : i32
      %dma_start3A_245 = tpu.memref_slice %arg14[%dma_start3A_236, %dma_start3A_243, %dma_start3A_244] : memref<2x100x128xf32, #tpu.memory_space<vmem>> -> memref<1x80x128xf32, #tpu.memory_space<vmem>>
      %dma_start3A_246 = tpu.memref_squeeze %dma_start3A_245 : memref<1x80x128xf32, #tpu.memory_space<vmem>> -> memref<80x128xf32, #tpu.memory_space<vmem>>
      %dma_start3A_247 = arith.constant 0 : i32
      %dma_start3A_248 = tpu.memref_slice %arg22[%add3A_235, %dma_start3A_247] : memref<10240x128xf32, #tpu.memory_space<vmem_shared>> -> memref<80x128xf32, #tpu.memory_space<vmem_shared>>
      tpu.enqueue_dma source(%dma_start3A_248 : memref<80x128xf32, #tpu.memory_space<vmem_shared>>) target(%dma_start3A_246 : memref<80x128xf32, #tpu.memory_space<vmem>>) target_semaphore(%arg17 : memref<!tpu.dma_semaphore, #tpu.memory_space<semaphore_mem>>)
      %mul3A_249 = arith.constant 640 : i32
      %mul3A_250 = arith.muli %arg1, %mul3A_249 : i32
      %add3A_251 = arith.constant 400 : i32
      %add3A_252 = arith.addi %mul3A_250, %add3A_251 : i32
      %run_scoped3A_253 = arith.constant 1 : i32
      "tpu.region"() ({
        %run_scoped3A_315 = tpu.sem_alloc : memref<!tpu.dma_semaphore, #tpu.memory_space<semaphore_mem>>
        %dma_start3A_316 = arith.constant 0 : i32
        %dma_start3A_317 = arith.constant 0 : i32
        %dma_start3A_318 = tpu.memref_slice %arg14[%run_scoped3A_253, %dma_start3A_316, %dma_start3A_317] : memref<2x100x128xf32, #tpu.memory_space<vmem>> -> memref<1x80x128xf32, #tpu.memory_space<vmem>>
        %dma_start3A_319 = tpu.memref_squeeze %dma_start3A_318 : memref<1x80x128xf32, #tpu.memory_space<vmem>> -> memref<80x128xf32, #tpu.memory_space<vmem>>
        %dma_start3A_320 = arith.constant 0 : i32
        %dma_start3A_321 = tpu.memref_slice %arg10[%add3A_252, %dma_start3A_320] : memref<10240x128xf32, #tpu.memory_space<hbm>> -> memref<80x128xf32, #tpu.memory_space<hbm>>
        %dma_start3A_322 = arith.constant 0 : i32
        %dma_start3A_323 = tpu.memref_slice %arg10[%add3A_252, %dma_start3A_322] : memref<10240x128xf32, #tpu.memory_space<hbm>> -> memref<80x128xf32, #tpu.memory_space<hbm>>
        %dma_start3A_324 = arith.constant 0 : i32
        %dma_start3A_325 = arith.constant 0 : i32
        %dma_start3A_326 = tpu.memref_slice %arg14[%run_scoped3A_253, %dma_start3A_324, %dma_start3A_325] : memref<2x100x128xf32, #tpu.memory_space<vmem>> -> memref<1x80x128xf32, #tpu.memory_space<vmem>>
        %dma_start3A_327 = tpu.memref_squeeze %dma_start3A_326 : memref<1x80x128xf32, #tpu.memory_space<vmem>> -> memref<80x128xf32, #tpu.memory_space<vmem>>
        tpu.enqueue_dma source(%dma_start3A_327 : memref<80x128xf32, #tpu.memory_space<vmem>>) target(%dma_start3A_323 : memref<80x128xf32, #tpu.memory_space<hbm>>) target_semaphore(%run_scoped3A_315 : memref<!tpu.dma_semaphore, #tpu.memory_space<semaphore_mem>>)
        %dma_wait3A_328 = arith.constant 0 : i32
        %dma_wait3A_329 = arith.constant 0 : i32
        %dma_wait3A_330 = tpu.memref_slice %arg14[%run_scoped3A_253, %dma_wait3A_328, %dma_wait3A_329] : memref<2x100x128xf32, #tpu.memory_space<vmem>> -> memref<1x80x128xf32, #tpu.memory_space<vmem>>
        %dma_wait3A_331 = tpu.memref_squeeze %dma_wait3A_330 : memref<1x80x128xf32, #tpu.memory_space<vmem>> -> memref<80x128xf32, #tpu.memory_space<vmem>>
        %dma_wait3A_332 = arith.constant 0 : i32
        %dma_wait3A_333 = tpu.memref_slice %arg10[%add3A_252, %dma_wait3A_332] : memref<10240x128xf32, #tpu.memory_space<hbm>> -> memref<80x128xf32, #tpu.memory_space<hbm>>
        %dma_wait3A_334 = arith.constant 0 : i32
        %dma_wait3A_335 = tpu.memref_slice %arg10[%add3A_252, %dma_wait3A_334] : memref<10240x128xf32, #tpu.memory_space<hbm>> -> memref<80x128xf32, #tpu.memory_space<hbm>>
        %dma_wait3A_336 = arith.constant 0 : i32
        %dma_wait3A_337 = arith.constant 0 : i32
        %dma_wait3A_338 = tpu.memref_slice %arg14[%run_scoped3A_253, %dma_wait3A_336, %dma_wait3A_337] : memref<2x100x128xf32, #tpu.memory_space<vmem>> -> memref<1x80x128xf32, #tpu.memory_space<vmem>>
        %dma_wait3A_339 = tpu.memref_squeeze %dma_wait3A_338 : memref<1x80x128xf32, #tpu.memory_space<vmem>> -> memref<80x128xf32, #tpu.memory_space<vmem>>
        tpu.wait_dma2 semaphore(%run_scoped3A_315 : memref<!tpu.dma_semaphore, #tpu.memory_space<semaphore_mem>>) src(%dma_wait3A_339 : memref<80x128xf32, #tpu.memory_space<vmem>>) dst(%dma_wait3A_335 : memref<80x128xf32, #tpu.memory_space<hbm>>)
        tpu.yield
      }) : () -> ()
      %mul3A_254 = arith.constant 640 : i32
      %mul3A_255 = arith.muli %arg1, %mul3A_254 : i32
      %add3A_256 = arith.constant 480 : i32
      %add3A_257 = arith.addi %mul3A_255, %add3A_256 : i32
      %dma_wait3A_258 = arith.constant 0 : i32
      %dma_wait3A_259 = arith.constant 0 : i32
      %dma_wait3A_260 = arith.constant 0 : i32
      %dma_wait3A_261 = tpu.memref_slice %arg14[%dma_wait3A_258, %dma_wait3A_259, %dma_wait3A_260] : memref<2x100x128xf32, #tpu.memory_space<vmem>> -> memref<1x80x128xf32, #tpu.memory_space<vmem>>
      %dma_wait3A_262 = tpu.memref_squeeze %dma_wait3A_261 : memref<1x80x128xf32, #tpu.memory_space<vmem>> -> memref<80x128xf32, #tpu.memory_space<vmem>>
      %dma_wait3A_263 = arith.constant 0 : i32
      %dma_wait3A_264 = tpu.memref_slice %arg22[%add3A_257, %dma_wait3A_263] : memref<10240x128xf32, #tpu.memory_space<vmem_shared>> -> memref<80x128xf32, #tpu.memory_space<vmem_shared>>
      %dma_wait3A_265 = arith.constant 0 : i32
      %dma_wait3A_266 = arith.constant 0 : i32
      %dma_wait3A_267 = tpu.memref_slice %arg14[%dma_wait3A_258, %dma_wait3A_265, %dma_wait3A_266] : memref<2x100x128xf32, #tpu.memory_space<vmem>> -> memref<1x80x128xf32, #tpu.memory_space<vmem>>
      %dma_wait3A_268 = tpu.memref_squeeze %dma_wait3A_267 : memref<1x80x128xf32, #tpu.memory_space<vmem>> -> memref<80x128xf32, #tpu.memory_space<vmem>>
      %dma_wait3A_269 = arith.constant 0 : i32
      %dma_wait3A_270 = tpu.memref_slice %arg22[%add3A_257, %dma_wait3A_269] : memref<10240x128xf32, #tpu.memory_space<vmem_shared>> -> memref<80x128xf32, #tpu.memory_space<vmem_shared>>
      tpu.wait_dma2 semaphore(%arg17 : memref<!tpu.dma_semaphore, #tpu.memory_space<semaphore_mem>>) src(%dma_wait3A_270 : memref<80x128xf32, #tpu.memory_space<vmem_shared>>) dst(%dma_wait3A_268 : memref<80x128xf32, #tpu.memory_space<vmem>>)
      %mul3A_271 = arith.constant 640 : i32
      %mul3A_272 = arith.muli %arg1, %mul3A_271 : i32
      %add3A_273 = arith.constant 560 : i32
      %add3A_274 = arith.addi %mul3A_272, %add3A_273 : i32
      %dma_start3A_275 = arith.constant 1 : i32
      %dma_start3A_276 = arith.constant 0 : i32
      %dma_start3A_277 = arith.constant 0 : i32
      %dma_start3A_278 = tpu.memref_slice %arg14[%dma_start3A_275, %dma_start3A_276, %dma_start3A_277] : memref<2x100x128xf32, #tpu.memory_space<vmem>> -> memref<1x80x128xf32, #tpu.memory_space<vmem>>
      %dma_start3A_279 = tpu.memref_squeeze %dma_start3A_278 : memref<1x80x128xf32, #tpu.memory_space<vmem>> -> memref<80x128xf32, #tpu.memory_space<vmem>>
      %dma_start3A_280 = arith.constant 0 : i32
      %dma_start3A_281 = tpu.memref_slice %arg22[%add3A_274, %dma_start3A_280] : memref<10240x128xf32, #tpu.memory_space<vmem_shared>> -> memref<80x128xf32, #tpu.memory_space<vmem_shared>>
      %dma_start3A_282 = arith.constant 0 : i32
      %dma_start3A_283 = arith.constant 0 : i32
      %dma_start3A_284 = tpu.memref_slice %arg14[%dma_start3A_275, %dma_start3A_282, %dma_start3A_283] : memref<2x100x128xf32, #tpu.memory_space<vmem>> -> memref<1x80x128xf32, #tpu.memory_space<vmem>>
      %dma_start3A_285 = tpu.memref_squeeze %dma_start3A_284 : memref<1x80x128xf32, #tpu.memory_space<vmem>> -> memref<80x128xf32, #tpu.memory_space<vmem>>
      %dma_start3A_286 = arith.constant 0 : i32
      %dma_start3A_287 = tpu.memref_slice %arg22[%add3A_274, %dma_start3A_286] : memref<10240x128xf32, #tpu.memory_space<vmem_shared>> -> memref<80x128xf32, #tpu.memory_space<vmem_shared>>
      tpu.enqueue_dma source(%dma_start3A_287 : memref<80x128xf32, #tpu.memory_space<vmem_shared>>) target(%dma_start3A_285 : memref<80x128xf32, #tpu.memory_space<vmem>>) target_semaphore(%arg17 : memref<!tpu.dma_semaphore, #tpu.memory_space<semaphore_mem>>)
      %mul3A_288 = arith.constant 640 : i32
      %mul3A_289 = arith.muli %arg1, %mul3A_288 : i32
      %add3A_290 = arith.constant 480 : i32
      %add3A_291 = arith.addi %mul3A_289, %add3A_290 : i32
      %run_scoped3A_292 = arith.constant 0 : i32
      "tpu.region"() ({
        %run_scoped3A_315 = tpu.sem_alloc : memref<!tpu.dma_semaphore, #tpu.memory_space<semaphore_mem>>
        %dma_start3A_316 = arith.constant 0 : i32
        %dma_start3A_317 = arith.constant 0 : i32
        %dma_start3A_318 = tpu.memref_slice %arg14[%run_scoped3A_292, %dma_start3A_316, %dma_start3A_317] : memref<2x100x128xf32, #tpu.memory_space<vmem>> -> memref<1x80x128xf32, #tpu.memory_space<vmem>>
        %dma_start3A_319 = tpu.memref_squeeze %dma_start3A_318 : memref<1x80x128xf32, #tpu.memory_space<vmem>> -> memref<80x128xf32, #tpu.memory_space<vmem>>
        %dma_start3A_320 = arith.constant 0 : i32
        %dma_start3A_321 = tpu.memref_slice %arg10[%add3A_291, %dma_start3A_320] : memref<10240x128xf32, #tpu.memory_space<hbm>> -> memref<80x128xf32, #tpu.memory_space<hbm>>
        %dma_start3A_322 = arith.constant 0 : i32
        %dma_start3A_323 = tpu.memref_slice %arg10[%add3A_291, %dma_start3A_322] : memref<10240x128xf32, #tpu.memory_space<hbm>> -> memref<80x128xf32, #tpu.memory_space<hbm>>
        %dma_start3A_324 = arith.constant 0 : i32
        %dma_start3A_325 = arith.constant 0 : i32
        %dma_start3A_326 = tpu.memref_slice %arg14[%run_scoped3A_292, %dma_start3A_324, %dma_start3A_325] : memref<2x100x128xf32, #tpu.memory_space<vmem>> -> memref<1x80x128xf32, #tpu.memory_space<vmem>>
        %dma_start3A_327 = tpu.memref_squeeze %dma_start3A_326 : memref<1x80x128xf32, #tpu.memory_space<vmem>> -> memref<80x128xf32, #tpu.memory_space<vmem>>
        tpu.enqueue_dma source(%dma_start3A_327 : memref<80x128xf32, #tpu.memory_space<vmem>>) target(%dma_start3A_323 : memref<80x128xf32, #tpu.memory_space<hbm>>) target_semaphore(%run_scoped3A_315 : memref<!tpu.dma_semaphore, #tpu.memory_space<semaphore_mem>>)
        %dma_wait3A_328 = arith.constant 0 : i32
        %dma_wait3A_329 = arith.constant 0 : i32
        %dma_wait3A_330 = tpu.memref_slice %arg14[%run_scoped3A_292, %dma_wait3A_328, %dma_wait3A_329] : memref<2x100x128xf32, #tpu.memory_space<vmem>> -> memref<1x80x128xf32, #tpu.memory_space<vmem>>
        %dma_wait3A_331 = tpu.memref_squeeze %dma_wait3A_330 : memref<1x80x128xf32, #tpu.memory_space<vmem>> -> memref<80x128xf32, #tpu.memory_space<vmem>>
        %dma_wait3A_332 = arith.constant 0 : i32
        %dma_wait3A_333 = tpu.memref_slice %arg10[%add3A_291, %dma_wait3A_332] : memref<10240x128xf32, #tpu.memory_space<hbm>> -> memref<80x128xf32, #tpu.memory_space<hbm>>
        %dma_wait3A_334 = arith.constant 0 : i32
        %dma_wait3A_335 = tpu.memref_slice %arg10[%add3A_291, %dma_wait3A_334] : memref<10240x128xf32, #tpu.memory_space<hbm>> -> memref<80x128xf32, #tpu.memory_space<hbm>>
        %dma_wait3A_336 = arith.constant 0 : i32
        %dma_wait3A_337 = arith.constant 0 : i32
        %dma_wait3A_338 = tpu.memref_slice %arg14[%run_scoped3A_292, %dma_wait3A_336, %dma_wait3A_337] : memref<2x100x128xf32, #tpu.memory_space<vmem>> -> memref<1x80x128xf32, #tpu.memory_space<vmem>>
        %dma_wait3A_339 = tpu.memref_squeeze %dma_wait3A_338 : memref<1x80x128xf32, #tpu.memory_space<vmem>> -> memref<80x128xf32, #tpu.memory_space<vmem>>
        tpu.wait_dma2 semaphore(%run_scoped3A_315 : memref<!tpu.dma_semaphore, #tpu.memory_space<semaphore_mem>>) src(%dma_wait3A_339 : memref<80x128xf32, #tpu.memory_space<vmem>>) dst(%dma_wait3A_335 : memref<80x128xf32, #tpu.memory_space<hbm>>)
        tpu.yield
      }) : () -> ()
      %mul3A_293 = arith.constant 640 : i32
      %mul3A_294 = arith.muli %arg1, %mul3A_293 : i32
      %add3A_295 = arith.constant 560 : i32
      %add3A_296 = arith.addi %mul3A_294, %add3A_295 : i32
      %dma_wait3A_297 = arith.constant 1 : i32
      %dma_wait3A_298 = arith.constant 0 : i32
      %dma_wait3A_299 = arith.constant 0 : i32
      %dma_wait3A_300 = tpu.memref_slice %arg14[%dma_wait3A_297, %dma_wait3A_298, %dma_wait3A_299] : memref<2x100x128xf32, #tpu.memory_space<vmem>> -> memref<1x80x128xf32, #tpu.memory_space<vmem>>
      %dma_wait3A_301 = tpu.memref_squeeze %dma_wait3A_300 : memref<1x80x128xf32, #tpu.memory_space<vmem>> -> memref<80x128xf32, #tpu.memory_space<vmem>>
      %dma_wait3A_302 = arith.constant 0 : i32
      %dma_wait3A_303 = tpu.memref_slice %arg22[%add3A_296, %dma_wait3A_302] : memref<10240x128xf32, #tpu.memory_space<vmem_shared>> -> memref<80x128xf32, #tpu.memory_space<vmem_shared>>
      %dma_wait3A_304 = arith.constant 0 : i32
      %dma_wait3A_305 = arith.constant 0 : i32
      %dma_wait3A_306 = tpu.memref_slice %arg14[%dma_wait3A_297, %dma_wait3A_304, %dma_wait3A_305] : memref<2x100x128xf32, #tpu.memory_space<vmem>> -> memref<1x80x128xf32, #tpu.memory_space<vmem>>
      %dma_wait3A_307 = tpu.memref_squeeze %dma_wait3A_306 : memref<1x80x128xf32, #tpu.memory_space<vmem>> -> memref<80x128xf32, #tpu.memory_space<vmem>>
      %dma_wait3A_308 = arith.constant 0 : i32
      %dma_wait3A_309 = tpu.memref_slice %arg22[%add3A_296, %dma_wait3A_308] : memref<10240x128xf32, #tpu.memory_space<vmem_shared>> -> memref<80x128xf32, #tpu.memory_space<vmem_shared>>
      tpu.wait_dma2 semaphore(%arg17 : memref<!tpu.dma_semaphore, #tpu.memory_space<semaphore_mem>>) src(%dma_wait3A_309 : memref<80x128xf32, #tpu.memory_space<vmem_shared>>) dst(%dma_wait3A_307 : memref<80x128xf32, #tpu.memory_space<vmem>>)
      %mul3A_310 = arith.constant 640 : i32
      %mul3A_311 = arith.muli %arg1, %mul3A_310 : i32
      %add3A_312 = arith.constant 560 : i32
      %add3A_313 = arith.addi %mul3A_311, %add3A_312 : i32
      %run_scoped3A_314 = arith.constant 1 : i32
      "tpu.region"() ({
        %run_scoped3A_315 = tpu.sem_alloc : memref<!tpu.dma_semaphore, #tpu.memory_space<semaphore_mem>>
        %dma_start3A_316 = arith.constant 0 : i32
        %dma_start3A_317 = arith.constant 0 : i32
        %dma_start3A_318 = tpu.memref_slice %arg14[%run_scoped3A_314, %dma_start3A_316, %dma_start3A_317] : memref<2x100x128xf32, #tpu.memory_space<vmem>> -> memref<1x80x128xf32, #tpu.memory_space<vmem>>
        %dma_start3A_319 = tpu.memref_squeeze %dma_start3A_318 : memref<1x80x128xf32, #tpu.memory_space<vmem>> -> memref<80x128xf32, #tpu.memory_space<vmem>>
        %dma_start3A_320 = arith.constant 0 : i32
        %dma_start3A_321 = tpu.memref_slice %arg10[%add3A_313, %dma_start3A_320] : memref<10240x128xf32, #tpu.memory_space<hbm>> -> memref<80x128xf32, #tpu.memory_space<hbm>>
        %dma_start3A_322 = arith.constant 0 : i32
        %dma_start3A_323 = tpu.memref_slice %arg10[%add3A_313, %dma_start3A_322] : memref<10240x128xf32, #tpu.memory_space<hbm>> -> memref<80x128xf32, #tpu.memory_space<hbm>>
        %dma_start3A_324 = arith.constant 0 : i32
        %dma_start3A_325 = arith.constant 0 : i32
        %dma_start3A_326 = tpu.memref_slice %arg14[%run_scoped3A_314, %dma_start3A_324, %dma_start3A_325] : memref<2x100x128xf32, #tpu.memory_space<vmem>> -> memref<1x80x128xf32, #tpu.memory_space<vmem>>
        %dma_start3A_327 = tpu.memref_squeeze %dma_start3A_326 : memref<1x80x128xf32, #tpu.memory_space<vmem>> -> memref<80x128xf32, #tpu.memory_space<vmem>>
        tpu.enqueue_dma source(%dma_start3A_327 : memref<80x128xf32, #tpu.memory_space<vmem>>) target(%dma_start3A_323 : memref<80x128xf32, #tpu.memory_space<hbm>>) target_semaphore(%run_scoped3A_315 : memref<!tpu.dma_semaphore, #tpu.memory_space<semaphore_mem>>)
        %dma_wait3A_328 = arith.constant 0 : i32
        %dma_wait3A_329 = arith.constant 0 : i32
        %dma_wait3A_330 = tpu.memref_slice %arg14[%run_scoped3A_314, %dma_wait3A_328, %dma_wait3A_329] : memref<2x100x128xf32, #tpu.memory_space<vmem>> -> memref<1x80x128xf32, #tpu.memory_space<vmem>>
        %dma_wait3A_331 = tpu.memref_squeeze %dma_wait3A_330 : memref<1x80x128xf32, #tpu.memory_space<vmem>> -> memref<80x128xf32, #tpu.memory_space<vmem>>
        %dma_wait3A_332 = arith.constant 0 : i32
        %dma_wait3A_333 = tpu.memref_slice %arg10[%add3A_313, %dma_wait3A_332] : memref<10240x128xf32, #tpu.memory_space<hbm>> -> memref<80x128xf32, #tpu.memory_space<hbm>>
        %dma_wait3A_334 = arith.constant 0 : i32
        %dma_wait3A_335 = tpu.memref_slice %arg10[%add3A_313, %dma_wait3A_334] : memref<10240x128xf32, #tpu.memory_space<hbm>> -> memref<80x128xf32, #tpu.memory_space<hbm>>
        %dma_wait3A_336 = arith.constant 0 : i32
        %dma_wait3A_337 = arith.constant 0 : i32
        %dma_wait3A_338 = tpu.memref_slice %arg14[%run_scoped3A_314, %dma_wait3A_336, %dma_wait3A_337] : memref<2x100x128xf32, #tpu.memory_space<vmem>> -> memref<1x80x128xf32, #tpu.memory_space<vmem>>
        %dma_wait3A_339 = tpu.memref_squeeze %dma_wait3A_338 : memref<1x80x128xf32, #tpu.memory_space<vmem>> -> memref<80x128xf32, #tpu.memory_space<vmem>>
        tpu.wait_dma2 semaphore(%run_scoped3A_315 : memref<!tpu.dma_semaphore, #tpu.memory_space<semaphore_mem>>) src(%dma_wait3A_339 : memref<80x128xf32, #tpu.memory_space<vmem>>) dst(%dma_wait3A_335 : memref<80x128xf32, #tpu.memory_space<hbm>>)
        tpu.yield
      }) : () -> ()
    } else {
    }
    return
  }
}

module attributes {stable_mosaic.version = 14 : i64} {
  func.func @_tc_root_kernel(%arg0: i32, %arg1: memref<2000x256xf32, #tpu.memory_space<vmem>>, %arg2: memref<256x256xf32, #tpu.memory_space<vmem>>, %arg3: memref<1x256xf32, #tpu.memory_space<vmem>>, %arg4: memref<2000x256xf32, #tpu.memory_space<vmem>>) attributes {dimension_semantics = [#tpu.dimension_semantics<arbitrary>], iteration_bounds = array<i64: 5>, scalar_prefetch = 0 : i64, scratch_operands = 0 : i64, tpu.core_type = #tpu.core_type<tc>, window_params = [{transform_indices = @transform_0, window_bounds = array<i64: 2000, 256>}, {pipeline_mode = #tpu.pipeline_mode<synchronous>, transform_indices = @transform_1, window_bounds = array<i64: 256, 256>}, {pipeline_mode = #tpu.pipeline_mode<synchronous>, transform_indices = @transform_2, window_bounds = array<i64: 1, 256>}, {transform_indices = @transform_3, window_bounds = array<i64: 2000, 256>}]} {
    %get3A = arith.constant 0 : index
    %get3A_0 = arith.constant 0 : index
    %get3A_1 = vector.load %arg1[%get3A, %get3A_0] : memref<2000x256xf32, #tpu.memory_space<vmem>>, vector<2000x256xf32>
    %get3A_2 = arith.constant 0 : index
    %get3A_3 = arith.constant 0 : index
    %get3A_4 = vector.load %arg2[%get3A_2, %get3A_3] : memref<256x256xf32, #tpu.memory_space<vmem>>, vector<256x256xf32>
    %dot_general3A = arith.constant dense<0.000000e+00> : vector<2000x256xf32>
    %dot_general3A_5 = tpu.matmul %get3A_1, %get3A_4, %dot_general3A {dimension_numbers = #tpu.dot_dimension_numbers<[1], [1], [0], [0], [0, 0, 1, 0], [], []>, transpose_lhs_hint = false} : vector<2000x256xf32>, vector<256x256xf32>, vector<2000x256xf32> -> vector<2000x256xf32>
    %get3A_6 = arith.constant 0 : index
    %get3A_7 = arith.constant 0 : index
    %get3A_8 = vector.load %arg3[%get3A_6, %get3A_7] : memref<1x256xf32, #tpu.memory_space<vmem>>, vector<1x256xf32>
    %add3A = vector.broadcast %get3A_8 : vector<1x256xf32> to vector<2000x256xf32>
    %add3A_9 = arith.addf %dot_general3A_5, %add3A : vector<2000x256xf32>
    %swap3A = arith.constant 0 : index
    %swap3A_10 = arith.constant 0 : index
    %swap3A_11 = vector.load %arg4[%swap3A, %swap3A_10] : memref<2000x256xf32, #tpu.memory_space<vmem>>, vector<2000x256xf32>
    tpu.vector_store %arg4[%swap3A, %swap3A_10], %add3A_9 {strides = array<i32>} : memref<2000x256xf32, #tpu.memory_space<vmem>>, vector<2000x256xf32>,
    return
  }
  func.func @transform_0(%arg0: i32) -> (i32, i32) {
    %c0_i32 = arith.constant 0 : i32
    %c0_i32_0 = arith.constant 0 : i32
    return %arg0, %c0_i32 : i32, i32
  }
  func.func @transform_1(%arg0: i32) -> (i32, i32) {
    %c0_i32 = arith.constant 0 : i32
    %c0_i32_0 = arith.constant 0 : i32
    %c0_i32_1 = arith.constant 0 : i32
    return %c0_i32, %c0_i32_0 : i32, i32
  }
  func.func @transform_2(%arg0: i32) -> (i32, i32) {
    %c0_i32 = arith.constant 0 : i32
    %c0_i32_0 = arith.constant 0 : i32
    %c0_i32_1 = arith.constant 0 : i32
    return %c0_i32, %c0_i32_0 : i32, i32
  }
  func.func @transform_3(%arg0: i32) -> (i32, i32) {
    %c0_i32 = arith.constant 0 : i32
    %c0_i32_0 = arith.constant 0 : i32
    return %arg0, %c0_i32 : i32, i32
  }
}

module attributes {stable_mosaic.version = 14 : i64} {
  func.func @_tc_combine_kernel(%arg0: i32, %arg1: memref<2000x256xf32, #tpu.memory_space<vmem>>, %arg2: memref<2000x128xf32, #tpu.memory_space<vmem>>, %arg3: memref<2000x128xf32, #tpu.memory_space<vmem>>, %arg4: memref<2000x1xf32, #tpu.memory_space<vmem>>, %arg5: memref<256x256xf32, #tpu.memory_space<vmem>>, %arg6: memref<2000x256xf32, #tpu.memory_space<vmem>>) attributes {dimension_semantics = [#tpu.dimension_semantics<arbitrary>], iteration_bounds = array<i64: 5>, scalar_prefetch = 0 : i64, scratch_operands = 0 : i64, tpu.core_type = #tpu.core_type<tc>, window_params = [{transform_indices = @transform_0, window_bounds = array<i64: 2000, 256>}, {transform_indices = @transform_1, window_bounds = array<i64: 2000, 128>}, {transform_indices = @transform_2, window_bounds = array<i64: 2000, 128>}, {transform_indices = @transform_3, window_bounds = array<i64: 2000, 1>}, {pipeline_mode = #tpu.pipeline_mode<synchronous>, transform_indices = @transform_4, window_bounds = array<i64: 256, 256>}, {transform_indices = @transform_5, window_bounds = array<i64: 2000, 256>}]} {
    %get3A = arith.constant 0 : index
    %get3A_0 = arith.constant 0 : index
    %get3A_1 = vector.load %arg2[%get3A, %get3A_0] : memref<2000x128xf32, #tpu.memory_space<vmem>>, vector<2000x128xf32>
    %get3A_2 = arith.constant 0 : index
    %get3A_3 = arith.constant 0 : index
    %get3A_4 = vector.load %arg3[%get3A_2, %get3A_3] : memref<2000x128xf32, #tpu.memory_space<vmem>>, vector<2000x128xf32>
    %concatenate3A = tpu.concatenate %get3A_1, %get3A_4 in 1 : vector<2000x128xf32>, vector<2000x128xf32> -> vector<2000x256xf32>
    %get3A_5 = arith.constant 0 : index
    %get3A_6 = arith.constant 0 : index
    %get3A_7 = vector.load %arg4[%get3A_5, %get3A_6] : memref<2000x1xf32, #tpu.memory_space<vmem>>, vector<2000x1xf32>
    %max3A = arith.constant 1.000000e+00 : f32
    %max3A_8 = vector.broadcast %max3A : f32 to vector<2000x1xf32>
    %max3A_9 = arith.maximumf %get3A_7, %max3A_8 : vector<2000x1xf32>
    %div3A = vector.broadcast %max3A_9 : vector<2000x1xf32> to vector<2000x256xf32>
    %div3A_10 = arith.divf %concatenate3A, %div3A : vector<2000x256xf32>
    %get3A_11 = arith.constant 0 : index
    %get3A_12 = arith.constant 0 : index
    %get3A_13 = vector.load %arg5[%get3A_11, %get3A_12] : memref<256x256xf32, #tpu.memory_space<vmem>>, vector<256x256xf32>
    %dot_general3A = arith.constant dense<0.000000e+00> : vector<2000x256xf32>
    %dot_general3A_14 = tpu.matmul %div3A_10, %get3A_13, %dot_general3A {dimension_numbers = #tpu.dot_dimension_numbers<[1], [1], [0], [0], [0, 0, 1, 0], [], []>, transpose_lhs_hint = false} : vector<2000x256xf32>, vector<256x256xf32>, vector<2000x256xf32> -> vector<2000x256xf32>
    %get3A_15 = arith.constant 0 : index
    %get3A_16 = arith.constant 0 : index
    %get3A_17 = vector.load %arg1[%get3A_15, %get3A_16] : memref<2000x256xf32, #tpu.memory_space<vmem>>, vector<2000x256xf32>
    %add3A = arith.addf %dot_general3A_14, %get3A_17 : vector<2000x256xf32>
    %mul3A = arith.mulf %add3A, %add3A : vector<2000x256xf32>
    %reduce_sum3A = arith.constant dense<0.000000e+00> : vector<2000xf32>
    %reduce_sum3A_18 = vector.multi_reduction <add>, %mul3A, %reduce_sum3A [1] : vector<2000x256xf32> to vector<2000xf32>
    %broadcast_in_dim3A = vector.shape_cast %reduce_sum3A_18 : vector<2000xf32> to vector<2000x1xf32>
    %sqrt3A = math.sqrt %broadcast_in_dim3A : vector<2000x1xf32>
    %max3A_19 = arith.constant 9.99999996E-13 : f32
    %max3A_20 = vector.broadcast %max3A_19 : f32 to vector<2000x1xf32>
    %max3A_21 = arith.maximumf %sqrt3A, %max3A_20 : vector<2000x1xf32>
    %div3A_22 = vector.broadcast %max3A_21 : vector<2000x1xf32> to vector<2000x256xf32>
    %div3A_23 = arith.divf %add3A, %div3A_22 : vector<2000x256xf32>
    %swap3A = arith.constant 0 : index
    %swap3A_24 = arith.constant 0 : index
    %swap3A_25 = vector.load %arg6[%swap3A, %swap3A_24] : memref<2000x256xf32, #tpu.memory_space<vmem>>, vector<2000x256xf32>
    tpu.vector_store %arg6[%swap3A, %swap3A_24], %div3A_23 {strides = array<i32>} : memref<2000x256xf32, #tpu.memory_space<vmem>>, vector<2000x256xf32>,
    return
  }
  func.func @transform_0(%arg0: i32) -> (i32, i32) {
    %c0_i32 = arith.constant 0 : i32
    %c0_i32_0 = arith.constant 0 : i32
    return %arg0, %c0_i32 : i32, i32
  }
  func.func @transform_1(%arg0: i32) -> (i32, i32) {
    %c0_i32 = arith.constant 0 : i32
    %c0_i32_0 = arith.constant 0 : i32
    return %arg0, %c0_i32 : i32, i32
  }
  func.func @transform_2(%arg0: i32) -> (i32, i32) {
    %c0_i32 = arith.constant 0 : i32
    %c0_i32_0 = arith.constant 0 : i32
    return %arg0, %c0_i32 : i32, i32
  }
  func.func @transform_3(%arg0: i32) -> (i32, i32) {
    %c0_i32 = arith.constant 0 : i32
    %c0_i32_0 = arith.constant 0 : i32
    return %arg0, %c0_i32 : i32, i32
  }
  func.func @transform_4(%arg0: i32) -> (i32, i32) {
    %c0_i32 = arith.constant 0 : i32
    %c0_i32_0 = arith.constant 0 : i32
    %c0_i32_1 = arith.constant 0 : i32
    return %c0_i32, %c0_i32_0 : i32, i32
  }
  func.func @transform_5(%arg0: i32) -> (i32, i32) {
    %c0_i32 = arith.constant 0 : i32
    %c0_i32_0 = arith.constant 0 : i32
    return %arg0, %c0_i32 : i32, i32
  }
}

</mosaic_0001>

<sc_bundles>
// kernel: kernel.5.cloned.1.call-start
scs
__scs_entry_jumppad:
0x0: {  	(pc) =	sbr.rel $0x88, $3  }
0x1: {  	(tag) =	ssettag $0x0;
	lr =	simm.s32 $0x1  }
0x2: {  	[smem:$0x3F9C] =	sst lr;
	_ =	strace $0xD0000000  }
0x3: {  	_ = 	snop  }
0x4: {  	_ = 	snop  }
0x5: {  	_ = 	snop  }
0x6: {  	_ = 	snop  }
0x7: {  	_ = 	snop  }
__scs_overlays_trampoline_lowered:
0x8: {  	[smem:$0x3FAB] =	sst s0  }
0x9: {  	[smem:$0x3FAC] =	sst s1  }
0xa: {  	[smem:$0x3FAD] =	sst s2  }
0xb: {  	[smem:$0x3FAE] =	sst s3  }
0xc: {  	[smem:$0x3FAF] =	sst s4  }
0xd: {  	[smem:$0x3FB0] =	sst s5  }
0xe: {  	[smem:$0x3FB1] =	sst s6  }
0xf: {  	[smem:$0x3FB2] =	sst s7  }
0x10: {  	[smem:$0x3FB3] =	sst s8  }
0x11: {  	[smem:$0x3FB4] =	sst s9;
	s0 =	simm.s32 @!p0 $0x0  }
0x12: {  	s1 =	sld [smem:$0x3F9A];
	s0 =	simm.s32 @p0 $0x1  }
0x13: {  	[smem:$0x3FB5] =	sst s0;
	s0 =	simm.s32 @!p1 $0x0  }
0x14: {  	s2 =	sld [smem:$0x3F99];
	s0 =	simm.s32 @p1 $0x1  }
0x15: {  	[smem:$0x3FB6] =	sst s0;
	s0 =	simm.s32 @!p2 $0x0  }
0x16: {  	s3 =	sld [smem:$0x3FDB];
	s0 =	simm.s32 @p2 $0x1  }
0x17: {  	s4 =	simm.s32 $0x1BF5;
	[smem:$0x3FB8] =	sst s0  }
0x18: {  	s0 =	sld [smem:$0x3F9B];
	_ =	swait.ge [sflag:s4], $0x0  }
0x19: {  	s7 =	sld [smem:$0x3F9C]  }
0x1a: {  	s8 =	sadd.s32 $0xFFFFE003, lr  }
0x1b: {  	s9 =	sadd.s32 $0xFFFFFEF7, lr;
	s5 =	simm.s32 $0xFFFFFFFF;
	p2 =	slt.u32 s8, $0xFFFFF086  }
0x1c: {  	p1 =	slt.u32 s9, $0xF7A;
	s5 =	simm.s32 @!p2 $0x0  }
0x1d: {  	s5 =	simm.s32 @p1 $0x1;
	p0 =	seq.s32 s7, s2  }
0x1e: {  	s7 =	smul.u32 @!p0 $0xF7A, s2;
	p2 =	seq.s32 @!p0 s5, $0x0  }
0x1f: {  	s9 =	smul.u32 $0xF7A, s1;
	s8 =	simm.s32 @!p0 $0x1BF5;
	p2 =	por !p2, p0  }
0x20: {  	[sflag:s8] =	ssyncset.s32 @!p0 $0xFFFFF086;
	s6 =	sadd.s32 @!p0 s3, s7;
	s7 =	simm.s32 @!p0 $0x108  }
0x21: {  	s3 =	sadd.s32 s3, s9;
	s6 =	sadd.s32 @!p0 $0x88, s6;
	s7 =	simm.s32 @p2 $0x1082  }
0x22: {  	[simem:s7], [sflag:s8] =	dma.local @!p0 [hbm:s6], $0xF7A  }
0x23: {  	s9 =	sor.u32 $0xD0000000, s2;
	s6 =	simm.s32 $0x108;
	_ =	swait.ge @!p0 [sflag:s8], $0x0  }
0x24: {  	s3 =	sadd.s32 $0x88, s3;
	s6 =	simm.s32 @!p1 $0x1082;
	[sflag:s4] =	ssyncset.s32 $0xFFFFF086  }
0x25: {  	[simem:s6], [sflag:s4] =	dma.local [hbm:s3], $0xF7A  }
0x26: {  	[smem:$0x3F9C] =	sst s1;
	(tag) =	ssettag s2;
	_ =	strace s9  }
0x27: {  	s1 =	sld [smem:$0x3FAC]  }
0x28: {  	s2 =	sld [smem:$0x3FAD]  }
0x29: {  	s4 =	sld [smem:$0x3FAF]  }
0x2a: {  	p0 =	seq.s32 s5, $0x0;
	s5 =	sld [smem:$0x3FB0]  }
0x2b: {  	s6 =	sld [smem:$0x3FB1]  }
0x2c: {  	s7 =	sld [smem:$0x3FB2]  }
0x2d: {  	s3 =	simm.s32 $0x108;
	s8 =	sld [smem:$0x3FB3]  }
0x2e: {  	s3 =	simm.s32 @!p0 $0x1082;
	s9 =	sld [smem:$0x3FB4]  }
0x2f: {  	lr =	sadd.s32 s0, s3;
	s0 =	sld [smem:$0x3FAB]  }
0x30: {  	s3 =	sld [smem:$0x3FAE]  }
0x31: {  	[smem:$0x3FB7] =	sst s10  }
0x32: {  	s10 =	sld [smem:$0x3FB5];
	_ =	sdelay $0x3  }
0x33: {  	p0 =	seq.s32 s10, $0x1;
	s10 =	sld [smem:$0x3FB7];
	_ =	sdelay $0x3  }
0x34: {  	[smem:$0x3FB7] =	sst s10  }
0x35: {  	s10 =	sld [smem:$0x3FB6];
	_ =	sdelay $0x3  }
0x36: {  	p1 =	seq.s32 s10, $0x1;
	s10 =	sld [smem:$0x3FB7];
	_ =	sdelay $0x3  }
0x37: {  	[smem:$0x3FB7] =	sst s10  }
0x38: {  	s10 =	sld [smem:$0x3FB8]  }
0x39: {  	_ = 	snop;
	(pc) =	sbr.ind lr, $3  }
0x3a: {  	_ = 	snop  }
0x3b: {  	_ = 	snop  }
0x3c: {  	p2 =	seq.s32 s10, $0x1;
	s10 =	sld [smem:$0x3FB7]  }
0x3d: {  	_ =	shalt  }
0x3e: {  	_ =	shalt  }
0x3f: {  	_ =	shalt  }
0x40: {  	_ =	shalt  }
0x41: {  	_ =	shalt  }
0x42: {  	_ =	shalt  }
0x43: {  	_ =	shalt  }
0x44: {  	_ =	shalt  }
0x45: {  	_ =	shalt  }
0x46: {  	_ =	shalt  }
0x47: {  	_ =	shalt  }
0x48: {  	_ =	shalt  }
0x49: {  	_ =	shalt  }
0x4a: {  	_ =	shalt  }
0x4b: {  	_ =	shalt  }
0x4c: {  	_ =	shalt  }
0x4d: {  	_ =	shalt  }
0x4e: {  	_ =	shalt  }
0x4f: {  	_ =	shalt  }
0x50: {  	_ =	shalt  }
0x51: {  	_ =	shalt  }
0x52: {  	_ =	shalt  }
0x53: {  	_ =	shalt  }
0x54: {  	_ =	shalt  }
0x55: {  	_ =	shalt  }
0x56: {  	_ =	shalt  }
0x57: {  	_ =	shalt  }
0x58: {  	_ =	shalt  }
0x59: {  	_ =	shalt  }
0x5a: {  	_ =	shalt  }
0x5b: {  	_ =	shalt  }
0x5c: {  	_ =	shalt  }
0x5d: {  	_ =	shalt  }
0x5e: {  	_ =	shalt  }
0x5f: {  	_ =	shalt  }
0x60: {  	_ =	shalt  }
0x61: {  	_ =	shalt  }
0x62: {  	_ =	shalt  }
0x63: {  	_ =	shalt  }
0x64: {  	_ =	shalt  }
0x65: {  	_ =	shalt  }
0x66: {  	_ =	shalt  }
0x67: {  	_ =	shalt  }
0x68: {  	_ =	shalt  }
0x69: {  	_ =	shalt  }
0x6a: {  	_ =	shalt  }
0x6b: {  	_ =	shalt  }
0x6c: {  	_ =	shalt  }
0x6d: {  	_ =	shalt  }
0x6e: {  	_ =	shalt  }
0x6f: {  	_ =	shalt  }
0x70: {  	_ =	shalt  }
0x71: {  	_ =	shalt  }
0x72: {  	_ =	shalt  }
0x73: {  	_ =	shalt  }
0x74: {  	_ =	shalt  }
0x75: {  	_ =	shalt  }
0x76: {  	_ =	shalt  }
0x77: {  	_ =	shalt  }
0x78: {  	_ =	shalt  }
0x79: {  	_ =	shalt  }
0x7a: {  	_ =	shalt  }
0x7b: {  	_ =	shalt  }
0x7c: {  	_ =	shalt  }
0x7d: {  	_ =	shalt  }
0x7e: {  	_ =	shalt  }
0x7f: {  	_ =	shalt  }
0x80: {  	_ =	shalt  }
0x81: {  	_ =	shalt  }
0x82: {  	_ =	shalt  }
0x83: {  	_ =	shalt  }
0x84: {  	_ =	shalt  }
0x85: {  	_ =	shalt  }
0x86: {  	_ =	shalt  }
0x87: {  	_ =	shalt  }
.Lfunc_end0:
.L_simem_size_0:
called_computation_lowered:
.L_overlay_start_0:
0x88: {  	s2 =	sld [smem:$0x3FD9]  }
0x89: {  	s3 =	sld [smem:$0x3FFE];
	_ =	sdelay $0x1  }
0x8a: {  	s1 =	srdreg.scid  }
0x8b: {  	s0 =	sand.u32 $0x1, s1  }
0x8c: {  	s17 =	sshll.u32 s0, $0xA;
	s2 =	sadd.s32 s3, s2  }
0x8d: {  	s2 =	sadd.s32 s2, s17  }
0x8e: {  	[smem:$0x3FC3] =	sst s2  }
0x8f: {  	_ = 	snop  }
0x90: {  	s2 =	sld [smem:$0x3FD0];
	(tm) =	ssettm $0x1  }
0x91: {  	s18 =	sld [smem:$0x3FFB];
	_ =	sdelay $0x3  }
0x92: {  	_ =	strace s18  }
0x93: {  	s3 =	sld [smem:$0x3FFC];
	_ =	sdelay $0x3  }
0x94: {  	_ =	strace s3  }
0x95: {  	s3 =	sld [smem:$0x3FFD];
	_ =	sdelay $0x3  }
0x96: {  	_ =	strace s3  }
0x97: {  	_ =	strace $0x8FFFFFFF  }
0x98: {  	s19 =	sld [smem:$0x3FDB];
	_ =	sdelay $0x1  }
0x99: {  	s4 =	simm.s32 $_scs_section_size  }
0x9a: {  	s5 =	simm.s32 $_size__tile_overlayer_lowered;
	s6 =	simm.s32 $_tile_overlayer_lowered  }
0x9b: {  	s22 =	simm.s32 $0x1BFF;
	s21 =	sshll.u32 s6, $0x1;
	s3 =	sadd.s32 s4, s19  }
0x9c: {  	s7 =	simm.s32 $0x0;
	s20 =	sshll.u32 s5, $0x1;
	s5 =	sadd.s32 s21, s3  }
0x9d: {  	[timem:s7], [sflag:s22] =	dma.local [hbm:s5], s20  }
0x9e: {  	_ =	swait.ge [sflag:s22], s20  }
0x9f: {  	s4 =	ssub.s32 $0x0, s20;
	[sflag:s22] =	ssyncset.done $0x0  }
0xa0: {  	[sflag:s22] =	ssyncadd.s32 s4;
	_ =	sdelay $0x1  }
0xa1: {  	s23 =	simm.s32 $0x1B8B  }
0xa2: {  	_ =	swait.ge [sflag:s23], $0x1  }
0xa3: {  	[sflag:s23] =	ssyncset.done $0x0  }
0xa4: {  	s25 =	simm.s32 $0x1B8E;
	s24 =	sld [smem:$0x3FFE];
	[sflag:s23] =	ssyncadd.s32 $0xFFFFFFFF  }
0xa5: {  	s26 =	simm.s32 $execute0_lowered;
	[smem:$0x3FD2] =	sst s25  }
0xa6: {  	s5 =	sshll.u32 s26, $0x1;
	_ =	strace $0x80000046;
	[dreg:$0x1] =	wrdreg $0xFFFFFFFF  }
0xa7: {  	s28 =	simm.s32 $_size_execute0_lowered;
	s3 =	sadd.s32 s3, s5;
	[dreg:$0x0] =	wrdreg $0x0  }
0xa8: {  	s5 =	sshll.u32 s28, $0x1;
	[dreg:$0x2] =	wrdreg s3  }
0xa9: {  	[dreg:$0x3] =	wrdreg s5  }
0xaa: {  	[dreg:$0x4] =	wrdreg $0xC0  }
0xab: {  	_ =	task [dreg:s7], $0x5FFFF  }
0xac: {  	[dreg:$0x1] =	wrdreg $0xFFFFFFFF  }
0xad: {  	[dreg:$0x0] =	wrdreg $0x60  }
0xae: {  	[dreg:$0x2] =	wrdreg s24  }
0xaf: {  	[dreg:$0x3] =	wrdreg s2  }
0xb0: {  	[dreg:$0x4] =	wrdreg $0xB8280  }
0xb1: {  	[dreg:$0x5] =	wrdreg $0x1F8280  }
0xb2: {  	[dreg:$0x6] =	wrdreg $0x9  }
0xb3: {  	_ =	task.clear_ibuf [dreg:s7], $0x7FFFF;
	_ =	strace $0x90000046  }
0xb4: {  	s29 =	simm.s32 $0x9;
	_ =	strace $0x80000048  }
0xb5: {  	_ =	swait.ge [sflag:s29], $0x1  }
0xb6: {  	[sflag:s29] =	ssyncadd.s32 $0xFFFFFFFF  }
0xb7: {  	_ =	strace $0x90000048  }
0xb8: {  	_ =	sfence  }
0xb9: {  	s30 =	sld [smem:$0x0];
	_ =	sdelay $0x2  }
0xba: {  	s31 =	sshll.u32 s1, $0xD;
	s1 =	sshrl.u32 s1, $0x2  }
0xbb: {  	s3 =	sand.u32 $0x4000, s31;
	s1 =	sadd.s32 s1, s30  }
0xbc: {  	s0 =	sor.u32 s3, s0;
	s1 =	sshll.u32 s1, $0x11  }
0xbd: {  	s0 =	sor.u32 s1, s0  }
0xbe: {  	s0 =	sadd.s32 $0x8F2B, s0  }
0xbf: {  	[sflag:s0] =	ssyncadd.remote.s32 $0x1  }
0xc0: {  	_ =	sfence.sel $0xFFFF  }
0xc1: {  	[dreg:$0x0] =	wrdreg $0xFFFFFFFF;
	(pc) =	sbr.abs _section_cstart, $3  }
0xc2: {  	[dreg:$0x1] =	wrdreg $0xFFFFFFFF  }
0xc3: {  	_ =	task.clear_ibuf [dreg:s7], $0x2FFFF;
	_ =	strace $0x9FFFFFFF  }
0xc4: {  	(tm) =	ssettm $0x7FFFFFFF  }
0xc5: {  	_ =	shalt  }
tec
execute0_lowered:
.L_overlay_start_1:
0x0: {  	(tag) =	ssettag $0x1  }
0x1: {  	s0 =	srdreg.scid;
	s2 =	rddreg [dreg:$0x0]  }
0x2: {  	s22 =	stileid.u32;
	s5 =	rddreg [dreg:$0x1];
	s0 =	sand.u32 $0x1, s0  }
0x3: {  	s1 =	simm.s32 $0x0;
	s4 =	smul.u32 $0x14000, s22;
	s3 =	ssub.s32 $0x2, s0  }
0x4: {  	[smem:$0x7FF] =	sst s1;
	s6 =	sshrl.u32 s3, $0x1  }
0x5: {  	s18 =	sshrl.u32 s4, $0x3;
	s11 =	sadd.s32 $0xA000, s4;
	s15 =	sadd.s32 $0xC800, s4  }
0x6: {  	s17 =	sadd.s32 $0xF000, s4;
	s19 =	sadd.s32 $0x11800, s4;
	s6 =	ssub.s32 s3, s6  }
0x7: {  	s3 =	sor.u32 $0x2800, s4;
	s8 =	sadd.s32 s5, s18;
	s13 =	sshrl.u32 s11, $0x3  }
0x8: {  	s25 =	sshrl.u32 s15, $0x3;
	s20 =	sshrl.u32 s17, $0x3;
	s21 =	sshrl.u32 s19, $0x3  }
0x9: {  	s7 =	sshrl.u32 s3, $0x3;
	[dreg:$0x5] =	wrdreg s8;
	s24 =	sadd.s32 s5, s13  }
0xa: {  	s8 =	sadd.s32 $0x5000, s4;
	s16 =	sadd.s32 s5, s25;
	[dreg:$0x9] =	wrdreg s24  }
0xb: {  	s26 =	sadd.s32 s5, s20;
	s9 =	sadd.s32 s5, s7;
	[dreg:$0xa] =	wrdreg s16  }
0xc: {  	s10 =	sshrl.u32 s8, $0x3;
	[dreg:$0x6] =	wrdreg s9;
	s9 =	sadd.s32 $0x7800, s4  }
0xd: {  	[dreg:$0xb] =	wrdreg s26;
	s12 =	sadd.s32 s5, s10;
	s23 =	sshrl.u32 s9, $0x3  }
0xe: {  	[dreg:$0x7] =	wrdreg s12;
	s14 =	sadd.s32 s5, s23;
	s5 =	sadd.s32 s5, s21  }
0xf: {  	[dreg:$0xc] =	wrdreg s5;
	s5 =	sadd.s32 $0x5CE00, s2  }
0x10: {  	p0 =	seq.s32 s0, $0x1;
	[dreg:$0x8] =	wrdreg s14;
	s0 =	sadd.s32 s5, s18  }
0x11: {  	s7 =	sadd.s32 s5, s7;
	[dreg:$0xd] =	wrdreg s0  }
0x12: {  	s16 =	sadd.s32 s5, s10;
	[dreg:$0xe] =	wrdreg s7  }
0x13: {  	s18 =	sadd.s32 s5, s23;
	[dreg:$0xf] =	wrdreg s16  }
0x14: {  	s23 =	sadd.s32 s5, s13;
	[dreg:$0x10] =	wrdreg s18  }
0x15: {  	[dreg:$0x11] =	wrdreg s23  }
0x16: {  	s24 =	sadd.s32 s5, s25;
	s16 =	rddreg [dreg:$0x2]  }
0x17: {  	s25 =	smul.u32 $0x280, s22;
	[dreg:$0x12] =	wrdreg s24  }
0x18: {  	s26 =	sadd.s32 s5, s20;
	s10 =	smul.u32 $0x514, s22;
	s18 =	rddreg [dreg:$0x3]  }
0x19: {  	s5 =	sadd.s32 s5, s21;
	s21 =	sadd.s32 $0x32600, s2;
	[dreg:$0x13] =	wrdreg s26  }
0x1a: {  	s22 =	sadd.s32 $0xB400, s2;
	s20 =	sadd.s32 $0x5A000, s2;
	[dreg:$0x14] =	wrdreg s5  }
0x1b: {  	s0 =	simm.s32 $0x64;
	_ =	strace $0x80000047;
	s12 =	sshrl.u32 s25, $0x3  }
0x1c: {  	s7 =	sadd.s32 s10, s2;
	[dreg:$0x15] =	wrdreg s20;
	s28 =	sadd.s32 s4, s16  }
0x1d: {  	s29 =	sadd.s32 s25, s18;
	s30 =	sadd.s32 s3, s16;
	s31 =	sadd.s32 s8, s16  }
0x1e: {  	s14 =	sadd.s32 s9, s16;
	s3 =	sadd.s32 s15, s16;
	s4 =	sadd.s32 s17, s16  }
0x1f: {  	s5 =	sadd.s32 s19, s16;
	s8 =	smax.u32 s6, $0x1;
	s9 =	simm.s32 $0x6  }
0x20: {  	s15 =	simm.s32 $0x1;
	s17 =	simm.s32 $0x2;
	s19 =	simm.s32 $0x3  }
0x21: {  	s20 =	simm.s32 $0x4;
	s13 =	sadd.s32 s12, s2;
	s2 =	sadd.s32 $0x59800, s2  }
0x22: {  	s6 =	simm.s32 $0x5;
	s23 =	sadd.s32 $0x6200, s7;
	[dreg:$0x16] =	wrdreg s2  }
.Ltmp0:
0x23: {  	s24 =	sadd.s32 $0x1000, s7;
	[dreg:$0x19] =	wrdreg s23;
	(pc) =	sbr.rel .LBB2_1-.Ltmp0, $4  }
0x24: {  	s12 =	simm.s32 $0xB540;
	s7 =	simm.s32 $0x0;
	[dreg:$0x1a] =	wrdreg s24  }
0x25: {  	s2 =	sadd.s32 s11, s16;
	s25 =	sadd.s32 $0x59A00, s13;
	s26 =	sadd.s32 $0x5C800, s13  }
0x26: {  	s11 =	simm.s32 $0x5140;
	s13 =	simm.s32 $0x8340;
	[dreg:$0x17] =	wrdreg s25  }
0x27: {  	[dreg:$0x18] =	wrdreg s26;
	s25 =	simm.s32 $0x5070;
	s26 =	simm.s32 $0x50D8  }
.LBB2_7:
0x28: {  	[tilespmem:s13], [sflag:$0x2] =	stream.indirect.gather [hbm4b:s22+s0], $0x80, s10, s0, $0xb8;
	[tilespmem:$0x1FAA8] =	vst v63  }
0x29: {  	_ =	swait.ge [sflag:s15], $0x3200  }
0x2a: {  	[sflag:s15] =	ssyncset.done $0x0  }
0x2b: {  	[sflag:s15] =	ssyncadd.s32 $0xFFFFCE00  }
0x2c: {  	[spmem:s16] =	stream.indirect.scatter.add.f32 [tilespmem:s11], [sflag:$0x3], $0x80, s25, s0, $0xb8;
	[tilespmem:$0x1FAA8] =	vst v63  }
0x2d: {  	_ =	swait.ge [sflag:s17], $0x3200  }
0x2e: {  	[sflag:s17] =	ssyncset.done $0x0  }
0x2f: {  	[sflag:s17] =	ssyncadd.s32 $0xFFFFCE00  }
0x30: {  	[spmem:s16] =	stream.indirect.scatter.add.f32 [tilespmem:s13], [sflag:$0x4], $0x80, s26, s0, $0xb8;
	[tilespmem:$0x1FAA8] =	vst v63  }
0x31: {  	_ =	swait.ge [sflag:s19], $0x3200  }
0x32: {  	[sflag:s19] =	ssyncset.done $0x0  }
0x33: {  	[sflag:s19] =	ssyncadd.s32 $0xFFFFCE00  }
0x34: {  	_ =	swait.ge [sflag:s20], $0x3200  }
0x35: {  	[sflag:s20] =	ssyncset.done $0x0  }
0x36: {  	[sflag:s20] =	ssyncadd.s32 $0xFFFFCE00  }
0x37: {  	[bflag:$0x0] =	sbarrier.arrive $0xFFFF  }
0x38: {  	[tilespmem:s11], [sflag:$0x6] =	stream.linear.gather [spmem:s28], $0x2800, $0x38;
	[tilespmem:$0x1FAA8] =	vst v63  }
0x39: {  	_ =	swait.ge [sflag:s9], $0x2800  }
0x3a: {  	[sflag:s9] =	ssyncset.done $0x0  }
0x3b: {  	[sflag:s9] =	ssyncadd.s32 $0xFFFFD800  }
0x3c: {  	[tilespmem:s13], [sflag:$0x1] =	stream.linear.gather [spmem:s30], $0x2800, $0x38;
	[tilespmem:$0x1FAA8] =	vst v63  }
0x3d: {  	s23 =	rddreg [dreg:$0xd]  }
0x3e: {  	[hbm4b:s23+s1] =	stream.linear.scatter [tilespmem:s11], [sflag:$0x6], $0x2800, $0x38;
	[tilespmem:$0x1FAA8] =	vst v63  }
0x3f: {  	_ =	swait.ge [sflag:s9], $0x2800  }
0x40: {  	[sflag:s9] =	ssyncset.done $0x0  }
0x41: {  	[sflag:s9] =	ssyncadd.s32 $0xFFFFD800  }
0x42: {  	_ =	swait.ge [sflag:s15], $0x2800  }
0x43: {  	[sflag:s15] =	ssyncset.done $0x0  }
0x44: {  	[sflag:s15] =	ssyncadd.s32 $0xFFFFD800  }
0x45: {  	[tilespmem:s11], [sflag:$0x1] =	stream.linear.gather [spmem:s31], $0x2800, $0x38;
	[tilespmem:$0x1FAA8] =	vst v63  }
0x46: {  	s24 =	rddreg [dreg:$0xe]  }
0x47: {  	[hbm4b:s24+s1] =	stream.linear.scatter [tilespmem:s13], [sflag:$0x6], $0x2800, $0x38;
	[tilespmem:$0x1FAA8] =	vst v63  }
0x48: {  	_ =	swait.ge [sflag:s9], $0x2800  }
0x49: {  	[sflag:s9] =	ssyncset.done $0x0  }
0x4a: {  	[sflag:s9] =	ssyncadd.s32 $0xFFFFD800  }
0x4b: {  	_ =	swait.ge [sflag:s15], $0x2800  }
0x4c: {  	[sflag:s15] =	ssyncset.done $0x0  }
0x4d: {  	[sflag:s15] =	ssyncadd.s32 $0xFFFFD800  }
0x4e: {  	[tilespmem:s13], [sflag:$0x1] =	stream.linear.gather [spmem:s14], $0x2800, $0x38;
	[tilespmem:$0x1FAA8] =	vst v63  }
0x4f: {  	s23 =	rddreg [dreg:$0xf]  }
0x50: {  	[hbm4b:s23+s1] =	stream.linear.scatter [tilespmem:s11], [sflag:$0x6], $0x2800, $0x38;
	[tilespmem:$0x1FAA8] =	vst v63  }
0x51: {  	_ =	swait.ge [sflag:s9], $0x2800  }
0x52: {  	[sflag:s9] =	ssyncset.done $0x0  }
0x53: {  	[sflag:s9] =	ssyncadd.s32 $0xFFFFD800  }
0x54: {  	_ =	swait.ge [sflag:s15], $0x2800  }
0x55: {  	[sflag:s15] =	ssyncset.done $0x0  }
0x56: {  	[sflag:s15] =	ssyncadd.s32 $0xFFFFD800  }
0x57: {  	[tilespmem:s11], [sflag:$0x1] =	stream.linear.gather [spmem:s2], $0x2800, $0x38;
	[tilespmem:$0x1FAA8] =	vst v63  }
0x58: {  	s24 =	rddreg [dreg:$0x10]  }
0x59: {  	[hbm4b:s24+s1] =	stream.linear.scatter [tilespmem:s13], [sflag:$0x6], $0x2800, $0x38;
	[tilespmem:$0x1FAA8] =	vst v63  }
0x5a: {  	_ =	swait.ge [sflag:s9], $0x2800  }
0x5b: {  	[sflag:s9] =	ssyncset.done $0x0  }
0x5c: {  	[sflag:s9] =	ssyncadd.s32 $0xFFFFD800  }
0x5d: {  	_ =	swait.ge [sflag:s15], $0x2800  }
0x5e: {  	[sflag:s15] =	ssyncset.done $0x0  }
0x5f: {  	[sflag:s15] =	ssyncadd.s32 $0xFFFFD800  }
0x60: {  	[tilespmem:s13], [sflag:$0x1] =	stream.linear.gather [spmem:s3], $0x2800, $0x38;
	[tilespmem:$0x1FAA8] =	vst v63  }
0x61: {  	s23 =	rddreg [dreg:$0x11]  }
0x62: {  	[hbm4b:s23+s1] =	stream.linear.scatter [tilespmem:s11], [sflag:$0x6], $0x2800, $0x38;
	[tilespmem:$0x1FAA8] =	vst v63  }
0x63: {  	_ =	swait.ge [sflag:s9], $0x2800  }
0x64: {  	[sflag:s9] =	ssyncset.done $0x0  }
0x65: {  	[sflag:s9] =	ssyncadd.s32 $0xFFFFD800  }
0x66: {  	_ =	swait.ge [sflag:s15], $0x2800  }
0x67: {  	[sflag:s15] =	ssyncset.done $0x0  }
0x68: {  	[sflag:s15] =	ssyncadd.s32 $0xFFFFD800  }
0x69: {  	[tilespmem:s11], [sflag:$0x1] =	stream.linear.gather [spmem:s4], $0x2800, $0x38;
	[tilespmem:$0x1FAA8] =	vst v63  }
0x6a: {  	s24 =	rddreg [dreg:$0x12]  }
0x6b: {  	[hbm4b:s24+s1] =	stream.linear.scatter [tilespmem:s13], [sflag:$0x6], $0x2800, $0x38;
	[tilespmem:$0x1FAA8] =	vst v63  }
0x6c: {  	_ =	swait.ge [sflag:s9], $0x2800  }
0x6d: {  	[sflag:s9] =	ssyncset.done $0x0  }
0x6e: {  	[sflag:s9] =	ssyncadd.s32 $0xFFFFD800  }
0x6f: {  	_ =	swait.ge [sflag:s15], $0x2800  }
0x70: {  	[sflag:s15] =	ssyncset.done $0x0  }
0x71: {  	[sflag:s15] =	ssyncadd.s32 $0xFFFFD800  }
0x72: {  	[tilespmem:s13], [sflag:$0x1] =	stream.linear.gather [spmem:s5], $0x2800, $0x38;
	[tilespmem:$0x1FAA8] =	vst v63  }
0x73: {  	s23 =	rddreg [dreg:$0x13]  }
0x74: {  	[hbm4b:s23+s1] =	stream.linear.scatter [tilespmem:s11], [sflag:$0x6], $0x2800, $0x38;
	[tilespmem:$0x1FAA8] =	vst v63  }
0x75: {  	_ =	swait.ge [sflag:s9], $0x2800  }
0x76: {  	[sflag:s9] =	ssyncset.done $0x0  }
0x77: {  	[sflag:s9] =	ssyncadd.s32 $0xFFFFD800  }
0x78: {  	_ =	swait.ge [sflag:s15], $0x2800  }
0x79: {  	[sflag:s15] =	ssyncset.done $0x0  }
0x7a: {  	s24 =	rddreg [dreg:$0x14];
	[sflag:s15] =	ssyncadd.s32 $0xFFFFD800  }
0x7b: {  	[hbm4b:s24+s1] =	stream.linear.scatter [tilespmem:s13], [sflag:$0x6], $0x2800, $0x38;
	[tilespmem:$0x1FAA8] =	vst v63  }
0x7c: {  	_ =	swait.ge [sflag:s9], $0x2800  }
0x7d: {  	[sflag:s9] =	ssyncset.done $0x0  }
0x7e: {  	[sflag:s9] =	ssyncadd.s32 $0xFFFFD800  }
.LBB2_8:
0x7f: {  	s7 =	sadd.s32 $0x1, s7  }
0x80: {  	p1 =	sne.s32 s7, s8  }
.Ltmp1:
0x81: {  	_ = 	snop;
	(pc) =	sbr.rel @!p1 .LBB2_9-.Ltmp1, $1  }
0x82: {  	_ =	sdelay $0x3  }
.LBB2_1:
0x83: {  	s10 =	rddreg [dreg:$0x19]  }
0x84: {  	[tilespmem:s1], [sflag:$0x6] =	stream.linear.gather [hbm4b:s10+s1], $0x28A0, $0x38;
	[tilespmem:$0x1FAA8] =	vst v63  }
0x85: {  	_ =	swait.ge [sflag:s9], $0x28A0  }
0x86: {  	[sflag:s9] =	ssyncset.done $0x0  }
0x87: {  	s24 =	simm.s32 $0x28A0;
	s23 =	rddreg [dreg:$0x1a];
	[sflag:s9] =	ssyncadd.s32 $0xFFFFD760  }
0x88: {  	[tilespmem:s24], [sflag:$0x6] =	stream.linear.gather [hbm4b:s23+s1], $0x28A0, $0x38;
	[tilespmem:$0x1FAA8] =	vst v63  }
0x89: {  	s24 =	stileid.u32  }
0x8a: {  	_ =	swait.ge [sflag:s9], $0x28A0;
	s10 =	sshll.u32 s24, $0x6  }
0x8b: {  	[sflag:s9] =	ssyncset.done $0x0;
	s24 =	sor.u32 $0x1C06, s10;
	s10 =	sshrl.u32 s28, $0x3  }
.Ltmp2:
0x8c: {  	s23 =	rddreg [dreg:$0x15];
	[sflag:s9] =	ssyncadd.s32 $0xFFFFD760;
	(pc) =	sbr.rel @!p0 .LBB2_2-.Ltmp2, $4  }
0x8d: {  	[spmem:s10], [sflag:s24] =	dma.local [hbm:s23], $0x2800  }
0x8e: {  	_ =	swait.ge [sflag:s9], $0x2800  }
0x8f: {  	[sflag:s9] =	ssyncset.done $0x0  }
0x90: {  	[sflag:s9] =	ssyncadd.s32 $0xFFFFD800  }
0x91: {  	[bflag:$0x0] =	sbarrier.arrive $0xFFFF;
	s10 =	simm.s32 $0x0  }
0x92: {  	[tilespmem:s11], [sflag:$0x1] =	stream.indirect.gather [hbm4b:s22+s0], $0x80, s10, s0, $0xb8;
	[tilespmem:$0x1FAA8] =	vst v63  }
0x93: {  	s23 =	simm.s32 $0x68  }
0x94: {  	[tilespmem:s13], [sflag:$0x2] =	stream.indirect.gather [hbm4b:s22+s0], $0x80, s23, s0, $0xb8;
	[tilespmem:$0x1FAA8] =	vst v63  }
0x95: {  	_ =	swait.ge [sflag:s15], $0x3200  }
0x96: {  	[sflag:s15] =	ssyncset.done $0x0  }
0x97: {  	s24 =	simm.s32 $0x28A0;
	[sflag:s15] =	ssyncadd.s32 $0xFFFFCE00  }
0x98: {  	[spmem:s16] =	stream.indirect.scatter.add.f32 [tilespmem:s11], [sflag:$0x3], $0x80, s24, s0, $0xb8;
	[tilespmem:$0x1FAA8] =	vst v63  }
0x99: {  	_ =	swait.ge [sflag:s17], $0x3200  }
0x9a: {  	[sflag:s17] =	ssyncset.done $0x0  }
0x9b: {  	s23 =	simm.s32 $0x2908;
	[sflag:s17] =	ssyncadd.s32 $0xFFFFCE00  }
0x9c: {  	[spmem:s16] =	stream.indirect.scatter.add.f32 [tilespmem:s13], [sflag:$0x4], $0x80, s23, s0, $0xb8;
	[tilespmem:$0x1FAA8] =	vst v63  }
0x9d: {  	_ =	swait.ge [sflag:s19], $0x3200  }
0x9e: {  	[sflag:s19] =	ssyncset.done $0x0  }
0x9f: {  	s24 =	simm.s32 $0xD0;
	[sflag:s19] =	ssyncadd.s32 $0xFFFFCE00  }
0xa0: {  	[tilespmem:s11], [sflag:$0x1] =	stream.indirect.gather [hbm4b:s22+s0], $0x80, s24, s0, $0xb8;
	[tilespmem:$0x1FAA8] =	vst v63  }
0xa1: {  	_ =	swait.ge [sflag:s20], $0x3200  }
0xa2: {  	[sflag:s20] =	ssyncset.done $0x0  }
0xa3: {  	s10 =	simm.s32 $0x138;
	s24 =	simm.s32 $0x340;
	[sflag:s20] =	ssyncadd.s32 $0xFFFFCE00  }
.LBB2_6:
0xa4: {  	[tilespmem:s13], [sflag:$0x2] =	stream.indirect.gather [hbm4b:s22+s0], $0x80, s10, s0, $0xb8;
	[tilespmem:$0x1FAA8] =	vst v63  }
0xa5: {  	s10 =	smov.u32 s24  }
0xa6: {  	p1 =	sne.s32 s24, $0x9C00;
	s24 =	sadd.s32 $0x340, s24;
	_ =	swait.ge [sflag:s15], $0x3200  }
0xa7: {  	s10 =	sshra.s32 s10, $0x2;
	[sflag:s15] =	ssyncset.done $0x0  }
0xa8: {  	s23 =	sadd.s32 $0x28A0, s10;
	[sflag:s15] =	ssyncadd.s32 $0xFFFFCE00  }
0xa9: {  	[spmem:s16] =	stream.indirect.scatter.add.f32 [tilespmem:s11], [sflag:$0x3], $0x80, s23, s0, $0xb8;
	[tilespmem:$0x1FAA8] =	vst v63  }
0xaa: {  	_ =	swait.ge [sflag:s17], $0x3200  }
0xab: {  	[sflag:s17] =	ssyncset.done $0x0  }
0xac: {  	s23 =	sadd.s32 $0x2908, s10;
	[sflag:s17] =	ssyncadd.s32 $0xFFFFCE00  }
0xad: {  	[spmem:s16] =	stream.indirect.scatter.add.f32 [tilespmem:s13], [sflag:$0x4], $0x80, s23, s0, $0xb8;
	[tilespmem:$0x1FAA8] =	vst v63  }
0xae: {  	_ =	swait.ge [sflag:s19], $0x3200  }
0xaf: {  	[sflag:s19] =	ssyncset.done $0x0  }
.Ltmp3:
0xb0: {  	s23 =	sadd.s32 $0xD0, s10;
	[sflag:s19] =	ssyncadd.s32 $0xFFFFCE00;
	(pc) =	sbr.rel @p1 .LBB2_6-.Ltmp3, $4  }
0xb1: {  	[tilespmem:s11], [sflag:$0x1] =	stream.indirect.gather [hbm4b:s22+s0], $0x80, s23, s0, $0xb8;
	[tilespmem:$0x1FAA8] =	vst v63  }
0xb2: {  	_ =	swait.ge [sflag:s20], $0x3200  }
0xb3: {  	[sflag:s20] =	ssyncset.done $0x0  }
0xb4: {  	s10 =	sadd.s32 $0x138, s10;
	[sflag:s20] =	ssyncadd.s32 $0xFFFFCE00  }
.Ltmp4:
0xb5: {  	_ = 	snop;
	(pc) =	sbr.rel .LBB2_7-.Ltmp4, $1  }
0xb6: {  	_ =	sdelay $0x3  }
.LBB2_2:
0xb7: {  	s10 =	sshrl.u32 s29, $0x3;
	s23 =	rddreg [dreg:$0x17]  }
0xb8: {  	[spmem:s10], [sflag:s24] =	dma.local [hbm:s23], $0x50  }
0xb9: {  	_ =	swait.ge [sflag:s9], $0x50  }
0xba: {  	[sflag:s9] =	ssyncset.done $0x0  }
0xbb: {  	s25 =	simm.s32 $0x0;
	s26 =	rddreg [dreg:$0x16];
	[sflag:s9] =	ssyncadd.s32 $0xFFFFFFB0  }
0xbc: {  	[tilespmem:s12], [sflag:$0x6] =	stream.linear.gather [hbm4b:s26+s25], $0x68, $0x38;
	[tilespmem:$0x1FAA8] =	vst v63  }
0xbd: {  	_ =	swait.ge [sflag:s9], $0x68  }
0xbe: {  	[sflag:s9] =	ssyncset.done $0x0  }
0xbf: {  	[sflag:s9] =	ssyncadd.s32 $0xFFFFFF98  }
0xc0: {  	[bflag:$0x0] =	sbarrier.arrive $0xFFFF  }
0xc1: {  	[tilespmem:s11], [sflag:$0x1] =	stream.indirect.gather [hbm4b:s21+s0], $0x80, s25, s0, $0xb8;
	[tilespmem:$0x1FAA8] =	vst v63  }
0xc2: {  	s23 =	simm.s32 $0x68  }
0xc3: {  	[tilespmem:s13], [sflag:$0x2] =	stream.indirect.gather [hbm4b:s21+s0], $0x80, s23, s0, $0xb8;
	[tilespmem:$0x1FAA8] =	vst v63  }
0xc4: {  	_ =	swait.ge [sflag:s15], $0x3200  }
0xc5: {  	[sflag:s15] =	ssyncset.done $0x0  }
0xc6: {  	s24 =	simm.s32 $0x28A0;
	[sflag:s15] =	ssyncadd.s32 $0xFFFFCE00  }
0xc7: {  	[spmem:s16] =	stream.indirect.scatter.add.f32 [tilespmem:s11], [sflag:$0x3], $0x80, s24, s0, $0xb8;
	[tilespmem:$0x1FAA8] =	vst v63  }
0xc8: {  	_ = 	snop  }
0xc9: {  	[spmem:s18] =	stream.indirect.scatter.add.f32 [tilespmem:s12], [sflag:$0x5], $0x1, s24, s0, $0xb8;
	[tilespmem:$0x1FAA8] =	vst v63  }
0xca: {  	_ =	swait.ge [sflag:s17], $0x3200  }
0xcb: {  	[sflag:s17] =	ssyncset.done $0x0  }
0xcc: {  	s25 =	simm.s32 $0x2908;
	[sflag:s17] =	ssyncadd.s32 $0xFFFFCE00  }
0xcd: {  	[spmem:s16] =	stream.indirect.scatter.add.f32 [tilespmem:s13], [sflag:$0x4], $0x80, s25, s0, $0xb8;
	[tilespmem:$0x1FAA8] =	vst v63  }
0xce: {  	_ = 	snop  }
0xcf: {  	[spmem:s18] =	stream.indirect.scatter.add.f32 [tilespmem:s12], [sflag:$0x5], $0x1, s25, s0, $0xb8;
	[tilespmem:$0x1FAA8] =	vst v63  }
0xd0: {  	_ =	swait.ge [sflag:s19], $0x3200  }
0xd1: {  	[sflag:s19] =	ssyncset.done $0x0  }
0xd2: {  	[sflag:s19] =	ssyncadd.s32 $0xFFFFCE00  }
0xd3: {  	_ =	swait.ge [sflag:s6], $0x64  }
0xd4: {  	[sflag:s6] =	ssyncset.done $0x0  }
0xd5: {  	s26 =	simm.s32 $0xD0;
	[sflag:s6] =	ssyncadd.s32 $0xFFFFFF9C  }
0xd6: {  	[tilespmem:s11], [sflag:$0x1] =	stream.indirect.gather [hbm4b:s21+s0], $0x80, s26, s0, $0xb8;
	[tilespmem:$0x1FAA8] =	vst v63  }
0xd7: {  	_ =	swait.ge [sflag:s20], $0x3200  }
0xd8: {  	[sflag:s20] =	ssyncset.done $0x0  }
0xd9: {  	[sflag:s20] =	ssyncadd.s32 $0xFFFFCE00  }
0xda: {  	_ =	swait.ge [sflag:s6], $0x64  }
0xdb: {  	[sflag:s6] =	ssyncset.done $0x0  }
0xdc: {  	s10 =	simm.s32 $0x138;
	s24 =	simm.s32 $0x340;
	[sflag:s6] =	ssyncadd.s32 $0xFFFFFF9C  }
.LBB2_3:
0xdd: {  	[tilespmem:s13], [sflag:$0x2] =	stream.indirect.gather [hbm4b:s21+s0], $0x80, s10, s0, $0xb8;
	[tilespmem:$0x1FAA8] =	vst v63  }
0xde: {  	s10 =	smov.u32 s24  }
0xdf: {  	p1 =	sne.s32 s24, $0x9C00;
	s24 =	sadd.s32 $0x340, s24;
	_ =	swait.ge [sflag:s15], $0x3200  }
0xe0: {  	s10 =	sshra.s32 s10, $0x2;
	[sflag:s15] =	ssyncset.done $0x0  }
0xe1: {  	s23 =	sadd.s32 $0x28A0, s10;
	[sflag:s15] =	ssyncadd.s32 $0xFFFFCE00  }
0xe2: {  	[spmem:s16] =	stream.indirect.scatter.add.f32 [tilespmem:s11], [sflag:$0x3], $0x80, s23, s0, $0xb8;
	[tilespmem:$0x1FAA8] =	vst v63  }
0xe3: {  	_ = 	snop  }
0xe4: {  	[spmem:s18] =	stream.indirect.scatter.add.f32 [tilespmem:s12], [sflag:$0x5], $0x1, s23, s0, $0xb8;
	[tilespmem:$0x1FAA8] =	vst v63  }
0xe5: {  	_ =	swait.ge [sflag:s17], $0x3200  }
0xe6: {  	[sflag:s17] =	ssyncset.done $0x0  }
0xe7: {  	s23 =	sadd.s32 $0x2908, s10;
	[sflag:s17] =	ssyncadd.s32 $0xFFFFCE00  }
0xe8: {  	[spmem:s16] =	stream.indirect.scatter.add.f32 [tilespmem:s13], [sflag:$0x4], $0x80, s23, s0, $0xb8;
	[tilespmem:$0x1FAA8] =	vst v63  }
0xe9: {  	_ = 	snop  }
0xea: {  	[spmem:s18] =	stream.indirect.scatter.add.f32 [tilespmem:s12], [sflag:$0x5], $0x1, s23, s0, $0xb8;
	[tilespmem:$0x1FAA8] =	vst v63  }
0xeb: {  	_ =	swait.ge [sflag:s19], $0x3200  }
0xec: {  	[sflag:s19] =	ssyncset.done $0x0  }
0xed: {  	[sflag:s19] =	ssyncadd.s32 $0xFFFFCE00  }
0xee: {  	_ =	swait.ge [sflag:s6], $0x64  }
0xef: {  	[sflag:s6] =	ssyncset.done $0x0  }
0xf0: {  	s23 =	sadd.s32 $0xD0, s10;
	[sflag:s6] =	ssyncadd.s32 $0xFFFFFF9C  }
0xf1: {  	[tilespmem:s11], [sflag:$0x1] =	stream.indirect.gather [hbm4b:s21+s0], $0x80, s23, s0, $0xb8;
	[tilespmem:$0x1FAA8] =	vst v63  }
0xf2: {  	_ =	swait.ge [sflag:s20], $0x3200  }
.Ltmp5:
0xf3: {  	[sflag:s20] =	ssyncset.done $0x0;
	(pc) =	sbr.rel @p1 .LBB2_3-.Ltmp5, $4  }
0xf4: {  	[sflag:s20] =	ssyncadd.s32 $0xFFFFCE00  }
0xf5: {  	_ =	swait.ge [sflag:s6], $0x64  }
0xf6: {  	[sflag:s6] =	ssyncset.done $0x0  }
0xf7: {  	s10 =	sadd.s32 $0x138, s10;
	[sflag:s6] =	ssyncadd.s32 $0xFFFFFF9C  }
0xf8: {  	[tilespmem:s13], [sflag:$0x2] =	stream.indirect.gather [hbm4b:s21+s0], $0x80, s10, s0, $0xb8;
	[tilespmem:$0x1FAA8] =	vst v63  }
0xf9: {  	_ =	swait.ge [sflag:s15], $0x3200  }
0xfa: {  	[sflag:s15] =	ssyncset.done $0x0  }
0xfb: {  	s26 =	simm.s32 $0x5070;
	[sflag:s15] =	ssyncadd.s32 $0xFFFFCE00  }
0xfc: {  	[spmem:s16] =	stream.indirect.scatter.add.f32 [tilespmem:s11], [sflag:$0x3], $0x80, s26, s0, $0xb8;
	[tilespmem:$0x1FAA8] =	vst v63  }
0xfd: {  	_ = 	snop  }
0xfe: {  	[spmem:s18] =	stream.indirect.scatter.add.f32 [tilespmem:s12], [sflag:$0x5], $0x1, s26, s0, $0xb8;
	[tilespmem:$0x1FAA8] =	vst v63  }
0xff: {  	_ =	swait.ge [sflag:s17], $0x3200  }
0x100: {  	[sflag:s17] =	ssyncset.done $0x0  }
0x101: {  	s23 =	simm.s32 $0x50D8;
	[sflag:s17] =	ssyncadd.s32 $0xFFFFCE00  }
0x102: {  	[spmem:s16] =	stream.indirect.scatter.add.f32 [tilespmem:s13], [sflag:$0x4], $0x80, s23, s0, $0xb8;
	[tilespmem:$0x1FAA8] =	vst v63  }
0x103: {  	_ = 	snop  }
0x104: {  	[spmem:s18] =	stream.indirect.scatter.add.f32 [tilespmem:s12], [sflag:$0x5], $0x1, s23, s0, $0xb8;
	[tilespmem:$0x1FAA8] =	vst v63  }
0x105: {  	_ =	swait.ge [sflag:s19], $0x3200  }
0x106: {  	[sflag:s19] =	ssyncset.done $0x0  }
0x107: {  	[sflag:s19] =	ssyncadd.s32 $0xFFFFCE00  }
0x108: {  	_ =	swait.ge [sflag:s6], $0x64  }
0x109: {  	[sflag:s6] =	ssyncset.done $0x0  }
0x10a: {  	[sflag:s6] =	ssyncadd.s32 $0xFFFFFF9C  }
0x10b: {  	_ =	swait.ge [sflag:s20], $0x3200  }
0x10c: {  	[sflag:s20] =	ssyncset.done $0x0  }
0x10d: {  	[sflag:s20] =	ssyncadd.s32 $0xFFFFCE00  }
0x10e: {  	_ =	swait.ge [sflag:s6], $0x64  }
0x10f: {  	[sflag:s6] =	ssyncset.done $0x0  }
0x110: {  	[sflag:s6] =	ssyncadd.s32 $0xFFFFFF9C  }
0x111: {  	[bflag:$0x0] =	sbarrier.arrive $0xFFFF  }
0x112: {  	[tilespmem:s11], [sflag:$0x6] =	stream.linear.gather [spmem:s28], $0x2800, $0x38;
	[tilespmem:$0x1FAA8] =	vst v63  }
0x113: {  	_ =	swait.ge [sflag:s9], $0x2800  }
0x114: {  	[sflag:s9] =	ssyncset.done $0x0  }
0x115: {  	[sflag:s9] =	ssyncadd.s32 $0xFFFFD800  }
0x116: {  	[tilespmem:s13], [sflag:$0x1] =	stream.linear.gather [spmem:s30], $0x2800, $0x38;
	[tilespmem:$0x1FAA8] =	vst v63  }
0x117: {  	s24 =	rddreg [dreg:$0x5]  }
0x118: {  	[hbm4b:s24+s1] =	stream.linear.scatter [tilespmem:s11], [sflag:$0x6], $0x2800, $0x38;
	[tilespmem:$0x1FAA8] =	vst v63  }
0x119: {  	_ =	swait.ge [sflag:s9], $0x2800  }
0x11a: {  	[sflag:s9] =	ssyncset.done $0x0  }
0x11b: {  	[sflag:s9] =	ssyncadd.s32 $0xFFFFD800  }
0x11c: {  	_ =	swait.ge [sflag:s15], $0x2800  }
0x11d: {  	[sflag:s15] =	ssyncset.done $0x0  }
0x11e: {  	[sflag:s15] =	ssyncadd.s32 $0xFFFFD800  }
0x11f: {  	[tilespmem:s11], [sflag:$0x1] =	stream.linear.gather [spmem:s31], $0x2800, $0x38;
	[tilespmem:$0x1FAA8] =	vst v63  }
0x120: {  	s23 =	rddreg [dreg:$0x6]  }
0x121: {  	[hbm4b:s23+s1] =	stream.linear.scatter [tilespmem:s13], [sflag:$0x6], $0x2800, $0x38;
	[tilespmem:$0x1FAA8] =	vst v63  }
0x122: {  	_ =	swait.ge [sflag:s9], $0x2800  }
0x123: {  	[sflag:s9] =	ssyncset.done $0x0  }
0x124: {  	[sflag:s9] =	ssyncadd.s32 $0xFFFFD800  }
0x125: {  	_ =	swait.ge [sflag:s15], $0x2800  }
0x126: {  	[sflag:s15] =	ssyncset.done $0x0  }
0x127: {  	[sflag:s15] =	ssyncadd.s32 $0xFFFFD800  }
0x128: {  	[tilespmem:s13], [sflag:$0x1] =	stream.linear.gather [spmem:s14], $0x2800, $0x38;
	[tilespmem:$0x1FAA8] =	vst v63  }
0x129: {  	s24 =	rddreg [dreg:$0x7]  }
0x12a: {  	[hbm4b:s24+s1] =	stream.linear.scatter [tilespmem:s11], [sflag:$0x6], $0x2800, $0x38;
	[tilespmem:$0x1FAA8] =	vst v63  }
0x12b: {  	_ =	swait.ge [sflag:s9], $0x2800  }
0x12c: {  	[sflag:s9] =	ssyncset.done $0x0  }
0x12d: {  	[sflag:s9] =	ssyncadd.s32 $0xFFFFD800  }
0x12e: {  	_ =	swait.ge [sflag:s15], $0x2800  }
0x12f: {  	[sflag:s15] =	ssyncset.done $0x0  }
0x130: {  	[sflag:s15] =	ssyncadd.s32 $0xFFFFD800  }
0x131: {  	[tilespmem:s11], [sflag:$0x1] =	stream.linear.gather [spmem:s2], $0x2800, $0x38;
	[tilespmem:$0x1FAA8] =	vst v63  }
0x132: {  	s23 =	rddreg [dreg:$0x8]  }
0x133: {  	[hbm4b:s23+s1] =	stream.linear.scatter [tilespmem:s13], [sflag:$0x6], $0x2800, $0x38;
	[tilespmem:$0x1FAA8] =	vst v63  }
0x134: {  	_ =	swait.ge [sflag:s9], $0x2800  }
0x135: {  	[sflag:s9] =	ssyncset.done $0x0  }
0x136: {  	[sflag:s9] =	ssyncadd.s32 $0xFFFFD800  }
0x137: {  	_ =	swait.ge [sflag:s15], $0x2800  }
0x138: {  	[sflag:s15] =	ssyncset.done $0x0  }
0x139: {  	[sflag:s15] =	ssyncadd.s32 $0xFFFFD800  }
0x13a: {  	[tilespmem:s13], [sflag:$0x1] =	stream.linear.gather [spmem:s3], $0x2800, $0x38;
	[tilespmem:$0x1FAA8] =	vst v63  }
0x13b: {  	s24 =	rddreg [dreg:$0x9]  }
0x13c: {  	[hbm4b:s24+s1] =	stream.linear.scatter [tilespmem:s11], [sflag:$0x6], $0x2800, $0x38;
	[tilespmem:$0x1FAA8] =	vst v63  }
0x13d: {  	_ =	swait.ge [sflag:s9], $0x2800  }
0x13e: {  	[sflag:s9] =	ssyncset.done $0x0  }
0x13f: {  	[sflag:s9] =	ssyncadd.s32 $0xFFFFD800  }
0x140: {  	_ =	swait.ge [sflag:s15], $0x2800  }
0x141: {  	[sflag:s15] =	ssyncset.done $0x0  }
0x142: {  	[sflag:s15] =	ssyncadd.s32 $0xFFFFD800  }
0x143: {  	[tilespmem:s11], [sflag:$0x1] =	stream.linear.gather [spmem:s4], $0x2800, $0x38;
	[tilespmem:$0x1FAA8] =	vst v63  }
0x144: {  	s23 =	rddreg [dreg:$0xa]  }
0x145: {  	[hbm4b:s23+s1] =	stream.linear.scatter [tilespmem:s13], [sflag:$0x6], $0x2800, $0x38;
	[tilespmem:$0x1FAA8] =	vst v63  }
0x146: {  	_ =	swait.ge [sflag:s9], $0x2800  }
0x147: {  	[sflag:s9] =	ssyncset.done $0x0  }
0x148: {  	[sflag:s9] =	ssyncadd.s32 $0xFFFFD800  }
0x149: {  	_ =	swait.ge [sflag:s15], $0x2800  }
0x14a: {  	[sflag:s15] =	ssyncset.done $0x0  }
0x14b: {  	[sflag:s15] =	ssyncadd.s32 $0xFFFFD800  }
0x14c: {  	[tilespmem:s13], [sflag:$0x1] =	stream.linear.gather [spmem:s5], $0x2800, $0x38;
	[tilespmem:$0x1FAA8] =	vst v63  }
0x14d: {  	s24 =	rddreg [dreg:$0xb]  }
0x14e: {  	[hbm4b:s24+s1] =	stream.linear.scatter [tilespmem:s11], [sflag:$0x6], $0x2800, $0x38;
	[tilespmem:$0x1FAA8] =	vst v63  }
0x14f: {  	_ =	swait.ge [sflag:s9], $0x2800  }
0x150: {  	[sflag:s9] =	ssyncset.done $0x0  }
0x151: {  	[sflag:s9] =	ssyncadd.s32 $0xFFFFD800  }
0x152: {  	_ =	swait.ge [sflag:s15], $0x2800  }
0x153: {  	[sflag:s15] =	ssyncset.done $0x0  }
0x154: {  	s23 =	rddreg [dreg:$0xc];
	[sflag:s15] =	ssyncadd.s32 $0xFFFFD800  }
0x155: {  	[hbm4b:s23+s1] =	stream.linear.scatter [tilespmem:s13], [sflag:$0x6], $0x2800, $0x38;
	[tilespmem:$0x1FAA8] =	vst v63  }
0x156: {  	_ =	swait.ge [sflag:s9], $0x2800  }
0x157: {  	[sflag:s9] =	ssyncset.done $0x0  }
0x158: {  	s23 =	simm.s32 $0xB5A8;
	[sflag:s9] =	ssyncadd.s32 $0xFFFFD800  }
0x159: {  	[tilespmem:s23], [sflag:$0x6] =	stream.linear.gather [spmem:s29], $0x280, $0x38;
	[tilespmem:$0x1FAA8] =	vst v63  }
0x15a: {  	_ =	swait.ge [sflag:s9], $0x280  }
0x15b: {  	[sflag:s9] =	ssyncset.done $0x0  }
.Ltmp6:
0x15c: {  	s24 =	rddreg [dreg:$0x18];
	[sflag:s9] =	ssyncadd.s32 $0xFFFFFD80;
	(pc) =	sbr.rel .LBB2_8-.Ltmp6, $4  }
0x15d: {  	[hbm4b:s24+s1] =	stream.linear.scatter [tilespmem:s23], [sflag:$0x6], $0x280, $0x38;
	[tilespmem:$0x1FAA8] =	vst v63  }
0x15e: {  	_ =	swait.ge [sflag:s9], $0x280  }
0x15f: {  	[sflag:s9] =	ssyncset.done $0x0  }
0x160: {  	s25 =	simm.s32 $0x5070;
	s26 =	simm.s32 $0x50D8;
	[sflag:s9] =	ssyncadd.s32 $0xFFFFFD80  }
.LBB2_9:
0x161: {  	_ =	sfence.sel $0x180000  }
0x162: {  	[bflag:$0x0] =	sbarrier.arrive $0xFFFF  }
0x163: {  	_ =	strace $0x90000047  }
0x164: {  	s0 =	stileid.u32;
	[bflag:$0x2] =	sbarrier.arrive $0xFFFF  }
0x165: {  	p0 =	sne.s32 s0, $0x0;
	s0 =	rddreg [dreg:$0x4]  }
0x166: {  	s0 =	sadd.s32 @!p0 $0x100000, s0  }
0x167: {  	[sflag:s0] =	ssyncadd.tile.s32 @!p0 $0x1;
	_ =	shalt  }
.Lfunc_end2:
_tile_overlayer_lowered:
.L_overlay_start_2:
0x168: {  	(tag) =	ssettag $0x2  }
0x169: {  	s0 =	rddreg [dreg:$0x0];
	s2 =	stileid.u32  }
0x16a: {  	s1 =	rddreg [dreg:$0x1];
	p0 =	sne.s32 s2, $0x0  }
0x16b: {  	s3 =	rddreg [dreg:$0x2];
	[bflag:$0x3] =	sbarrier.arrive $0xFFFF;
	s2 =	simm.s32 @!p0 $0x1C06  }
0x16c: {  	[timem:s3], [sflag:s2] =	dma.local @!p0 [hbm:s0], s1  }
0x16d: {  	s0 =	simm.s32 @!p0 $0x6  }
0x16e: {  	_ =	swait.ge @!p0 [sflag:s0], s1  }
0x16f: {  	s1 =	ssub.s32 @!p0 $0x0, s1;
	[sflag:s0] =	ssyncset.done @!p0 $0x0  }
0x170: {  	[sflag:s0] =	ssyncadd.s32 @!p0 s1  }
0x171: {  	[bflag:$0x3] =	sbarrier.arrive $0xFFFF  }
0x172: {  	_ =	shalt  }

</sc_bundles>
